<compile_context>
chip_gen: v7x
topology: tpu7x:2x2x1
jax: 0.10.2.dev20260603
libtpu: 0.0.44.dev20260713+nightly
codegen_flags: <defaults>
</compile_context>

<pallas_src>
import functools

import jax
import jax.numpy as jnp
from jax import lax
from jax.experimental import pallas as pl
from jax.experimental.pallas import tpu as pltpu
from jax.experimental.pallas import tpu_sc as plsc

N = 10000
F = 128
E = 320000
HID = 128
OUT = 2
HOP = 42
NC = 2
NS = 16
N_PAD = 10240
DUMMY = N_PAD - 1
CHUNK = 128
SUB = 1
E_PAD = 327680
RPT = N_PAD // NS
BLK = 512

_mesh = plsc.VectorSubcoreMesh(
    core_axis_name="c", subcore_axis_name="s", num_cores=NC, num_subcores=NS)


def _zero_acc(znf, acc, rbase):
    pltpu.sync_copy(znf.at[pl.ds(rbase, RPT)], acc.at[pl.ds(rbase, RPT)])


def _pipe_spmm(table, gidx, sidx, acc, ig, isx, rows, sems, ebase, nchunk):
    def load_issue(k, b):
        for j in range(SUB):
            pltpu.sync_copy(gidx.at[pl.ds(b + j * CHUNK, CHUNK)], ig[k][j])
            pltpu.sync_copy(sidx.at[pl.ds(b + j * CHUNK, CHUNK)], isx[k][j])
        for j in range(SUB):
            pltpu.async_copy(table.at[ig[k][j]], rows[k][j], sems[k])

    def wait_scatter(k):
        for j in range(SUB):
            pltpu.make_async_copy(table.at[ig[k][j]], rows[k][j],
                                  sems[k]).wait()
            pltpu.sync_copy(rows[k][j], acc.at[isx[k][j]], add=True)

    sstep = SUB * CHUNK
    load_issue(0, ebase)

    def body(c, carry):
        def step(k):
            @pl.when(c + 1 < nchunk)
            def _():
                load_issue(1 - k, ebase + (c + 1) * sstep)
            wait_scatter(k)

        @pl.when(c % 2 == 0)
        def _():
            step(0)

        @pl.when(c % 2 == 1)
        def _():
            step(1)

        return carry

    lax.fori_loop(0, nchunk, body, 0)


def _pipe_hist(sidx, hacc, ones_v, ib, sems, ebase, nchunk):
    def issue(k, b):
        pltpu.async_copy(sidx.at[pl.ds(b, CHUNK)], ib[k], sems[k])

    def wait_scatter(k, b):
        pltpu.make_async_copy(sidx.at[pl.ds(b, CHUNK)], ib[k], sems[k]).wait()
        pltpu.sync_copy(ones_v, hacc.at[ib[k]], add=True)

    issue(0, ebase)

    def body(c, carry):
        b = ebase + c * CHUNK

        def step(k):
            @pl.when(c + 1 < nchunk)
            def _():
                issue(1 - k, b + CHUNK)
            wait_scatter(k, b)

        @pl.when(c % 2 == 0)
        def _():
            step(0)

        @pl.when(c % 2 == 1)
        def _():
            step(1)

        return carry

    lax.fori_loop(0, nchunk, body, 0)


def _sc0_body(srcx, dstx, znf, onef,
              h_out,
              ib0, ib1, ones_v, hacc, semi0, semi1):
    cid = lax.axis_index("c")
    sid = lax.axis_index("s")
    rbase = sid * RPT
    _zero_acc(znf, hacc, rbase)
    pltpu.sync_copy(onef, ones_v)
    plsc.subcore_barrier()
    per_t = E_PAD // NS
    ebase = sid * per_t
    nchunk = per_t // CHUNK

    @pl.when(cid == 0)
    def _():
        _pipe_hist(srcx, hacc, ones_v, (ib0, ib1), (semi0, semi1),
                   ebase, nchunk)

    @pl.when(cid == 1)
    def _():
        _pipe_hist(dstx, hacc, ones_v, (ib0, ib1), (semi0, semi1),
                   ebase, nchunk)

    plsc.subcore_barrier()
    pltpu.sync_copy(hacc.at[pl.ds(rbase, RPT)], h_out.at[cid, pl.ds(rbase, RPT)])


def _sc1_body(table, srcx, dstx, znf,
              s1_out,
              ig0, ig1, is0, is1, r0, r1, acc, sem0, sem1):
    cid = lax.axis_index("c")
    sid = lax.axis_index("s")
    wid = sid * NC + cid
    rbase = sid * RPT
    _zero_acc(znf, acc, rbase)
    plsc.subcore_barrier()
    per_w = E_PAD // (NC * NS)
    _pipe_spmm(table, dstx, srcx, acc,
               ((ig0,), (ig1,)), ((is0,), (is1,)),
               ((r0,), (r1,)), (sem0, sem1),
               wid * per_w, per_w // (SUB * CHUNK))
    plsc.subcore_barrier()
    pltpu.sync_copy(acc.at[pl.ds(rbase, RPT)], s1_out.at[cid, pl.ds(rbase, RPT)])


def _sc2_body(t_a, t_b, srcx, dstx, znf,
              out2,
              ig0, ig1, is0, is1, r0, r1, acc, sem0, sem1):
    cid = lax.axis_index("c")
    sid = lax.axis_index("s")
    rbase = sid * RPT
    _zero_acc(znf, acc, rbase)
    plsc.subcore_barrier()
    per_t = E_PAD // NS
    ebase = sid * per_t
    nchunk = per_t // (SUB * CHUNK)
    ig = ((ig0,), (ig1,))
    isx = ((is0,), (is1,))
    rows = ((r0,), (r1,))

    @pl.when(cid == 0)
    def _():
        _pipe_spmm(t_a, dstx, srcx, acc, ig, isx, rows, (sem0, sem1),
                   ebase, nchunk)

    @pl.when(cid == 1)
    def _():
        _pipe_spmm(t_b, srcx, dstx, acc, ig, isx, rows, (sem0, sem1),
                   ebase, nchunk)

    plsc.subcore_barrier()
    pltpu.sync_copy(acc.at[pl.ds(rbase, RPT)], out2.at[cid, pl.ds(rbase, RPT)])


def _sc3_body(table, srcx, dstx, znf,
              out2,
              ig0, ig1, is0, is1, r0, r1, acc, sem0, sem1):
    cid = lax.axis_index("c")
    sid = lax.axis_index("s")
    wid = sid * NC + cid
    rbase = sid * RPT
    _zero_acc(znf, acc, rbase)
    plsc.subcore_barrier()
    per_w = E_PAD // (NC * NS)
    _pipe_spmm(table, srcx, dstx, acc,
               ((ig0,), (ig1,)), ((is0,), (is1,)),
               ((r0,), (r1,)), (sem0, sem1),
               wid * per_w, per_w // (SUB * CHUNK))
    plsc.subcore_barrier()
    pltpu.sync_copy(acc.at[pl.ds(rbase, RPT)], out2.at[cid, pl.ds(rbase, RPT)])


_f32 = jnp.float32

_sc0 = functools.partial(
    pl.kernel, _sc0_body,
    out_type=jax.ShapeDtypeStruct((NC, N_PAD, F), _f32),
    mesh=_mesh,
    scratch_types=[pltpu.VMEM((CHUNK,), jnp.int32),
                   pltpu.VMEM((CHUNK,), jnp.int32),
                   pltpu.VMEM((CHUNK, F), _f32),
                   pltpu.VMEM_SHARED((N_PAD, F), _f32),
                   pltpu.SemaphoreType.DMA,
                   pltpu.SemaphoreType.DMA],
)()

_SPMM_SCRATCH = ([pltpu.VMEM((CHUNK,), jnp.int32)] * 4
                 + [pltpu.VMEM((CHUNK, F), _f32)] * 2
                 + [pltpu.VMEM_SHARED((N_PAD, F), _f32),
                    pltpu.SemaphoreType.DMA,
                    pltpu.SemaphoreType.DMA])

_sc1 = functools.partial(
    pl.kernel, _sc1_body,
    out_type=jax.ShapeDtypeStruct((NC, N_PAD, F), _f32),
    mesh=_mesh,
    scratch_types=_SPMM_SCRATCH,
)()

_sc2 = functools.partial(
    pl.kernel, _sc2_body,
    out_type=jax.ShapeDtypeStruct((NC, N_PAD, F), _f32),
    mesh=_mesh,
    scratch_types=_SPMM_SCRATCH,
)()

_sc3 = functools.partial(
    pl.kernel, _sc3_body,
    out_type=jax.ShapeDtypeStruct((NC, N_PAD, F), _f32),
    mesh=_mesh,
    scratch_types=_SPMM_SCRATCH,
)()


def _tca_body(x_ref, fi_ref, w1_ref, xw_ref, xw1_ref):
    xw = x_ref[...] * jax.nn.sigmoid(fi_ref[...])
    xw_ref[...] = xw
    xw1_ref[...] = jnp.dot(xw, w1_ref[...], preferred_element_type=_f32)


def _tcb_body(s1_ref, h_ref, xw_ref, xw1_ref, gt_ref,
              hhop_ref, p1_ref, aux_ref):
    s1 = s1_ref[0] + s1_ref[1]
    deg_s = h_ref[0][:, 0:1]
    deg_d = h_ref[1][:, 0:1]
    dsinv = 1.0 / jnp.maximum(deg_s, 1.0)
    mean_nb = s1 * dsinv
    xw = xw_ref[...]
    nx = jnp.sqrt(jnp.sum(xw * xw, axis=1, keepdims=True))
    nm = jnp.sqrt(jnp.sum(mean_nb * mean_nb, axis=1, keepdims=True))
    dot = jnp.sum(xw * mean_nb, axis=1, keepdims=True)
    sim = dot / (jnp.maximum(nx, 1e-12) * jnp.maximum(nm, 1e-12))
    sim = jnp.where(deg_s > 0, sim, 1.0)
    delta = jax.nn.sigmoid(deg_s * (1.0 - sim) / 10.0 - 0.5)
    gate = jax.nn.sigmoid((delta - 0.5) * gt_ref[0, 0] * 10.0)
    dinv = lax.rsqrt(deg_d + 1.0)
    dinv2 = dinv * dinv
    hhop_ref[...] = mean_nb
    p1_ref[...] = dinv * xw1_ref[...]
    lane = lax.broadcasted_iota(jnp.int32, s1.shape, 1)
    aux = jnp.where(lane == 0, gate,
                    jnp.where(lane == 1, dinv,
                              jnp.where(lane == 2, dinv2, dsinv)))
    aux_ref[...] = aux


def _tcc_body(c1_ref, xw1_ref, aux_ref, w2_ref, b1_ref, p2_ref, g1_ref):
    dinv = aux_ref[:, 1:2]
    dinv2 = aux_ref[:, 2:3]
    h1 = jax.nn.relu(dinv * c1_ref[0] + dinv2 * xw1_ref[...] + b1_ref[...])
    g1 = jnp.dot(h1, w2_ref[...], preferred_element_type=_f32)
    g1_ref[...] = g1
    p2_ref[...] = dinv * g1


def _tcd_body(c2_ref, g1_ref, hhop_ref, xw_ref, s2_ref, aux_ref,
              wep_ref, wh0_ref, wh1_ref, bhigh_ref, b2_ref,
              bng_ref, bnb_ref, wcp_ref, bcp_ref, out_ref):
    gate = aux_ref[:, 0:1]
    dinv = aux_ref[:, 1:2]
    dinv2 = aux_ref[:, 2:3]
    dsinv = aux_ref[:, 3:4]
    h_low = dinv * (c2_ref[0] + c2_ref[1]) + dinv2 * g1_ref[...] + b2_ref[...]
    hop2 = s2_ref[0] * dsinv
    h_high = jax.nn.relu(
        jnp.dot(xw_ref[...], wep_ref[...], preferred_element_type=_f32)
        + jnp.dot(hhop_ref[...], wh0_ref[...], preferred_element_type=_f32)
        + jnp.dot(hop2, wh1_ref[...], preferred_element_type=_f32)
        + bhigh_ref[...])
    h = (1.0 - gate) * h_low + gate * h_high
    h = (h / jnp.sqrt(1.0 + 1e-5)) * bng_ref[...] + bnb_ref[...]
    out_ref[...] = jnp.dot(h, wcp_ref[...], preferred_element_type=_f32) + bcp_ref[...]


_GRID = (N_PAD // BLK,)


def _row_spec(w=F):
    return pl.BlockSpec((BLK, w), lambda i: (i, 0))


def _full_spec(shape):
    nd = len(shape)
    return pl.BlockSpec(shape, lambda i: (0,) * nd)


def _part_spec(w=F):
    return pl.BlockSpec((1, BLK, w), lambda i: (0, i, 0))


def _part2_spec(w=F):
    return pl.BlockSpec((2, BLK, w), lambda i: (0, i, 0))


def _slot_spec(slot, w=F):
    return pl.BlockSpec((1, BLK, w), lambda i: (slot, i, 0))


_tca = pl.pallas_call(
    _tca_body, grid=_GRID,
    in_specs=[_row_spec(), _full_spec((1, F)), _full_spec((F, HID))],
    out_specs=[_row_spec(), _row_spec()],
    out_shape=[jax.ShapeDtypeStruct((N_PAD, F), _f32),
               jax.ShapeDtypeStruct((N_PAD, HID), _f32)],
)

_tcb = pl.pallas_call(
    _tcb_body, grid=_GRID,
    in_specs=[_part2_spec(), _part2_spec(),
              _row_spec(), _row_spec(), _full_spec((1, 1))],
    out_specs=[_row_spec(), _row_spec(), _row_spec()],
    out_shape=[jax.ShapeDtypeStruct((N_PAD, F), _f32),
               jax.ShapeDtypeStruct((N_PAD, HID), _f32),
               jax.ShapeDtypeStruct((N_PAD, F), _f32)],
)

_tcc = pl.pallas_call(
    _tcc_body, grid=_GRID,
    in_specs=[_slot_spec(1), _row_spec(), _row_spec(),
              _full_spec((HID, HID)), _full_spec((1, HID))],
    out_specs=[_row_spec(), _row_spec()],
    out_shape=[jax.ShapeDtypeStruct((N_PAD, HID), _f32),
               jax.ShapeDtypeStruct((N_PAD, HID), _f32)],
)

_tcd = pl.pallas_call(
    _tcd_body, grid=_GRID,
    in_specs=[_part2_spec(), _row_spec(), _row_spec(), _row_spec(),
              _slot_spec(0), _row_spec(),
              _full_spec((F, HID)), _full_spec((F, HID)), _full_spec((F, HID)),
              _full_spec((1, HID)), _full_spec((1, HID)),
              _full_spec((1, HID)), _full_spec((1, HID)),
              _full_spec((HID, HID)), _full_spec((1, HID))],
    out_specs=_row_spec(),
    out_shape=jax.ShapeDtypeStruct((N_PAD, HID), _f32),
)


def kernel(x, edge_index, fi, w1, b1, w2, b2, we, be, wh0, bh0, wh1, bh1,
           bn_gamma, bn_beta, wc, bc, gate_temp):
    src = edge_index[0]
    dst = edge_index[1]
    pad_idx = N + jnp.arange(E_PAD, dtype=jnp.int32) % (N_PAD - N)
    src_p = pad_idx.at[:E].set(src)
    dst_p = pad_idx.at[:E].set(dst)
    x_p = jnp.zeros((N_PAD, F), _f32).at[:N].set(x)
    znf = jnp.zeros((N_PAD, F), _f32)
    onef = jnp.ones((CHUNK, F), _f32)

    wep = jnp.zeros((F, HID), _f32).at[:, :HOP].set(we)
    wh0p = jnp.zeros((F, HID), _f32).at[:, HOP:2 * HOP].set(wh0)
    wh1p = jnp.zeros((F, HID), _f32).at[:, 2 * HOP:].set(wh1)
    bhigh = jnp.concatenate([be, bh0, bh1]).reshape(1, HID)
    wcp = jnp.zeros((HID, HID), _f32).at[:, :OUT].set(wc)
    bcp = jnp.zeros((HID,), _f32).at[:OUT].set(bc).reshape(1, HID)

    hist = _sc0(src_p, dst_p, znf, onef)
    xw, xw1 = _tca(x_p, fi.reshape(1, F), w1)
    s1p = _sc1(xw, src_p, dst_p, znf)
    hhop, p1, aux = _tcb(s1p, hist, xw, xw1,
                         gate_temp.reshape(1, 1).astype(_f32))
    out2 = _sc2(hhop, p1, src_p, dst_p, znf)
    p2, g1 = _tcc(out2, xw1, aux, w2, b1.reshape(1, HID))
    c2p = _sc3(p2, src_p, dst_p, znf)
    final = _tcd(c2p, g1, hhop, xw, out2, aux, wep, wh0p, wh1p, bhigh,
                 b2.reshape(1, HID), bn_gamma.reshape(1, HID),
                 bn_beta.reshape(1, HID), wcp, bcp)
    return final[:N, :OUT]

# --- scband reference (transcript-rebuilt; emitter-appended) ---
"""Pipeline reference for scband-daaav3-24481313587850 (READ-ONLY COPY).

The authoritative reference and input builder live on the scoring server;
editing this copy changes nothing except your own understanding.
"""

import jax, jax.numpy as jnp
import numpy as np

N = 10000
F_DIM = 128
E = 320000
HID = 128
OUT = 2
NUM_HOPS = 2
HOP_DIM = HID // (NUM_HOPS + 1)
LAST_HOP = HID - HOP_DIM * NUM_HOPS


def setup_inputs(seed: int = 0):
    key = jax.random.key(seed)
    ks = jax.random.split(key, 20)
    x = jax.random.normal(ks[0], (N, F_DIM), dtype=jnp.float32)
    edge_index = jax.random.randint(ks[1], (2, E), 0, N, dtype=jnp.int32)
    fi = jnp.ones((F_DIM,), dtype=jnp.float32)
    w1 = jax.random.normal(ks[2], (F_DIM, HID), dtype=jnp.float32) * 0.05
    b1 = jnp.zeros((HID,), dtype=jnp.float32)
    w2 = jax.random.normal(ks[3], (HID, HID), dtype=jnp.float32) * 0.05
    b2 = jnp.zeros((HID,), dtype=jnp.float32)
    we = jax.random.normal(ks[4], (F_DIM, HOP_DIM), dtype=jnp.float32) * 0.05
    be = jnp.zeros((HOP_DIM,), dtype=jnp.float32)
    wh0 = jax.random.normal(ks[5], (F_DIM, HOP_DIM), dtype=jnp.float32) * 0.05
    bh0 = jnp.zeros((HOP_DIM,), dtype=jnp.float32)
    wh1 = jax.random.normal(ks[6], (F_DIM, LAST_HOP), dtype=jnp.float32) * 0.05
    bh1 = jnp.zeros((LAST_HOP,), dtype=jnp.float32)
    bn_gamma = jnp.ones((HID,), dtype=jnp.float32)
    bn_beta = jnp.zeros((HID,), dtype=jnp.float32)
    wc = jax.random.normal(ks[7], (HID, OUT), dtype=jnp.float32) * 0.05
    bc = jnp.zeros((OUT,), dtype=jnp.float32)
    gate_temp = jnp.array(1.0, dtype=jnp.float32)
    return {"x": x, "edge_index": edge_index, "fi": fi, "w1": w1, "b1": b1, "w2": w2, "b2": b2,
            "we": we, "be": be, "wh0": wh0, "bh0": bh0, "wh1": wh1, "bh1": bh1,
            "bn_gamma": bn_gamma, "bn_beta": bn_beta, "wc": wc, "bc": bc, "gate_temp": gate_temp}


def _gcn_conv(x, src, dst, W, b, n):
    loop = jnp.arange(n, dtype=src.dtype)
    s = jnp.concatenate([src, loop])
    d = jnp.concatenate([dst, loop])
    deg = jax.ops.segment_sum(jnp.ones((s.shape[0],), dtype=x.dtype), d, num_segments=n)
    dinv = jnp.where(deg > 0, deg ** -0.5, 0.0)
    xw = x @ W
    coef = dinv[s] * dinv[d]
    msg = xw[s] * coef[:, None]
    return jax.ops.segment_sum(msg, d, num_segments=n) + b


def reference(x, edge_index, fi, w1, b1, w2, b2, we, be, wh0, bh0, wh1, bh1, bn_gamma, bn_beta, wc, bc, gate_temp):
    n = x.shape[0]
    src = edge_index[0]
    dst = edge_index[1]
    xw = x * jax.nn.sigmoid(fi)
    # DilutionComputer
    deg = jax.ops.segment_sum(jnp.ones((src.shape[0],), dtype=x.dtype), src, num_segments=n)
    deg_safe = jnp.clip(deg, 1.0, None)
    nsum = jax.ops.segment_sum(xw[dst], src, num_segments=n)
    mean_nb = nsum / deg_safe[:, None]
    xn = xw / jnp.maximum(jnp.linalg.norm(xw, axis=1, keepdims=True), 1e-12)
    mn = mean_nb / jnp.maximum(jnp.linalg.norm(mean_nb, axis=1, keepdims=True), 1e-12)
    sim = jnp.sum(xn * mn, axis=1)
    sim = jnp.where(deg > 0, sim, jnp.ones_like(sim))
    delta = deg * (1.0 - sim)
    delta = jax.nn.sigmoid(delta / 10.0 - 0.5)
    # low path: two GCN convs (eval mode: dropout is identity)
    h_low = jax.nn.relu(_gcn_conv(xw, src, dst, w1, b1, n))
    h_low = _gcn_conv(h_low, src, dst, w2, b2, n)
    # high path: H2GCN-style hop aggregation
    h_ego = xw @ we + be
    reps = [h_ego]
    h_hop = xw
    h_hop = jax.ops.segment_sum(h_hop[dst], src, num_segments=n) / deg_safe[:, None]
    reps.append(h_hop @ wh0 + bh0)
    h_hop = jax.ops.segment_sum(h_hop[dst], src, num_segments=n) / deg_safe[:, None]
    reps.append(h_hop @ wh1 + bh1)
    h_high = jax.nn.relu(jnp.concatenate(reps, axis=1))
    gate = jax.nn.sigmoid((delta - 0.5) * gate_temp * 10.0)[:, None]
    h = (1.0 - gate) * h_low + gate * h_high
    # BatchNorm1d in eval mode with running_mean=0, running_var=1
    h = (h / jnp.sqrt(1.0 + 1e-5)) * bn_gamma + bn_beta
    out = h @ wc + bc
    return out

if __name__ == "__main__":
    import jax
    _d = setup_inputs()
    print(jax.jit(kernel)(*tuple(_d.values())))

</pallas_src>

<mosaic_0001>
#map = affine_map<(d0, d1) -> (0, 0)>
#map1 = affine_map<(d0, d1) -> (0)>
#map2 = affine_map<(d0, d1) -> (0, 0, 0)>
module attributes {stable_mosaic.version = 14 : i64} {
  func.func @_sc1_body(%arg0: i32, %arg1: i32, %arg2: memref<10240x128xf32, #tpu.memory_space<hbm>>, %arg3: memref<327680xi32, #tpu.memory_space<hbm>>, %arg4: memref<327680xi32, #tpu.memory_space<hbm>>, %arg5: memref<10240x128xf32, #tpu.memory_space<hbm>>, %arg6: memref<2x10240x128xf32, #tpu.memory_space<hbm>>, %arg7: memref<128xi32, #tpu.memory_space<vmem>>, %arg8: memref<128xi32, #tpu.memory_space<vmem>>, %arg9: memref<128xi32, #tpu.memory_space<vmem>>, %arg10: memref<128xi32, #tpu.memory_space<vmem>>, %arg11: memref<128x128xf32, #tpu.memory_space<vmem>>, %arg12: memref<128x128xf32, #tpu.memory_space<vmem>>, %arg13: memref<10240x128xf32, #tpu.memory_space<vmem_shared>>, %arg14: memref<!tpu.dma_semaphore, #tpu.memory_space<semaphore_mem>>, %arg15: memref<!tpu.dma_semaphore, #tpu.memory_space<semaphore_mem>>) attributes {dimension_semantics = [#tpu.dimension_semantics<core_parallel>, #tpu.dimension_semantics<subcore_parallel>], iteration_bounds = array<i64: 2, 16>, scalar_prefetch = 0 : i64, scratch_operands = 9 : i64, tpu.core_type = #tpu.core_type<sc_vector_subcore>, window_params = [{transform_indices = #map}, {transform_indices = #map1}, {transform_indices = #map1}, {transform_indices = #map}, {transform_indices = #map2}]} {
    %mul3A = arith.constant 2 : i32
    %mul3A_0 = arith.muli %arg1, %mul3A : i32
    %add3A = arith.addi %mul3A_0, %arg0 : i32
    %mul3A_1 = arith.constant 640 : i32
    %mul3A_2 = arith.muli %arg1, %mul3A_1 : i32
    "tpu.region"() ({
      %run_scoped3A = tpu.sem_alloc : memref<!tpu.dma_semaphore, #tpu.memory_space<semaphore_mem>>
      %dma_start3A_17 = arith.constant 0 : i32
      %dma_start3A_18 = tpu.memref_slice %arg13[%mul3A_2, %dma_start3A_17] : memref<10240x128xf32, #tpu.memory_space<vmem_shared>> -> memref<640x128xf32, #tpu.memory_space<vmem_shared>>
      %dma_start3A_19 = arith.constant 0 : i32
      %dma_start3A_20 = tpu.memref_slice %arg5[%mul3A_2, %dma_start3A_19] : memref<10240x128xf32, #tpu.memory_space<hbm>> -> memref<640x128xf32, #tpu.memory_space<hbm>>
      tpu.enqueue_dma source(%dma_start3A_20 : memref<640x128xf32, #tpu.memory_space<hbm>>) target(%dma_start3A_18 : memref<640x128xf32, #tpu.memory_space<vmem_shared>>) target_semaphore(%run_scoped3A : memref<!tpu.dma_semaphore, #tpu.memory_space<semaphore_mem>>)
      %dma_wait3A = arith.constant 0 : i32
      %dma_wait3A_21 = tpu.memref_slice %arg13[%mul3A_2, %dma_wait3A] : memref<10240x128xf32, #tpu.memory_space<vmem_shared>> -> memref<640x128xf32, #tpu.memory_space<vmem_shared>>
      %dma_wait3A_22 = arith.constant 0 : i32
      %dma_wait3A_23 = tpu.memref_slice %arg5[%mul3A_2, %dma_wait3A_22] : memref<10240x128xf32, #tpu.memory_space<hbm>> -> memref<640x128xf32, #tpu.memory_space<hbm>>
      tpu.wait_dma2 semaphore(%run_scoped3A : memref<!tpu.dma_semaphore, #tpu.memory_space<semaphore_mem>>) src(%dma_wait3A_23 : memref<640x128xf32, #tpu.memory_space<hbm>>) dst(%dma_wait3A_21 : memref<640x128xf32, #tpu.memory_space<vmem_shared>>)
      tpu.yield
    }) : () -> ()
    %barrier3A = arith.constant 0 : index
    tpu.barrier barrier_id(%barrier3A)
    %mul3A_3 = arith.constant 10240 : i32
    %mul3A_4 = arith.muli %add3A, %mul3A_3 : i32
    %add3A_5 = arith.constant 0 : i32
    %add3A_6 = arith.addi %mul3A_4, %add3A_5 : i32
    "tpu.region"() ({
      %run_scoped3A = tpu.sem_alloc : memref<!tpu.dma_semaphore, #tpu.memory_space<semaphore_mem>>
      %dma_start3A_17 = tpu.memref_slice %arg4[%add3A_6] : memref<327680xi32, #tpu.memory_space<hbm>> -> memref<128xi32, #tpu.memory_space<hbm>>
      %dma_start3A_18 = tpu.memref_slice %arg4[%add3A_6] : memref<327680xi32, #tpu.memory_space<hbm>> -> memref<128xi32, #tpu.memory_space<hbm>>
      tpu.enqueue_dma source(%dma_start3A_18 : memref<128xi32, #tpu.memory_space<hbm>>) target(%arg7 : memref<128xi32, #tpu.memory_space<vmem>>) target_semaphore(%run_scoped3A : memref<!tpu.dma_semaphore, #tpu.memory_space<semaphore_mem>>)
      %dma_wait3A = tpu.memref_slice %arg4[%add3A_6] : memref<327680xi32, #tpu.memory_space<hbm>> -> memref<128xi32, #tpu.memory_space<hbm>>
      %dma_wait3A_19 = tpu.memref_slice %arg4[%add3A_6] : memref<327680xi32, #tpu.memory_space<hbm>> -> memref<128xi32, #tpu.memory_space<hbm>>
      tpu.wait_dma2 semaphore(%run_scoped3A : memref<!tpu.dma_semaphore, #tpu.memory_space<semaphore_mem>>) src(%dma_wait3A_19 : memref<128xi32, #tpu.memory_space<hbm>>) dst(%arg7 : memref<128xi32, #tpu.memory_space<vmem>>)
      tpu.yield
    }) : () -> ()
    %add3A_7 = arith.constant 0 : i32
    %add3A_8 = arith.addi %mul3A_4, %add3A_7 : i32
    "tpu.region"() ({
      %run_scoped3A = tpu.sem_alloc : memref<!tpu.dma_semaphore, #tpu.memory_space<semaphore_mem>>
      %dma_start3A_17 = tpu.memref_slice %arg3[%add3A_8] : memref<327680xi32, #tpu.memory_space<hbm>> -> memref<128xi32, #tpu.memory_space<hbm>>
      %dma_start3A_18 = tpu.memref_slice %arg3[%add3A_8] : memref<327680xi32, #tpu.memory_space<hbm>> -> memref<128xi32, #tpu.memory_space<hbm>>
      tpu.enqueue_dma source(%dma_start3A_18 : memref<128xi32, #tpu.memory_space<hbm>>) target(%arg9 : memref<128xi32, #tpu.memory_space<vmem>>) target_semaphore(%run_scoped3A : memref<!tpu.dma_semaphore, #tpu.memory_space<semaphore_mem>>)
      %dma_wait3A = tpu.memref_slice %arg3[%add3A_8] : memref<327680xi32, #tpu.memory_space<hbm>> -> memref<128xi32, #tpu.memory_space<hbm>>
      %dma_wait3A_19 = tpu.memref_slice %arg3[%add3A_8] : memref<327680xi32, #tpu.memory_space<hbm>> -> memref<128xi32, #tpu.memory_space<hbm>>
      tpu.wait_dma2 semaphore(%run_scoped3A : memref<!tpu.dma_semaphore, #tpu.memory_space<semaphore_mem>>) src(%dma_wait3A_19 : memref<128xi32, #tpu.memory_space<hbm>>) dst(%arg9 : memref<128xi32, #tpu.memory_space<vmem>>)
      tpu.yield
    }) : () -> ()
    %dma_start3A = arith.constant 0 : i32
    %dma_start3A_9 = arith.constant 0 : i32
    %dma_start3A_10 = tpu.memref_slice %arg2[%dma_start3A, %dma_start3A_9] : memref<10240x128xf32, #tpu.memory_space<hbm>> -> memref<10240x128xf32, #tpu.memory_space<hbm>>
    tpu.enqueue_indirect_dma source(%dma_start3A_10 : memref<10240x128xf32, #tpu.memory_space<hbm>>) target(%arg11 : memref<128x128xf32, #tpu.memory_space<vmem>>) offsets(%arg7 : memref<128xi32, #tpu.memory_space<vmem>>) semaphore(%arg14 : memref<!tpu.dma_semaphore, #tpu.memory_space<semaphore_mem>>)
    %scan3A = arith.constant 0 : i32
    %scan3A_11 = arith.constant 0 : i32
    %scan3A_12 = arith.constant 80 : i32
    %scan3A_13 = arith.addi %scan3A_11, %scan3A_12 : i32
    %scan3A_14 = arith.constant 1 : i32
    scf.for %scan3A_17 = %scan3A_11 to %scan3A_13 step %scan3A_14  : i32 {
      %jit3A = arith.constant 2 : i32
      %eq3A = arith.constant 0 : i32
      %eq3A_18 = arith.cmpi eq, %jit3A, %eq3A : i32
      %jit3A_19 = arith.constant 1 : i32
      %select_n3A = arith.select %eq3A_18, %jit3A_19, %jit3A : i32
      %rem3A = arith.remsi %scan3A_17, %select_n3A : i32
      %ne3A = arith.constant 0 : i32
      %ne3A_20 = arith.cmpi ne, %rem3A, %ne3A : i32
      %lt3A = arith.constant 0 : i32
      %lt3A_21 = arith.cmpi slt, %rem3A, %lt3A : i32
      %lt3A_22 = arith.constant 0 : i32
      %lt3A_23 = arith.cmpi slt, %select_n3A, %lt3A_22 : i32
      %ne3A_24 = arith.xori %lt3A_21, %lt3A_23 : i1
      %and3A = arith.andi %ne3A_24, %ne3A_20 : i1
      %add3A_25 = arith.addi %rem3A, %select_n3A : i32
      %select_n3A_26 = arith.select %and3A, %add3A_25, %rem3A : i32
      %eq3A_27 = arith.constant 0 : i32
      %eq3A_28 = arith.cmpi eq, %select_n3A_26, %eq3A_27 : i32
      %convert_element_type3A = arith.extui %eq3A_28 : i1 to i32
      %cond3A = arith.constant 0 : i32
      %cond3A_29 = arith.cmpi ne, %convert_element_type3A, %cond3A : i32
      scf.if %cond3A_29 {
        %add3A_51 = arith.constant 1 : i32
        %add3A_52 = arith.addi %scan3A_17, %add3A_51 : i32
        %lt3A_53 = arith.constant 80 : i32
        %lt3A_54 = arith.cmpi slt, %add3A_52, %lt3A_53 : i32
        %convert_element_type3A_55 = arith.extui %lt3A_54 : i1 to i32
        %cond3A_56 = arith.constant 0 : i32
        %cond3A_57 = arith.cmpi ne, %convert_element_type3A_55, %cond3A_56 : i32
        scf.if %cond3A_57 {
          %add3A_60 = arith.constant 1 : i32
          %add3A_61 = arith.addi %scan3A_17, %add3A_60 : i32
          %mul3A_62 = arith.constant 128 : i32
          %mul3A_63 = arith.muli %add3A_61, %mul3A_62 : i32
          %add3A_64 = arith.addi %mul3A_4, %mul3A_63 : i32
          %add3A_65 = arith.constant 0 : i32
          %add3A_66 = arith.addi %add3A_64, %add3A_65 : i32
          "tpu.region"() ({
            %run_scoped3A = tpu.sem_alloc : memref<!tpu.dma_semaphore, #tpu.memory_space<semaphore_mem>>
            %dma_start3A_72 = tpu.memref_slice %arg4[%add3A_66] : memref<327680xi32, #tpu.memory_space<hbm>> -> memref<128xi32, #tpu.memory_space<hbm>>
            %dma_start3A_73 = tpu.memref_slice %arg4[%add3A_66] : memref<327680xi32, #tpu.memory_space<hbm>> -> memref<128xi32, #tpu.memory_space<hbm>>
            tpu.enqueue_dma source(%dma_start3A_73 : memref<128xi32, #tpu.memory_space<hbm>>) target(%arg8 : memref<128xi32, #tpu.memory_space<vmem>>) target_semaphore(%run_scoped3A : memref<!tpu.dma_semaphore, #tpu.memory_space<semaphore_mem>>)
            %dma_wait3A_74 = tpu.memref_slice %arg4[%add3A_66] : memref<327680xi32, #tpu.memory_space<hbm>> -> memref<128xi32, #tpu.memory_space<hbm>>
            %dma_wait3A_75 = tpu.memref_slice %arg4[%add3A_66] : memref<327680xi32, #tpu.memory_space<hbm>> -> memref<128xi32, #tpu.memory_space<hbm>>
            tpu.wait_dma2 semaphore(%run_scoped3A : memref<!tpu.dma_semaphore, #tpu.memory_space<semaphore_mem>>) src(%dma_wait3A_75 : memref<128xi32, #tpu.memory_space<hbm>>) dst(%arg8 : memref<128xi32, #tpu.memory_space<vmem>>)
            tpu.yield
          }) : () -> ()
          %add3A_67 = arith.constant 0 : i32
          %add3A_68 = arith.addi %add3A_64, %add3A_67 : i32
          "tpu.region"() ({
            %run_scoped3A = tpu.sem_alloc : memref<!tpu.dma_semaphore, #tpu.memory_space<semaphore_mem>>
            %dma_start3A_72 = tpu.memref_slice %arg3[%add3A_68] : memref<327680xi32, #tpu.memory_space<hbm>> -> memref<128xi32, #tpu.memory_space<hbm>>
            %dma_start3A_73 = tpu.memref_slice %arg3[%add3A_68] : memref<327680xi32, #tpu.memory_space<hbm>> -> memref<128xi32, #tpu.memory_space<hbm>>
            tpu.enqueue_dma source(%dma_start3A_73 : memref<128xi32, #tpu.memory_space<hbm>>) target(%arg10 : memref<128xi32, #tpu.memory_space<vmem>>) target_semaphore(%run_scoped3A : memref<!tpu.dma_semaphore, #tpu.memory_space<semaphore_mem>>)
            %dma_wait3A_74 = tpu.memref_slice %arg3[%add3A_68] : memref<327680xi32, #tpu.memory_space<hbm>> -> memref<128xi32, #tpu.memory_space<hbm>>
            %dma_wait3A_75 = tpu.memref_slice %arg3[%add3A_68] : memref<327680xi32, #tpu.memory_space<hbm>> -> memref<128xi32, #tpu.memory_space<hbm>>
            tpu.wait_dma2 semaphore(%run_scoped3A : memref<!tpu.dma_semaphore, #tpu.memory_space<semaphore_mem>>) src(%dma_wait3A_75 : memref<128xi32, #tpu.memory_space<hbm>>) dst(%arg10 : memref<128xi32, #tpu.memory_space<vmem>>)
            tpu.yield
          }) : () -> ()
          %dma_start3A_69 = arith.constant 0 : i32
          %dma_start3A_70 = arith.constant 0 : i32
          %dma_start3A_71 = tpu.memref_slice %arg2[%dma_start3A_69, %dma_start3A_70] : memref<10240x128xf32, #tpu.memory_space<hbm>> -> memref<10240x128xf32, #tpu.memory_space<hbm>>
          tpu.enqueue_indirect_dma source(%dma_start3A_71 : memref<10240x128xf32, #tpu.memory_space<hbm>>) target(%arg12 : memref<128x128xf32, #tpu.memory_space<vmem>>) offsets(%arg8 : memref<128xi32, #tpu.memory_space<vmem>>) semaphore(%arg15 : memref<!tpu.dma_semaphore, #tpu.memory_space<semaphore_mem>>)
        } else {
        }
        %dma_wait3A = arith.constant 0 : i32
        %dma_wait3A_58 = arith.constant 0 : i32
        %dma_wait3A_59 = tpu.memref_slice %arg2[%dma_wait3A, %dma_wait3A_58] : memref<10240x128xf32, #tpu.memory_space<hbm>> -> memref<10240x128xf32, #tpu.memory_space<hbm>>
        tpu.wait_indirect_dma semaphore(%arg14 : memref<!tpu.dma_semaphore, #tpu.memory_space<semaphore_mem>>) src(%dma_wait3A_59 : memref<10240x128xf32, #tpu.memory_space<hbm>>) dst(%arg11 : memref<128x128xf32, #tpu.memory_space<vmem>>)
        "tpu.region"() ({
          %run_scoped3A = tpu.sem_alloc : memref<!tpu.dma_semaphore, #tpu.memory_space<semaphore_mem>>
          %dma_start3A_60 = arith.constant 0 : i32
          %dma_start3A_61 = arith.constant 0 : i32
          %dma_start3A_62 = tpu.memref_slice %arg13[%dma_start3A_60, %dma_start3A_61] : memref<10240x128xf32, #tpu.memory_space<vmem_shared>> -> memref<10240x128xf32, #tpu.memory_space<vmem_shared>>
          tpu.enqueue_indirect_dma source(%arg11 : memref<128x128xf32, #tpu.memory_space<vmem>>) target(%dma_start3A_62 : memref<10240x128xf32, #tpu.memory_space<vmem_shared>>) offsets(%arg9 : memref<128xi32, #tpu.memory_space<vmem>>) semaphore(%run_scoped3A : memref<!tpu.dma_semaphore, #tpu.memory_space<semaphore_mem>>) {add = true}
          %dma_wait3A_63 = arith.constant 0 : i32
          %dma_wait3A_64 = arith.constant 0 : i32
          %dma_wait3A_65 = tpu.memref_slice %arg13[%dma_wait3A_63, %dma_wait3A_64] : memref<10240x128xf32, #tpu.memory_space<vmem_shared>> -> memref<10240x128xf32, #tpu.memory_space<vmem_shared>>
          tpu.wait_indirect_dma semaphore(%run_scoped3A : memref<!tpu.dma_semaphore, #tpu.memory_space<semaphore_mem>>) src(%arg11 : memref<128x128xf32, #tpu.memory_space<vmem>>) dst(%dma_wait3A_65 : memref<10240x128xf32, #tpu.memory_space<vmem_shared>>)
          tpu.yield
        }) : () -> ()
      } else {
      }
      %jit3A_30 = arith.constant 2 : i32
      %eq3A_31 = arith.constant 0 : i32
      %eq3A_32 = arith.cmpi eq, %jit3A_30, %eq3A_31 : i32
      %jit3A_33 = arith.constant 1 : i32
      %select_n3A_34 = arith.select %eq3A_32, %jit3A_33, %jit3A_30 : i32
      %rem3A_35 = arith.remsi %scan3A_17, %select_n3A_34 : i32
      %ne3A_36 = arith.constant 0 : i32
      %ne3A_37 = arith.cmpi ne, %rem3A_35, %ne3A_36 : i32
      %lt3A_38 = arith.constant 0 : i32
      %lt3A_39 = arith.cmpi slt, %rem3A_35, %lt3A_38 : i32
      %lt3A_40 = arith.constant 0 : i32
      %lt3A_41 = arith.cmpi slt, %select_n3A_34, %lt3A_40 : i32
      %ne3A_42 = arith.xori %lt3A_39, %lt3A_41 : i1
      %and3A_43 = arith.andi %ne3A_42, %ne3A_37 : i1
      %add3A_44 = arith.addi %rem3A_35, %select_n3A_34 : i32
      %select_n3A_45 = arith.select %and3A_43, %add3A_44, %rem3A_35 : i32
      %eq3A_46 = arith.constant 1 : i32
      %eq3A_47 = arith.cmpi eq, %select_n3A_45, %eq3A_46 : i32
      %convert_element_type3A_48 = arith.extui %eq3A_47 : i1 to i32
      %cond3A_49 = arith.constant 0 : i32
      %cond3A_50 = arith.cmpi ne, %convert_element_type3A_48, %cond3A_49 : i32
      scf.if %cond3A_50 {
        %add3A_51 = arith.constant 1 : i32
        %add3A_52 = arith.addi %scan3A_17, %add3A_51 : i32
        %lt3A_53 = arith.constant 80 : i32
        %lt3A_54 = arith.cmpi slt, %add3A_52, %lt3A_53 : i32
        %convert_element_type3A_55 = arith.extui %lt3A_54 : i1 to i32
        %cond3A_56 = arith.constant 0 : i32
        %cond3A_57 = arith.cmpi ne, %convert_element_type3A_55, %cond3A_56 : i32
        scf.if %cond3A_57 {
          %add3A_60 = arith.constant 1 : i32
          %add3A_61 = arith.addi %scan3A_17, %add3A_60 : i32
          %mul3A_62 = arith.constant 128 : i32
          %mul3A_63 = arith.muli %add3A_61, %mul3A_62 : i32
          %add3A_64 = arith.addi %mul3A_4, %mul3A_63 : i32
          %add3A_65 = arith.constant 0 : i32
          %add3A_66 = arith.addi %add3A_64, %add3A_65 : i32
          "tpu.region"() ({
            %run_scoped3A = tpu.sem_alloc : memref<!tpu.dma_semaphore, #tpu.memory_space<semaphore_mem>>
            %dma_start3A_72 = tpu.memref_slice %arg4[%add3A_66] : memref<327680xi32, #tpu.memory_space<hbm>> -> memref<128xi32, #tpu.memory_space<hbm>>
            %dma_start3A_73 = tpu.memref_slice %arg4[%add3A_66] : memref<327680xi32, #tpu.memory_space<hbm>> -> memref<128xi32, #tpu.memory_space<hbm>>
            tpu.enqueue_dma source(%dma_start3A_73 : memref<128xi32, #tpu.memory_space<hbm>>) target(%arg7 : memref<128xi32, #tpu.memory_space<vmem>>) target_semaphore(%run_scoped3A : memref<!tpu.dma_semaphore, #tpu.memory_space<semaphore_mem>>)
            %dma_wait3A_74 = tpu.memref_slice %arg4[%add3A_66] : memref<327680xi32, #tpu.memory_space<hbm>> -> memref<128xi32, #tpu.memory_space<hbm>>
            %dma_wait3A_75 = tpu.memref_slice %arg4[%add3A_66] : memref<327680xi32, #tpu.memory_space<hbm>> -> memref<128xi32, #tpu.memory_space<hbm>>
            tpu.wait_dma2 semaphore(%run_scoped3A : memref<!tpu.dma_semaphore, #tpu.memory_space<semaphore_mem>>) src(%dma_wait3A_75 : memref<128xi32, #tpu.memory_space<hbm>>) dst(%arg7 : memref<128xi32, #tpu.memory_space<vmem>>)
            tpu.yield
          }) : () -> ()
          %add3A_67 = arith.constant 0 : i32
          %add3A_68 = arith.addi %add3A_64, %add3A_67 : i32
          "tpu.region"() ({
            %run_scoped3A = tpu.sem_alloc : memref<!tpu.dma_semaphore, #tpu.memory_space<semaphore_mem>>
            %dma_start3A_72 = tpu.memref_slice %arg3[%add3A_68] : memref<327680xi32, #tpu.memory_space<hbm>> -> memref<128xi32, #tpu.memory_space<hbm>>
            %dma_start3A_73 = tpu.memref_slice %arg3[%add3A_68] : memref<327680xi32, #tpu.memory_space<hbm>> -> memref<128xi32, #tpu.memory_space<hbm>>
            tpu.enqueue_dma source(%dma_start3A_73 : memref<128xi32, #tpu.memory_space<hbm>>) target(%arg9 : memref<128xi32, #tpu.memory_space<vmem>>) target_semaphore(%run_scoped3A : memref<!tpu.dma_semaphore, #tpu.memory_space<semaphore_mem>>)
            %dma_wait3A_74 = tpu.memref_slice %arg3[%add3A_68] : memref<327680xi32, #tpu.memory_space<hbm>> -> memref<128xi32, #tpu.memory_space<hbm>>
            %dma_wait3A_75 = tpu.memref_slice %arg3[%add3A_68] : memref<327680xi32, #tpu.memory_space<hbm>> -> memref<128xi32, #tpu.memory_space<hbm>>
            tpu.wait_dma2 semaphore(%run_scoped3A : memref<!tpu.dma_semaphore, #tpu.memory_space<semaphore_mem>>) src(%dma_wait3A_75 : memref<128xi32, #tpu.memory_space<hbm>>) dst(%arg9 : memref<128xi32, #tpu.memory_space<vmem>>)
            tpu.yield
          }) : () -> ()
          %dma_start3A_69 = arith.constant 0 : i32
          %dma_start3A_70 = arith.constant 0 : i32
          %dma_start3A_71 = tpu.memref_slice %arg2[%dma_start3A_69, %dma_start3A_70] : memref<10240x128xf32, #tpu.memory_space<hbm>> -> memref<10240x128xf32, #tpu.memory_space<hbm>>
          tpu.enqueue_indirect_dma source(%dma_start3A_71 : memref<10240x128xf32, #tpu.memory_space<hbm>>) target(%arg11 : memref<128x128xf32, #tpu.memory_space<vmem>>) offsets(%arg7 : memref<128xi32, #tpu.memory_space<vmem>>) semaphore(%arg14 : memref<!tpu.dma_semaphore, #tpu.memory_space<semaphore_mem>>)
        } else {
        }
        %dma_wait3A = arith.constant 0 : i32
        %dma_wait3A_58 = arith.constant 0 : i32
        %dma_wait3A_59 = tpu.memref_slice %arg2[%dma_wait3A, %dma_wait3A_58] : memref<10240x128xf32, #tpu.memory_space<hbm>> -> memref<10240x128xf32, #tpu.memory_space<hbm>>
        tpu.wait_indirect_dma semaphore(%arg15 : memref<!tpu.dma_semaphore, #tpu.memory_space<semaphore_mem>>) src(%dma_wait3A_59 : memref<10240x128xf32, #tpu.memory_space<hbm>>) dst(%arg12 : memref<128x128xf32, #tpu.memory_space<vmem>>)
        "tpu.region"() ({
          %run_scoped3A = tpu.sem_alloc : memref<!tpu.dma_semaphore, #tpu.memory_space<semaphore_mem>>
          %dma_start3A_60 = arith.constant 0 : i32
          %dma_start3A_61 = arith.constant 0 : i32
          %dma_start3A_62 = tpu.memref_slice %arg13[%dma_start3A_60, %dma_start3A_61] : memref<10240x128xf32, #tpu.memory_space<vmem_shared>> -> memref<10240x128xf32, #tpu.memory_space<vmem_shared>>
          tpu.enqueue_indirect_dma source(%arg12 : memref<128x128xf32, #tpu.memory_space<vmem>>) target(%dma_start3A_62 : memref<10240x128xf32, #tpu.memory_space<vmem_shared>>) offsets(%arg10 : memref<128xi32, #tpu.memory_space<vmem>>) semaphore(%run_scoped3A : memref<!tpu.dma_semaphore, #tpu.memory_space<semaphore_mem>>) {add = true}
          %dma_wait3A_63 = arith.constant 0 : i32
          %dma_wait3A_64 = arith.constant 0 : i32
          %dma_wait3A_65 = tpu.memref_slice %arg13[%dma_wait3A_63, %dma_wait3A_64] : memref<10240x128xf32, #tpu.memory_space<vmem_shared>> -> memref<10240x128xf32, #tpu.memory_space<vmem_shared>>
          tpu.wait_indirect_dma semaphore(%run_scoped3A : memref<!tpu.dma_semaphore, #tpu.memory_space<semaphore_mem>>) src(%arg12 : memref<128x128xf32, #tpu.memory_space<vmem>>) dst(%dma_wait3A_65 : memref<10240x128xf32, #tpu.memory_space<vmem_shared>>)
          tpu.yield
        }) : () -> ()
      } else {
      }
    }
    %scan3A_15 = arith.constant 80 : i32
    %barrier3A_16 = arith.constant 0 : index
    tpu.barrier barrier_id(%barrier3A_16)
    "tpu.region"() ({
      %run_scoped3A = tpu.sem_alloc : memref<!tpu.dma_semaphore, #tpu.memory_space<semaphore_mem>>
      %dma_start3A_17 = arith.constant 0 : i32
      %dma_start3A_18 = tpu.memref_slice %arg6[%arg0, %mul3A_2, %dma_start3A_17] : memref<2x10240x128xf32, #tpu.memory_space<hbm>> -> memref<1x640x128xf32, #tpu.memory_space<hbm>>
      %dma_start3A_19 = tpu.memref_squeeze %dma_start3A_18 : memref<1x640x128xf32, #tpu.memory_space<hbm>> -> memref<640x128xf32, #tpu.memory_space<hbm>>
      %dma_start3A_20 = arith.constant 0 : i32
      %dma_start3A_21 = tpu.memref_slice %arg13[%mul3A_2, %dma_start3A_20] : memref<10240x128xf32, #tpu.memory_space<vmem_shared>> -> memref<640x128xf32, #tpu.memory_space<vmem_shared>>
      tpu.enqueue_dma source(%dma_start3A_21 : memref<640x128xf32, #tpu.memory_space<vmem_shared>>) target(%dma_start3A_19 : memref<640x128xf32, #tpu.memory_space<hbm>>) target_semaphore(%run_scoped3A : memref<!tpu.dma_semaphore, #tpu.memory_space<semaphore_mem>>)
      %dma_wait3A = arith.constant 0 : i32
      %dma_wait3A_22 = tpu.memref_slice %arg6[%arg0, %mul3A_2, %dma_wait3A] : memref<2x10240x128xf32, #tpu.memory_space<hbm>> -> memref<1x640x128xf32, #tpu.memory_space<hbm>>
      %dma_wait3A_23 = tpu.memref_squeeze %dma_wait3A_22 : memref<1x640x128xf32, #tpu.memory_space<hbm>> -> memref<640x128xf32, #tpu.memory_space<hbm>>
      %dma_wait3A_24 = arith.constant 0 : i32
      %dma_wait3A_25 = tpu.memref_slice %arg13[%mul3A_2, %dma_wait3A_24] : memref<10240x128xf32, #tpu.memory_space<vmem_shared>> -> memref<640x128xf32, #tpu.memory_space<vmem_shared>>
      tpu.wait_dma2 semaphore(%run_scoped3A : memref<!tpu.dma_semaphore, #tpu.memory_space<semaphore_mem>>) src(%dma_wait3A_25 : memref<640x128xf32, #tpu.memory_space<vmem_shared>>) dst(%dma_wait3A_23 : memref<640x128xf32, #tpu.memory_space<hbm>>)
      tpu.yield
    }) : () -> ()
    return
  }
}

#map = affine_map<(d0, d1) -> (0, 0)>
#map1 = affine_map<(d0, d1) -> (0)>
#map2 = affine_map<(d0, d1) -> (0, 0, 0)>
module attributes {stable_mosaic.version = 14 : i64} {
  func.func @_sc2_body(%arg0: i32, %arg1: i32, %arg2: memref<10240x128xf32, #tpu.memory_space<hbm>>, %arg3: memref<10240x128xf32, #tpu.memory_space<hbm>>, %arg4: memref<327680xi32, #tpu.memory_space<hbm>>, %arg5: memref<327680xi32, #tpu.memory_space<hbm>>, %arg6: memref<10240x128xf32, #tpu.memory_space<hbm>>, %arg7: memref<2x10240x128xf32, #tpu.memory_space<hbm>>, %arg8: memref<128xi32, #tpu.memory_space<vmem>>, %arg9: memref<128xi32, #tpu.memory_space<vmem>>, %arg10: memref<128xi32, #tpu.memory_space<vmem>>, %arg11: memref<128xi32, #tpu.memory_space<vmem>>, %arg12: memref<128x128xf32, #tpu.memory_space<vmem>>, %arg13: memref<128x128xf32, #tpu.memory_space<vmem>>, %arg14: memref<10240x128xf32, #tpu.memory_space<vmem_shared>>, %arg15: memref<!tpu.dma_semaphore, #tpu.memory_space<semaphore_mem>>, %arg16: memref<!tpu.dma_semaphore, #tpu.memory_space<semaphore_mem>>) attributes {dimension_semantics = [#tpu.dimension_semantics<core_parallel>, #tpu.dimension_semantics<subcore_parallel>], iteration_bounds = array<i64: 2, 16>, scalar_prefetch = 0 : i64, scratch_operands = 9 : i64, tpu.core_type = #tpu.core_type<sc_vector_subcore>, window_params = [{transform_indices = #map}, {transform_indices = #map}, {transform_indices = #map1}, {transform_indices = #map1}, {transform_indices = #map}, {transform_indices = #map2}]} {
    %mul3A = arith.constant 640 : i32
    %mul3A_0 = arith.muli %arg1, %mul3A : i32
    "tpu.region"() ({
      %run_scoped3A = tpu.sem_alloc : memref<!tpu.dma_semaphore, #tpu.memory_space<semaphore_mem>>
      %dma_start3A = arith.constant 0 : i32
      %dma_start3A_11 = tpu.memref_slice %arg14[%mul3A_0, %dma_start3A] : memref<10240x128xf32, #tpu.memory_space<vmem_shared>> -> memref<640x128xf32, #tpu.memory_space<vmem_shared>>
      %dma_start3A_12 = arith.constant 0 : i32
      %dma_start3A_13 = tpu.memref_slice %arg6[%mul3A_0, %dma_start3A_12] : memref<10240x128xf32, #tpu.memory_space<hbm>> -> memref<640x128xf32, #tpu.memory_space<hbm>>
      tpu.enqueue_dma source(%dma_start3A_13 : memref<640x128xf32, #tpu.memory_space<hbm>>) target(%dma_start3A_11 : memref<640x128xf32, #tpu.memory_space<vmem_shared>>) target_semaphore(%run_scoped3A : memref<!tpu.dma_semaphore, #tpu.memory_space<semaphore_mem>>)
      %dma_wait3A = arith.constant 0 : i32
      %dma_wait3A_14 = tpu.memref_slice %arg14[%mul3A_0, %dma_wait3A] : memref<10240x128xf32, #tpu.memory_space<vmem_shared>> -> memref<640x128xf32, #tpu.memory_space<vmem_shared>>
      %dma_wait3A_15 = arith.constant 0 : i32
      %dma_wait3A_16 = tpu.memref_slice %arg6[%mul3A_0, %dma_wait3A_15] : memref<10240x128xf32, #tpu.memory_space<hbm>> -> memref<640x128xf32, #tpu.memory_space<hbm>>
      tpu.wait_dma2 semaphore(%run_scoped3A : memref<!tpu.dma_semaphore, #tpu.memory_space<semaphore_mem>>) src(%dma_wait3A_16 : memref<640x128xf32, #tpu.memory_space<hbm>>) dst(%dma_wait3A_14 : memref<640x128xf32, #tpu.memory_space<vmem_shared>>)
      tpu.yield
    }) : () -> ()
    %barrier3A = arith.constant 0 : index
    tpu.barrier barrier_id(%barrier3A)
    %mul3A_1 = arith.constant 20480 : i32
    %mul3A_2 = arith.muli %arg1, %mul3A_1 : i32
    %eq3A = arith.constant 0 : i32
    %eq3A_3 = arith.cmpi eq, %arg0, %eq3A : i32
    %convert_element_type3A = arith.extui %eq3A_3 : i1 to i32
    %cond3A = arith.constant 0 : i32
    %cond3A_4 = arith.cmpi ne, %convert_element_type3A, %cond3A : i32
    scf.if %cond3A_4 {
      %add3A = arith.constant 0 : i32
      %add3A_11 = arith.addi %mul3A_2, %add3A : i32
      "tpu.region"() ({
        %run_scoped3A = tpu.sem_alloc : memref<!tpu.dma_semaphore, #tpu.memory_space<semaphore_mem>>
        %dma_start3A_21 = tpu.memref_slice %arg5[%add3A_11] : memref<327680xi32, #tpu.memory_space<hbm>> -> memref<128xi32, #tpu.memory_space<hbm>>
        %dma_start3A_22 = tpu.memref_slice %arg5[%add3A_11] : memref<327680xi32, #tpu.memory_space<hbm>> -> memref<128xi32, #tpu.memory_space<hbm>>
        tpu.enqueue_dma source(%dma_start3A_22 : memref<128xi32, #tpu.memory_space<hbm>>) target(%arg8 : memref<128xi32, #tpu.memory_space<vmem>>) target_semaphore(%run_scoped3A : memref<!tpu.dma_semaphore, #tpu.memory_space<semaphore_mem>>)
        %dma_wait3A = tpu.memref_slice %arg5[%add3A_11] : memref<327680xi32, #tpu.memory_space<hbm>> -> memref<128xi32, #tpu.memory_space<hbm>>
        %dma_wait3A_23 = tpu.memref_slice %arg5[%add3A_11] : memref<327680xi32, #tpu.memory_space<hbm>> -> memref<128xi32, #tpu.memory_space<hbm>>
        tpu.wait_dma2 semaphore(%run_scoped3A : memref<!tpu.dma_semaphore, #tpu.memory_space<semaphore_mem>>) src(%dma_wait3A_23 : memref<128xi32, #tpu.memory_space<hbm>>) dst(%arg8 : memref<128xi32, #tpu.memory_space<vmem>>)
        tpu.yield
      }) : () -> ()
      %add3A_12 = arith.constant 0 : i32
      %add3A_13 = arith.addi %mul3A_2, %add3A_12 : i32
      "tpu.region"() ({
        %run_scoped3A = tpu.sem_alloc : memref<!tpu.dma_semaphore, #tpu.memory_space<semaphore_mem>>
        %dma_start3A_21 = tpu.memref_slice %arg4[%add3A_13] : memref<327680xi32, #tpu.memory_space<hbm>> -> memref<128xi32, #tpu.memory_space<hbm>>
        %dma_start3A_22 = tpu.memref_slice %arg4[%add3A_13] : memref<327680xi32, #tpu.memory_space<hbm>> -> memref<128xi32, #tpu.memory_space<hbm>>
        tpu.enqueue_dma source(%dma_start3A_22 : memref<128xi32, #tpu.memory_space<hbm>>) target(%arg10 : memref<128xi32, #tpu.memory_space<vmem>>) target_semaphore(%run_scoped3A : memref<!tpu.dma_semaphore, #tpu.memory_space<semaphore_mem>>)
        %dma_wait3A = tpu.memref_slice %arg4[%add3A_13] : memref<327680xi32, #tpu.memory_space<hbm>> -> memref<128xi32, #tpu.memory_space<hbm>>
        %dma_wait3A_23 = tpu.memref_slice %arg4[%add3A_13] : memref<327680xi32, #tpu.memory_space<hbm>> -> memref<128xi32, #tpu.memory_space<hbm>>
        tpu.wait_dma2 semaphore(%run_scoped3A : memref<!tpu.dma_semaphore, #tpu.memory_space<semaphore_mem>>) src(%dma_wait3A_23 : memref<128xi32, #tpu.memory_space<hbm>>) dst(%arg10 : memref<128xi32, #tpu.memory_space<vmem>>)
        tpu.yield
      }) : () -> ()
      %dma_start3A = arith.constant 0 : i32
      %dma_start3A_14 = arith.constant 0 : i32
      %dma_start3A_15 = tpu.memref_slice %arg2[%dma_start3A, %dma_start3A_14] : memref<10240x128xf32, #tpu.memory_space<hbm>> -> memref<10240x128xf32, #tpu.memory_space<hbm>>
      tpu.enqueue_indirect_dma source(%dma_start3A_15 : memref<10240x128xf32, #tpu.memory_space<hbm>>) target(%arg12 : memref<128x128xf32, #tpu.memory_space<vmem>>) offsets(%arg8 : memref<128xi32, #tpu.memory_space<vmem>>) semaphore(%arg15 : memref<!tpu.dma_semaphore, #tpu.memory_space<semaphore_mem>>)
      %scan3A = arith.constant 0 : i32
      %scan3A_16 = arith.constant 0 : i32
      %scan3A_17 = arith.constant 160 : i32
      %scan3A_18 = arith.addi %scan3A_16, %scan3A_17 : i32
      %scan3A_19 = arith.constant 1 : i32
      scf.for %scan3A_21 = %scan3A_16 to %scan3A_18 step %scan3A_19  : i32 {
        %jit3A = arith.constant 2 : i32
        %eq3A_22 = arith.constant 0 : i32
        %eq3A_23 = arith.cmpi eq, %jit3A, %eq3A_22 : i32
        %jit3A_24 = arith.constant 1 : i32
        %select_n3A = arith.select %eq3A_23, %jit3A_24, %jit3A : i32
        %rem3A = arith.remsi %scan3A_21, %select_n3A : i32
        %ne3A = arith.constant 0 : i32
        %ne3A_25 = arith.cmpi ne, %rem3A, %ne3A : i32
        %lt3A = arith.constant 0 : i32
        %lt3A_26 = arith.cmpi slt, %rem3A, %lt3A : i32
        %lt3A_27 = arith.constant 0 : i32
        %lt3A_28 = arith.cmpi slt, %select_n3A, %lt3A_27 : i32
        %ne3A_29 = arith.xori %lt3A_26, %lt3A_28 : i1
        %and3A = arith.andi %ne3A_29, %ne3A_25 : i1
        %add3A_30 = arith.addi %rem3A, %select_n3A : i32
        %select_n3A_31 = arith.select %and3A, %add3A_30, %rem3A : i32
        %eq3A_32 = arith.constant 0 : i32
        %eq3A_33 = arith.cmpi eq, %select_n3A_31, %eq3A_32 : i32
        %convert_element_type3A_34 = arith.extui %eq3A_33 : i1 to i32
        %cond3A_35 = arith.constant 0 : i32
        %cond3A_36 = arith.cmpi ne, %convert_element_type3A_34, %cond3A_35 : i32
        scf.if %cond3A_36 {
          %add3A_58 = arith.constant 1 : i32
          %add3A_59 = arith.addi %scan3A_21, %add3A_58 : i32
          %lt3A_60 = arith.constant 160 : i32
          %lt3A_61 = arith.cmpi slt, %add3A_59, %lt3A_60 : i32
          %convert_element_type3A_62 = arith.extui %lt3A_61 : i1 to i32
          %cond3A_63 = arith.constant 0 : i32
          %cond3A_64 = arith.cmpi ne, %convert_element_type3A_62, %cond3A_63 : i32
          scf.if %cond3A_64 {
            %add3A_67 = arith.constant 1 : i32
            %add3A_68 = arith.addi %scan3A_21, %add3A_67 : i32
            %mul3A_69 = arith.constant 128 : i32
            %mul3A_70 = arith.muli %add3A_68, %mul3A_69 : i32
            %add3A_71 = arith.addi %mul3A_2, %mul3A_70 : i32
            %add3A_72 = arith.constant 0 : i32
            %add3A_73 = arith.addi %add3A_71, %add3A_72 : i32
            "tpu.region"() ({
              %run_scoped3A = tpu.sem_alloc : memref<!tpu.dma_semaphore, #tpu.memory_space<semaphore_mem>>
              %dma_start3A_79 = tpu.memref_slice %arg5[%add3A_73] : memref<327680xi32, #tpu.memory_space<hbm>> -> memref<128xi32, #tpu.memory_space<hbm>>
              %dma_start3A_80 = tpu.memref_slice %arg5[%add3A_73] : memref<327680xi32, #tpu.memory_space<hbm>> -> memref<128xi32, #tpu.memory_space<hbm>>
              tpu.enqueue_dma source(%dma_start3A_80 : memref<128xi32, #tpu.memory_space<hbm>>) target(%arg9 : memref<128xi32, #tpu.memory_space<vmem>>) target_semaphore(%run_scoped3A : memref<!tpu.dma_semaphore, #tpu.memory_space<semaphore_mem>>)
              %dma_wait3A_81 = tpu.memref_slice %arg5[%add3A_73] : memref<327680xi32, #tpu.memory_space<hbm>> -> memref<128xi32, #tpu.memory_space<hbm>>
              %dma_wait3A_82 = tpu.memref_slice %arg5[%add3A_73] : memref<327680xi32, #tpu.memory_space<hbm>> -> memref<128xi32, #tpu.memory_space<hbm>>
              tpu.wait_dma2 semaphore(%run_scoped3A : memref<!tpu.dma_semaphore, #tpu.memory_space<semaphore_mem>>) src(%dma_wait3A_82 : memref<128xi32, #tpu.memory_space<hbm>>) dst(%arg9 : memref<128xi32, #tpu.memory_space<vmem>>)
              tpu.yield
            }) : () -> ()
            %add3A_74 = arith.constant 0 : i32
            %add3A_75 = arith.addi %add3A_71, %add3A_74 : i32
            "tpu.region"() ({
              %run_scoped3A = tpu.sem_alloc : memref<!tpu.dma_semaphore, #tpu.memory_space<semaphore_mem>>
              %dma_start3A_79 = tpu.memref_slice %arg4[%add3A_75] : memref<327680xi32, #tpu.memory_space<hbm>> -> memref<128xi32, #tpu.memory_space<hbm>>
              %dma_start3A_80 = tpu.memref_slice %arg4[%add3A_75] : memref<327680xi32, #tpu.memory_space<hbm>> -> memref<128xi32, #tpu.memory_space<hbm>>
              tpu.enqueue_dma source(%dma_start3A_80 : memref<128xi32, #tpu.memory_space<hbm>>) target(%arg11 : memref<128xi32, #tpu.memory_space<vmem>>) target_semaphore(%run_scoped3A : memref<!tpu.dma_semaphore, #tpu.memory_space<semaphore_mem>>)
              %dma_wait3A_81 = tpu.memref_slice %arg4[%add3A_75] : memref<327680xi32, #tpu.memory_space<hbm>> -> memref<128xi32, #tpu.memory_space<hbm>>
              %dma_wait3A_82 = tpu.memref_slice %arg4[%add3A_75] : memref<327680xi32, #tpu.memory_space<hbm>> -> memref<128xi32, #tpu.memory_space<hbm>>
              tpu.wait_dma2 semaphore(%run_scoped3A : memref<!tpu.dma_semaphore, #tpu.memory_space<semaphore_mem>>) src(%dma_wait3A_82 : memref<128xi32, #tpu.memory_space<hbm>>) dst(%arg11 : memref<128xi32, #tpu.memory_space<vmem>>)
              tpu.yield
            }) : () -> ()
            %dma_start3A_76 = arith.constant 0 : i32
            %dma_start3A_77 = arith.constant 0 : i32
            %dma_start3A_78 = tpu.memref_slice %arg2[%dma_start3A_76, %dma_start3A_77] : memref<10240x128xf32, #tpu.memory_space<hbm>> -> memref<10240x128xf32, #tpu.memory_space<hbm>>
            tpu.enqueue_indirect_dma source(%dma_start3A_78 : memref<10240x128xf32, #tpu.memory_space<hbm>>) target(%arg13 : memref<128x128xf32, #tpu.memory_space<vmem>>) offsets(%arg9 : memref<128xi32, #tpu.memory_space<vmem>>) semaphore(%arg16 : memref<!tpu.dma_semaphore, #tpu.memory_space<semaphore_mem>>)
          } else {
          }
          %dma_wait3A = arith.constant 0 : i32
          %dma_wait3A_65 = arith.constant 0 : i32
          %dma_wait3A_66 = tpu.memref_slice %arg2[%dma_wait3A, %dma_wait3A_65] : memref<10240x128xf32, #tpu.memory_space<hbm>> -> memref<10240x128xf32, #tpu.memory_space<hbm>>
          tpu.wait_indirect_dma semaphore(%arg15 : memref<!tpu.dma_semaphore, #tpu.memory_space<semaphore_mem>>) src(%dma_wait3A_66 : memref<10240x128xf32, #tpu.memory_space<hbm>>) dst(%arg12 : memref<128x128xf32, #tpu.memory_space<vmem>>)
          "tpu.region"() ({
            %run_scoped3A = tpu.sem_alloc : memref<!tpu.dma_semaphore, #tpu.memory_space<semaphore_mem>>
            %dma_start3A_67 = arith.constant 0 : i32
            %dma_start3A_68 = arith.constant 0 : i32
            %dma_start3A_69 = tpu.memref_slice %arg14[%dma_start3A_67, %dma_start3A_68] : memref<10240x128xf32, #tpu.memory_space<vmem_shared>> -> memref<10240x128xf32, #tpu.memory_space<vmem_shared>>
            tpu.enqueue_indirect_dma source(%arg12 : memref<128x128xf32, #tpu.memory_space<vmem>>) target(%dma_start3A_69 : memref<10240x128xf32, #tpu.memory_space<vmem_shared>>) offsets(%arg10 : memref<128xi32, #tpu.memory_space<vmem>>) semaphore(%run_scoped3A : memref<!tpu.dma_semaphore, #tpu.memory_space<semaphore_mem>>) {add = true}
            %dma_wait3A_70 = arith.constant 0 : i32
            %dma_wait3A_71 = arith.constant 0 : i32
            %dma_wait3A_72 = tpu.memref_slice %arg14[%dma_wait3A_70, %dma_wait3A_71] : memref<10240x128xf32, #tpu.memory_space<vmem_shared>> -> memref<10240x128xf32, #tpu.memory_space<vmem_shared>>
            tpu.wait_indirect_dma semaphore(%run_scoped3A : memref<!tpu.dma_semaphore, #tpu.memory_space<semaphore_mem>>) src(%arg12 : memref<128x128xf32, #tpu.memory_space<vmem>>) dst(%dma_wait3A_72 : memref<10240x128xf32, #tpu.memory_space<vmem_shared>>)
            tpu.yield
          }) : () -> ()
        } else {
        }
        %jit3A_37 = arith.constant 2 : i32
        %eq3A_38 = arith.constant 0 : i32
        %eq3A_39 = arith.cmpi eq, %jit3A_37, %eq3A_38 : i32
        %jit3A_40 = arith.constant 1 : i32
        %select_n3A_41 = arith.select %eq3A_39, %jit3A_40, %jit3A_37 : i32
        %rem3A_42 = arith.remsi %scan3A_21, %select_n3A_41 : i32
        %ne3A_43 = arith.constant 0 : i32
        %ne3A_44 = arith.cmpi ne, %rem3A_42, %ne3A_43 : i32
        %lt3A_45 = arith.constant 0 : i32
        %lt3A_46 = arith.cmpi slt, %rem3A_42, %lt3A_45 : i32
        %lt3A_47 = arith.constant 0 : i32
        %lt3A_48 = arith.cmpi slt, %select_n3A_41, %lt3A_47 : i32
        %ne3A_49 = arith.xori %lt3A_46, %lt3A_48 : i1
        %and3A_50 = arith.andi %ne3A_49, %ne3A_44 : i1
        %add3A_51 = arith.addi %rem3A_42, %select_n3A_41 : i32
        %select_n3A_52 = arith.select %and3A_50, %add3A_51, %rem3A_42 : i32
        %eq3A_53 = arith.constant 1 : i32
        %eq3A_54 = arith.cmpi eq, %select_n3A_52, %eq3A_53 : i32
        %convert_element_type3A_55 = arith.extui %eq3A_54 : i1 to i32
        %cond3A_56 = arith.constant 0 : i32
        %cond3A_57 = arith.cmpi ne, %convert_element_type3A_55, %cond3A_56 : i32
        scf.if %cond3A_57 {
          %add3A_58 = arith.constant 1 : i32
          %add3A_59 = arith.addi %scan3A_21, %add3A_58 : i32
          %lt3A_60 = arith.constant 160 : i32
          %lt3A_61 = arith.cmpi slt, %add3A_59, %lt3A_60 : i32
          %convert_element_type3A_62 = arith.extui %lt3A_61 : i1 to i32
          %cond3A_63 = arith.constant 0 : i32
          %cond3A_64 = arith.cmpi ne, %convert_element_type3A_62, %cond3A_63 : i32
          scf.if %cond3A_64 {
            %add3A_67 = arith.constant 1 : i32
            %add3A_68 = arith.addi %scan3A_21, %add3A_67 : i32
            %mul3A_69 = arith.constant 128 : i32
            %mul3A_70 = arith.muli %add3A_68, %mul3A_69 : i32
            %add3A_71 = arith.addi %mul3A_2, %mul3A_70 : i32
            %add3A_72 = arith.constant 0 : i32
            %add3A_73 = arith.addi %add3A_71, %add3A_72 : i32
            "tpu.region"() ({
              %run_scoped3A = tpu.sem_alloc : memref<!tpu.dma_semaphore, #tpu.memory_space<semaphore_mem>>
              %dma_start3A_79 = tpu.memref_slice %arg5[%add3A_73] : memref<327680xi32, #tpu.memory_space<hbm>> -> memref<128xi32, #tpu.memory_space<hbm>>
              %dma_start3A_80 = tpu.memref_slice %arg5[%add3A_73] : memref<327680xi32, #tpu.memory_space<hbm>> -> memref<128xi32, #tpu.memory_space<hbm>>
              tpu.enqueue_dma source(%dma_start3A_80 : memref<128xi32, #tpu.memory_space<hbm>>) target(%arg8 : memref<128xi32, #tpu.memory_space<vmem>>) target_semaphore(%run_scoped3A : memref<!tpu.dma_semaphore, #tpu.memory_space<semaphore_mem>>)
              %dma_wait3A_81 = tpu.memref_slice %arg5[%add3A_73] : memref<327680xi32, #tpu.memory_space<hbm>> -> memref<128xi32, #tpu.memory_space<hbm>>
              %dma_wait3A_82 = tpu.memref_slice %arg5[%add3A_73] : memref<327680xi32, #tpu.memory_space<hbm>> -> memref<128xi32, #tpu.memory_space<hbm>>
              tpu.wait_dma2 semaphore(%run_scoped3A : memref<!tpu.dma_semaphore, #tpu.memory_space<semaphore_mem>>) src(%dma_wait3A_82 : memref<128xi32, #tpu.memory_space<hbm>>) dst(%arg8 : memref<128xi32, #tpu.memory_space<vmem>>)
              tpu.yield
            }) : () -> ()
            %add3A_74 = arith.constant 0 : i32
            %add3A_75 = arith.addi %add3A_71, %add3A_74 : i32
            "tpu.region"() ({
              %run_scoped3A = tpu.sem_alloc : memref<!tpu.dma_semaphore, #tpu.memory_space<semaphore_mem>>
              %dma_start3A_79 = tpu.memref_slice %arg4[%add3A_75] : memref<327680xi32, #tpu.memory_space<hbm>> -> memref<128xi32, #tpu.memory_space<hbm>>
              %dma_start3A_80 = tpu.memref_slice %arg4[%add3A_75] : memref<327680xi32, #tpu.memory_space<hbm>> -> memref<128xi32, #tpu.memory_space<hbm>>
              tpu.enqueue_dma source(%dma_start3A_80 : memref<128xi32, #tpu.memory_space<hbm>>) target(%arg10 : memref<128xi32, #tpu.memory_space<vmem>>) target_semaphore(%run_scoped3A : memref<!tpu.dma_semaphore, #tpu.memory_space<semaphore_mem>>)
              %dma_wait3A_81 = tpu.memref_slice %arg4[%add3A_75] : memref<327680xi32, #tpu.memory_space<hbm>> -> memref<128xi32, #tpu.memory_space<hbm>>
              %dma_wait3A_82 = tpu.memref_slice %arg4[%add3A_75] : memref<327680xi32, #tpu.memory_space<hbm>> -> memref<128xi32, #tpu.memory_space<hbm>>
              tpu.wait_dma2 semaphore(%run_scoped3A : memref<!tpu.dma_semaphore, #tpu.memory_space<semaphore_mem>>) src(%dma_wait3A_82 : memref<128xi32, #tpu.memory_space<hbm>>) dst(%arg10 : memref<128xi32, #tpu.memory_space<vmem>>)
              tpu.yield
            }) : () -> ()
            %dma_start3A_76 = arith.constant 0 : i32
            %dma_start3A_77 = arith.constant 0 : i32
            %dma_start3A_78 = tpu.memref_slice %arg2[%dma_start3A_76, %dma_start3A_77] : memref<10240x128xf32, #tpu.memory_space<hbm>> -> memref<10240x128xf32, #tpu.memory_space<hbm>>
            tpu.enqueue_indirect_dma source(%dma_start3A_78 : memref<10240x128xf32, #tpu.memory_space<hbm>>) target(%arg12 : memref<128x128xf32, #tpu.memory_space<vmem>>) offsets(%arg8 : memref<128xi32, #tpu.memory_space<vmem>>) semaphore(%arg15 : memref<!tpu.dma_semaphore, #tpu.memory_space<semaphore_mem>>)
          } else {
          }
          %dma_wait3A = arith.constant 0 : i32
          %dma_wait3A_65 = arith.constant 0 : i32
          %dma_wait3A_66 = tpu.memref_slice %arg2[%dma_wait3A, %dma_wait3A_65] : memref<10240x128xf32, #tpu.memory_space<hbm>> -> memref<10240x128xf32, #tpu.memory_space<hbm>>
          tpu.wait_indirect_dma semaphore(%arg16 : memref<!tpu.dma_semaphore, #tpu.memory_space<semaphore_mem>>) src(%dma_wait3A_66 : memref<10240x128xf32, #tpu.memory_space<hbm>>) dst(%arg13 : memref<128x128xf32, #tpu.memory_space<vmem>>)
          "tpu.region"() ({
            %run_scoped3A = tpu.sem_alloc : memref<!tpu.dma_semaphore, #tpu.memory_space<semaphore_mem>>
            %dma_start3A_67 = arith.constant 0 : i32
            %dma_start3A_68 = arith.constant 0 : i32
            %dma_start3A_69 = tpu.memref_slice %arg14[%dma_start3A_67, %dma_start3A_68] : memref<10240x128xf32, #tpu.memory_space<vmem_shared>> -> memref<10240x128xf32, #tpu.memory_space<vmem_shared>>
            tpu.enqueue_indirect_dma source(%arg13 : memref<128x128xf32, #tpu.memory_space<vmem>>) target(%dma_start3A_69 : memref<10240x128xf32, #tpu.memory_space<vmem_shared>>) offsets(%arg11 : memref<128xi32, #tpu.memory_space<vmem>>) semaphore(%run_scoped3A : memref<!tpu.dma_semaphore, #tpu.memory_space<semaphore_mem>>) {add = true}
            %dma_wait3A_70 = arith.constant 0 : i32
            %dma_wait3A_71 = arith.constant 0 : i32
            %dma_wait3A_72 = tpu.memref_slice %arg14[%dma_wait3A_70, %dma_wait3A_71] : memref<10240x128xf32, #tpu.memory_space<vmem_shared>> -> memref<10240x128xf32, #tpu.memory_space<vmem_shared>>
            tpu.wait_indirect_dma semaphore(%run_scoped3A : memref<!tpu.dma_semaphore, #tpu.memory_space<semaphore_mem>>) src(%arg13 : memref<128x128xf32, #tpu.memory_space<vmem>>) dst(%dma_wait3A_72 : memref<10240x128xf32, #tpu.memory_space<vmem_shared>>)
            tpu.yield
          }) : () -> ()
        } else {
        }
      }
      %scan3A_20 = arith.constant 160 : i32
    } else {
    }
    %eq3A_5 = arith.constant 1 : i32
    %eq3A_6 = arith.cmpi eq, %arg0, %eq3A_5 : i32
    %convert_element_type3A_7 = arith.extui %eq3A_6 : i1 to i32
    %cond3A_8 = arith.constant 0 : i32
    %cond3A_9 = arith.cmpi ne, %convert_element_type3A_7, %cond3A_8 : i32
    scf.if %cond3A_9 {
      %add3A = arith.constant 0 : i32
      %add3A_11 = arith.addi %mul3A_2, %add3A : i32
      "tpu.region"() ({
        %run_scoped3A = tpu.sem_alloc : memref<!tpu.dma_semaphore, #tpu.memory_space<semaphore_mem>>
        %dma_start3A_21 = tpu.memref_slice %arg4[%add3A_11] : memref<327680xi32, #tpu.memory_space<hbm>> -> memref<128xi32, #tpu.memory_space<hbm>>
        %dma_start3A_22 = tpu.memref_slice %arg4[%add3A_11] : memref<327680xi32, #tpu.memory_space<hbm>> -> memref<128xi32, #tpu.memory_space<hbm>>
        tpu.enqueue_dma source(%dma_start3A_22 : memref<128xi32, #tpu.memory_space<hbm>>) target(%arg8 : memref<128xi32, #tpu.memory_space<vmem>>) target_semaphore(%run_scoped3A : memref<!tpu.dma_semaphore, #tpu.memory_space<semaphore_mem>>)
        %dma_wait3A = tpu.memref_slice %arg4[%add3A_11] : memref<327680xi32, #tpu.memory_space<hbm>> -> memref<128xi32, #tpu.memory_space<hbm>>
        %dma_wait3A_23 = tpu.memref_slice %arg4[%add3A_11] : memref<327680xi32, #tpu.memory_space<hbm>> -> memref<128xi32, #tpu.memory_space<hbm>>
        tpu.wait_dma2 semaphore(%run_scoped3A : memref<!tpu.dma_semaphore, #tpu.memory_space<semaphore_mem>>) src(%dma_wait3A_23 : memref<128xi32, #tpu.memory_space<hbm>>) dst(%arg8 : memref<128xi32, #tpu.memory_space<vmem>>)
        tpu.yield
      }) : () -> ()
      %add3A_12 = arith.constant 0 : i32
      %add3A_13 = arith.addi %mul3A_2, %add3A_12 : i32
      "tpu.region"() ({
        %run_scoped3A = tpu.sem_alloc : memref<!tpu.dma_semaphore, #tpu.memory_space<semaphore_mem>>
        %dma_start3A_21 = tpu.memref_slice %arg5[%add3A_13] : memref<327680xi32, #tpu.memory_space<hbm>> -> memref<128xi32, #tpu.memory_space<hbm>>
        %dma_start3A_22 = tpu.memref_slice %arg5[%add3A_13] : memref<327680xi32, #tpu.memory_space<hbm>> -> memref<128xi32, #tpu.memory_space<hbm>>
        tpu.enqueue_dma source(%dma_start3A_22 : memref<128xi32, #tpu.memory_space<hbm>>) target(%arg10 : memref<128xi32, #tpu.memory_space<vmem>>) target_semaphore(%run_scoped3A : memref<!tpu.dma_semaphore, #tpu.memory_space<semaphore_mem>>)
        %dma_wait3A = tpu.memref_slice %arg5[%add3A_13] : memref<327680xi32, #tpu.memory_space<hbm>> -> memref<128xi32, #tpu.memory_space<hbm>>
        %dma_wait3A_23 = tpu.memref_slice %arg5[%add3A_13] : memref<327680xi32, #tpu.memory_space<hbm>> -> memref<128xi32, #tpu.memory_space<hbm>>
        tpu.wait_dma2 semaphore(%run_scoped3A : memref<!tpu.dma_semaphore, #tpu.memory_space<semaphore_mem>>) src(%dma_wait3A_23 : memref<128xi32, #tpu.memory_space<hbm>>) dst(%arg10 : memref<128xi32, #tpu.memory_space<vmem>>)
        tpu.yield
      }) : () -> ()
      %dma_start3A = arith.constant 0 : i32
      %dma_start3A_14 = arith.constant 0 : i32
      %dma_start3A_15 = tpu.memref_slice %arg3[%dma_start3A, %dma_start3A_14] : memref<10240x128xf32, #tpu.memory_space<hbm>> -> memref<10240x128xf32, #tpu.memory_space<hbm>>
      tpu.enqueue_indirect_dma source(%dma_start3A_15 : memref<10240x128xf32, #tpu.memory_space<hbm>>) target(%arg12 : memref<128x128xf32, #tpu.memory_space<vmem>>) offsets(%arg8 : memref<128xi32, #tpu.memory_space<vmem>>) semaphore(%arg15 : memref<!tpu.dma_semaphore, #tpu.memory_space<semaphore_mem>>)
      %scan3A = arith.constant 0 : i32
      %scan3A_16 = arith.constant 0 : i32
      %scan3A_17 = arith.constant 160 : i32
      %scan3A_18 = arith.addi %scan3A_16, %scan3A_17 : i32
      %scan3A_19 = arith.constant 1 : i32
      scf.for %scan3A_21 = %scan3A_16 to %scan3A_18 step %scan3A_19  : i32 {
        %jit3A = arith.constant 2 : i32
        %eq3A_22 = arith.constant 0 : i32
        %eq3A_23 = arith.cmpi eq, %jit3A, %eq3A_22 : i32
        %jit3A_24 = arith.constant 1 : i32
        %select_n3A = arith.select %eq3A_23, %jit3A_24, %jit3A : i32
        %rem3A = arith.remsi %scan3A_21, %select_n3A : i32
        %ne3A = arith.constant 0 : i32
        %ne3A_25 = arith.cmpi ne, %rem3A, %ne3A : i32
        %lt3A = arith.constant 0 : i32
        %lt3A_26 = arith.cmpi slt, %rem3A, %lt3A : i32
        %lt3A_27 = arith.constant 0 : i32
        %lt3A_28 = arith.cmpi slt, %select_n3A, %lt3A_27 : i32
        %ne3A_29 = arith.xori %lt3A_26, %lt3A_28 : i1
        %and3A = arith.andi %ne3A_29, %ne3A_25 : i1
        %add3A_30 = arith.addi %rem3A, %select_n3A : i32
        %select_n3A_31 = arith.select %and3A, %add3A_30, %rem3A : i32
        %eq3A_32 = arith.constant 0 : i32
        %eq3A_33 = arith.cmpi eq, %select_n3A_31, %eq3A_32 : i32
        %convert_element_type3A_34 = arith.extui %eq3A_33 : i1 to i32
        %cond3A_35 = arith.constant 0 : i32
        %cond3A_36 = arith.cmpi ne, %convert_element_type3A_34, %cond3A_35 : i32
        scf.if %cond3A_36 {
          %add3A_58 = arith.constant 1 : i32
          %add3A_59 = arith.addi %scan3A_21, %add3A_58 : i32
          %lt3A_60 = arith.constant 160 : i32
          %lt3A_61 = arith.cmpi slt, %add3A_59, %lt3A_60 : i32
          %convert_element_type3A_62 = arith.extui %lt3A_61 : i1 to i32
          %cond3A_63 = arith.constant 0 : i32
          %cond3A_64 = arith.cmpi ne, %convert_element_type3A_62, %cond3A_63 : i32
          scf.if %cond3A_64 {
            %add3A_67 = arith.constant 1 : i32
            %add3A_68 = arith.addi %scan3A_21, %add3A_67 : i32
            %mul3A_69 = arith.constant 128 : i32
            %mul3A_70 = arith.muli %add3A_68, %mul3A_69 : i32
            %add3A_71 = arith.addi %mul3A_2, %mul3A_70 : i32
            %add3A_72 = arith.constant 0 : i32
            %add3A_73 = arith.addi %add3A_71, %add3A_72 : i32
            "tpu.region"() ({
              %run_scoped3A = tpu.sem_alloc : memref<!tpu.dma_semaphore, #tpu.memory_space<semaphore_mem>>
              %dma_start3A_79 = tpu.memref_slice %arg4[%add3A_73] : memref<327680xi32, #tpu.memory_space<hbm>> -> memref<128xi32, #tpu.memory_space<hbm>>
              %dma_start3A_80 = tpu.memref_slice %arg4[%add3A_73] : memref<327680xi32, #tpu.memory_space<hbm>> -> memref<128xi32, #tpu.memory_space<hbm>>
              tpu.enqueue_dma source(%dma_start3A_80 : memref<128xi32, #tpu.memory_space<hbm>>) target(%arg9 : memref<128xi32, #tpu.memory_space<vmem>>) target_semaphore(%run_scoped3A : memref<!tpu.dma_semaphore, #tpu.memory_space<semaphore_mem>>)
              %dma_wait3A_81 = tpu.memref_slice %arg4[%add3A_73] : memref<327680xi32, #tpu.memory_space<hbm>> -> memref<128xi32, #tpu.memory_space<hbm>>
              %dma_wait3A_82 = tpu.memref_slice %arg4[%add3A_73] : memref<327680xi32, #tpu.memory_space<hbm>> -> memref<128xi32, #tpu.memory_space<hbm>>
              tpu.wait_dma2 semaphore(%run_scoped3A : memref<!tpu.dma_semaphore, #tpu.memory_space<semaphore_mem>>) src(%dma_wait3A_82 : memref<128xi32, #tpu.memory_space<hbm>>) dst(%arg9 : memref<128xi32, #tpu.memory_space<vmem>>)
              tpu.yield
            }) : () -> ()
            %add3A_74 = arith.constant 0 : i32
            %add3A_75 = arith.addi %add3A_71, %add3A_74 : i32
            "tpu.region"() ({
              %run_scoped3A = tpu.sem_alloc : memref<!tpu.dma_semaphore, #tpu.memory_space<semaphore_mem>>
              %dma_start3A_79 = tpu.memref_slice %arg5[%add3A_75] : memref<327680xi32, #tpu.memory_space<hbm>> -> memref<128xi32, #tpu.memory_space<hbm>>
              %dma_start3A_80 = tpu.memref_slice %arg5[%add3A_75] : memref<327680xi32, #tpu.memory_space<hbm>> -> memref<128xi32, #tpu.memory_space<hbm>>
              tpu.enqueue_dma source(%dma_start3A_80 : memref<128xi32, #tpu.memory_space<hbm>>) target(%arg11 : memref<128xi32, #tpu.memory_space<vmem>>) target_semaphore(%run_scoped3A : memref<!tpu.dma_semaphore, #tpu.memory_space<semaphore_mem>>)
              %dma_wait3A_81 = tpu.memref_slice %arg5[%add3A_75] : memref<327680xi32, #tpu.memory_space<hbm>> -> memref<128xi32, #tpu.memory_space<hbm>>
              %dma_wait3A_82 = tpu.memref_slice %arg5[%add3A_75] : memref<327680xi32, #tpu.memory_space<hbm>> -> memref<128xi32, #tpu.memory_space<hbm>>
              tpu.wait_dma2 semaphore(%run_scoped3A : memref<!tpu.dma_semaphore, #tpu.memory_space<semaphore_mem>>) src(%dma_wait3A_82 : memref<128xi32, #tpu.memory_space<hbm>>) dst(%arg11 : memref<128xi32, #tpu.memory_space<vmem>>)
              tpu.yield
            }) : () -> ()
            %dma_start3A_76 = arith.constant 0 : i32
            %dma_start3A_77 = arith.constant 0 : i32
            %dma_start3A_78 = tpu.memref_slice %arg3[%dma_start3A_76, %dma_start3A_77] : memref<10240x128xf32, #tpu.memory_space<hbm>> -> memref<10240x128xf32, #tpu.memory_space<hbm>>
            tpu.enqueue_indirect_dma source(%dma_start3A_78 : memref<10240x128xf32, #tpu.memory_space<hbm>>) target(%arg13 : memref<128x128xf32, #tpu.memory_space<vmem>>) offsets(%arg9 : memref<128xi32, #tpu.memory_space<vmem>>) semaphore(%arg16 : memref<!tpu.dma_semaphore, #tpu.memory_space<semaphore_mem>>)
          } else {
          }
          %dma_wait3A = arith.constant 0 : i32
          %dma_wait3A_65 = arith.constant 0 : i32
          %dma_wait3A_66 = tpu.memref_slice %arg3[%dma_wait3A, %dma_wait3A_65] : memref<10240x128xf32, #tpu.memory_space<hbm>> -> memref<10240x128xf32, #tpu.memory_space<hbm>>
          tpu.wait_indirect_dma semaphore(%arg15 : memref<!tpu.dma_semaphore, #tpu.memory_space<semaphore_mem>>) src(%dma_wait3A_66 : memref<10240x128xf32, #tpu.memory_space<hbm>>) dst(%arg12 : memref<128x128xf32, #tpu.memory_space<vmem>>)
          "tpu.region"() ({
            %run_scoped3A = tpu.sem_alloc : memref<!tpu.dma_semaphore, #tpu.memory_space<semaphore_mem>>
            %dma_start3A_67 = arith.constant 0 : i32
            %dma_start3A_68 = arith.constant 0 : i32
            %dma_start3A_69 = tpu.memref_slice %arg14[%dma_start3A_67, %dma_start3A_68] : memref<10240x128xf32, #tpu.memory_space<vmem_shared>> -> memref<10240x128xf32, #tpu.memory_space<vmem_shared>>
            tpu.enqueue_indirect_dma source(%arg12 : memref<128x128xf32, #tpu.memory_space<vmem>>) target(%dma_start3A_69 : memref<10240x128xf32, #tpu.memory_space<vmem_shared>>) offsets(%arg10 : memref<128xi32, #tpu.memory_space<vmem>>) semaphore(%run_scoped3A : memref<!tpu.dma_semaphore, #tpu.memory_space<semaphore_mem>>) {add = true}
            %dma_wait3A_70 = arith.constant 0 : i32
            %dma_wait3A_71 = arith.constant 0 : i32
            %dma_wait3A_72 = tpu.memref_slice %arg14[%dma_wait3A_70, %dma_wait3A_71] : memref<10240x128xf32, #tpu.memory_space<vmem_shared>> -> memref<10240x128xf32, #tpu.memory_space<vmem_shared>>
            tpu.wait_indirect_dma semaphore(%run_scoped3A : memref<!tpu.dma_semaphore, #tpu.memory_space<semaphore_mem>>) src(%arg12 : memref<128x128xf32, #tpu.memory_space<vmem>>) dst(%dma_wait3A_72 : memref<10240x128xf32, #tpu.memory_space<vmem_shared>>)
            tpu.yield
          }) : () -> ()
        } else {
        }
        %jit3A_37 = arith.constant 2 : i32
        %eq3A_38 = arith.constant 0 : i32
        %eq3A_39 = arith.cmpi eq, %jit3A_37, %eq3A_38 : i32
        %jit3A_40 = arith.constant 1 : i32
        %select_n3A_41 = arith.select %eq3A_39, %jit3A_40, %jit3A_37 : i32
        %rem3A_42 = arith.remsi %scan3A_21, %select_n3A_41 : i32
        %ne3A_43 = arith.constant 0 : i32
        %ne3A_44 = arith.cmpi ne, %rem3A_42, %ne3A_43 : i32
        %lt3A_45 = arith.constant 0 : i32
        %lt3A_46 = arith.cmpi slt, %rem3A_42, %lt3A_45 : i32
        %lt3A_47 = arith.constant 0 : i32
        %lt3A_48 = arith.cmpi slt, %select_n3A_41, %lt3A_47 : i32
        %ne3A_49 = arith.xori %lt3A_46, %lt3A_48 : i1
        %and3A_50 = arith.andi %ne3A_49, %ne3A_44 : i1
        %add3A_51 = arith.addi %rem3A_42, %select_n3A_41 : i32
        %select_n3A_52 = arith.select %and3A_50, %add3A_51, %rem3A_42 : i32
        %eq3A_53 = arith.constant 1 : i32
        %eq3A_54 = arith.cmpi eq, %select_n3A_52, %eq3A_53 : i32
        %convert_element_type3A_55 = arith.extui %eq3A_54 : i1 to i32
        %cond3A_56 = arith.constant 0 : i32
        %cond3A_57 = arith.cmpi ne, %convert_element_type3A_55, %cond3A_56 : i32
        scf.if %cond3A_57 {
          %add3A_58 = arith.constant 1 : i32
          %add3A_59 = arith.addi %scan3A_21, %add3A_58 : i32
          %lt3A_60 = arith.constant 160 : i32
          %lt3A_61 = arith.cmpi slt, %add3A_59, %lt3A_60 : i32
          %convert_element_type3A_62 = arith.extui %lt3A_61 : i1 to i32
          %cond3A_63 = arith.constant 0 : i32
          %cond3A_64 = arith.cmpi ne, %convert_element_type3A_62, %cond3A_63 : i32
          scf.if %cond3A_64 {
            %add3A_67 = arith.constant 1 : i32
            %add3A_68 = arith.addi %scan3A_21, %add3A_67 : i32
            %mul3A_69 = arith.constant 128 : i32
            %mul3A_70 = arith.muli %add3A_68, %mul3A_69 : i32
            %add3A_71 = arith.addi %mul3A_2, %mul3A_70 : i32
            %add3A_72 = arith.constant 0 : i32
            %add3A_73 = arith.addi %add3A_71, %add3A_72 : i32
            "tpu.region"() ({
              %run_scoped3A = tpu.sem_alloc : memref<!tpu.dma_semaphore, #tpu.memory_space<semaphore_mem>>
              %dma_start3A_79 = tpu.memref_slice %arg4[%add3A_73] : memref<327680xi32, #tpu.memory_space<hbm>> -> memref<128xi32, #tpu.memory_space<hbm>>
              %dma_start3A_80 = tpu.memref_slice %arg4[%add3A_73] : memref<327680xi32, #tpu.memory_space<hbm>> -> memref<128xi32, #tpu.memory_space<hbm>>
              tpu.enqueue_dma source(%dma_start3A_80 : memref<128xi32, #tpu.memory_space<hbm>>) target(%arg8 : memref<128xi32, #tpu.memory_space<vmem>>) target_semaphore(%run_scoped3A : memref<!tpu.dma_semaphore, #tpu.memory_space<semaphore_mem>>)
              %dma_wait3A_81 = tpu.memref_slice %arg4[%add3A_73] : memref<327680xi32, #tpu.memory_space<hbm>> -> memref<128xi32, #tpu.memory_space<hbm>>
              %dma_wait3A_82 = tpu.memref_slice %arg4[%add3A_73] : memref<327680xi32, #tpu.memory_space<hbm>> -> memref<128xi32, #tpu.memory_space<hbm>>
              tpu.wait_dma2 semaphore(%run_scoped3A : memref<!tpu.dma_semaphore, #tpu.memory_space<semaphore_mem>>) src(%dma_wait3A_82 : memref<128xi32, #tpu.memory_space<hbm>>) dst(%arg8 : memref<128xi32, #tpu.memory_space<vmem>>)
              tpu.yield
            }) : () -> ()
            %add3A_74 = arith.constant 0 : i32
            %add3A_75 = arith.addi %add3A_71, %add3A_74 : i32
            "tpu.region"() ({
              %run_scoped3A = tpu.sem_alloc : memref<!tpu.dma_semaphore, #tpu.memory_space<semaphore_mem>>
              %dma_start3A_79 = tpu.memref_slice %arg5[%add3A_75] : memref<327680xi32, #tpu.memory_space<hbm>> -> memref<128xi32, #tpu.memory_space<hbm>>
              %dma_start3A_80 = tpu.memref_slice %arg5[%add3A_75] : memref<327680xi32, #tpu.memory_space<hbm>> -> memref<128xi32, #tpu.memory_space<hbm>>
              tpu.enqueue_dma source(%dma_start3A_80 : memref<128xi32, #tpu.memory_space<hbm>>) target(%arg10 : memref<128xi32, #tpu.memory_space<vmem>>) target_semaphore(%run_scoped3A : memref<!tpu.dma_semaphore, #tpu.memory_space<semaphore_mem>>)
              %dma_wait3A_81 = tpu.memref_slice %arg5[%add3A_75] : memref<327680xi32, #tpu.memory_space<hbm>> -> memref<128xi32, #tpu.memory_space<hbm>>
              %dma_wait3A_82 = tpu.memref_slice %arg5[%add3A_75] : memref<327680xi32, #tpu.memory_space<hbm>> -> memref<128xi32, #tpu.memory_space<hbm>>
              tpu.wait_dma2 semaphore(%run_scoped3A : memref<!tpu.dma_semaphore, #tpu.memory_space<semaphore_mem>>) src(%dma_wait3A_82 : memref<128xi32, #tpu.memory_space<hbm>>) dst(%arg10 : memref<128xi32, #tpu.memory_space<vmem>>)
              tpu.yield
            }) : () -> ()
            %dma_start3A_76 = arith.constant 0 : i32
            %dma_start3A_77 = arith.constant 0 : i32
            %dma_start3A_78 = tpu.memref_slice %arg3[%dma_start3A_76, %dma_start3A_77] : memref<10240x128xf32, #tpu.memory_space<hbm>> -> memref<10240x128xf32, #tpu.memory_space<hbm>>
            tpu.enqueue_indirect_dma source(%dma_start3A_78 : memref<10240x128xf32, #tpu.memory_space<hbm>>) target(%arg12 : memref<128x128xf32, #tpu.memory_space<vmem>>) offsets(%arg8 : memref<128xi32, #tpu.memory_space<vmem>>) semaphore(%arg15 : memref<!tpu.dma_semaphore, #tpu.memory_space<semaphore_mem>>)
          } else {
          }
          %dma_wait3A = arith.constant 0 : i32
          %dma_wait3A_65 = arith.constant 0 : i32
          %dma_wait3A_66 = tpu.memref_slice %arg3[%dma_wait3A, %dma_wait3A_65] : memref<10240x128xf32, #tpu.memory_space<hbm>> -> memref<10240x128xf32, #tpu.memory_space<hbm>>
          tpu.wait_indirect_dma semaphore(%arg16 : memref<!tpu.dma_semaphore, #tpu.memory_space<semaphore_mem>>) src(%dma_wait3A_66 : memref<10240x128xf32, #tpu.memory_space<hbm>>) dst(%arg13 : memref<128x128xf32, #tpu.memory_space<vmem>>)
          "tpu.region"() ({
            %run_scoped3A = tpu.sem_alloc : memref<!tpu.dma_semaphore, #tpu.memory_space<semaphore_mem>>
            %dma_start3A_67 = arith.constant 0 : i32
            %dma_start3A_68 = arith.constant 0 : i32
            %dma_start3A_69 = tpu.memref_slice %arg14[%dma_start3A_67, %dma_start3A_68] : memref<10240x128xf32, #tpu.memory_space<vmem_shared>> -> memref<10240x128xf32, #tpu.memory_space<vmem_shared>>
            tpu.enqueue_indirect_dma source(%arg13 : memref<128x128xf32, #tpu.memory_space<vmem>>) target(%dma_start3A_69 : memref<10240x128xf32, #tpu.memory_space<vmem_shared>>) offsets(%arg11 : memref<128xi32, #tpu.memory_space<vmem>>) semaphore(%run_scoped3A : memref<!tpu.dma_semaphore, #tpu.memory_space<semaphore_mem>>) {add = true}
            %dma_wait3A_70 = arith.constant 0 : i32
            %dma_wait3A_71 = arith.constant 0 : i32
            %dma_wait3A_72 = tpu.memref_slice %arg14[%dma_wait3A_70, %dma_wait3A_71] : memref<10240x128xf32, #tpu.memory_space<vmem_shared>> -> memref<10240x128xf32, #tpu.memory_space<vmem_shared>>
            tpu.wait_indirect_dma semaphore(%run_scoped3A : memref<!tpu.dma_semaphore, #tpu.memory_space<semaphore_mem>>) src(%arg13 : memref<128x128xf32, #tpu.memory_space<vmem>>) dst(%dma_wait3A_72 : memref<10240x128xf32, #tpu.memory_space<vmem_shared>>)
            tpu.yield
          }) : () -> ()
        } else {
        }
      }
      %scan3A_20 = arith.constant 160 : i32
    } else {
    }
    %barrier3A_10 = arith.constant 0 : index
    tpu.barrier barrier_id(%barrier3A_10)
    "tpu.region"() ({
      %run_scoped3A = tpu.sem_alloc : memref<!tpu.dma_semaphore, #tpu.memory_space<semaphore_mem>>
      %dma_start3A = arith.constant 0 : i32
      %dma_start3A_11 = tpu.memref_slice %arg7[%arg0, %mul3A_0, %dma_start3A] : memref<2x10240x128xf32, #tpu.memory_space<hbm>> -> memref<1x640x128xf32, #tpu.memory_space<hbm>>
      %dma_start3A_12 = tpu.memref_squeeze %dma_start3A_11 : memref<1x640x128xf32, #tpu.memory_space<hbm>> -> memref<640x128xf32, #tpu.memory_space<hbm>>
      %dma_start3A_13 = arith.constant 0 : i32
      %dma_start3A_14 = tpu.memref_slice %arg14[%mul3A_0, %dma_start3A_13] : memref<10240x128xf32, #tpu.memory_space<vmem_shared>> -> memref<640x128xf32, #tpu.memory_space<vmem_shared>>
      tpu.enqueue_dma source(%dma_start3A_14 : memref<640x128xf32, #tpu.memory_space<vmem_shared>>) target(%dma_start3A_12 : memref<640x128xf32, #tpu.memory_space<hbm>>) target_semaphore(%run_scoped3A : memref<!tpu.dma_semaphore, #tpu.memory_space<semaphore_mem>>)
      %dma_wait3A = arith.constant 0 : i32
      %dma_wait3A_15 = tpu.memref_slice %arg7[%arg0, %mul3A_0, %dma_wait3A] : memref<2x10240x128xf32, #tpu.memory_space<hbm>> -> memref<1x640x128xf32, #tpu.memory_space<hbm>>
      %dma_wait3A_16 = tpu.memref_squeeze %dma_wait3A_15 : memref<1x640x128xf32, #tpu.memory_space<hbm>> -> memref<640x128xf32, #tpu.memory_space<hbm>>
      %dma_wait3A_17 = arith.constant 0 : i32
      %dma_wait3A_18 = tpu.memref_slice %arg14[%mul3A_0, %dma_wait3A_17] : memref<10240x128xf32, #tpu.memory_space<vmem_shared>> -> memref<640x128xf32, #tpu.memory_space<vmem_shared>>
      tpu.wait_dma2 semaphore(%run_scoped3A : memref<!tpu.dma_semaphore, #tpu.memory_space<semaphore_mem>>) src(%dma_wait3A_18 : memref<640x128xf32, #tpu.memory_space<vmem_shared>>) dst(%dma_wait3A_16 : memref<640x128xf32, #tpu.memory_space<hbm>>)
      tpu.yield
    }) : () -> ()
    return
  }
}

#map = affine_map<(d0, d1) -> (0, 0)>
#map1 = affine_map<(d0, d1) -> (0)>
#map2 = affine_map<(d0, d1) -> (0, 0, 0)>
module attributes {stable_mosaic.version = 14 : i64} {
  func.func @_sc3_body(%arg0: i32, %arg1: i32, %arg2: memref<10240x128xf32, #tpu.memory_space<hbm>>, %arg3: memref<327680xi32, #tpu.memory_space<hbm>>, %arg4: memref<327680xi32, #tpu.memory_space<hbm>>, %arg5: memref<10240x128xf32, #tpu.memory_space<hbm>>, %arg6: memref<2x10240x128xf32, #tpu.memory_space<hbm>>, %arg7: memref<128xi32, #tpu.memory_space<vmem>>, %arg8: memref<128xi32, #tpu.memory_space<vmem>>, %arg9: memref<128xi32, #tpu.memory_space<vmem>>, %arg10: memref<128xi32, #tpu.memory_space<vmem>>, %arg11: memref<128x128xf32, #tpu.memory_space<vmem>>, %arg12: memref<128x128xf32, #tpu.memory_space<vmem>>, %arg13: memref<10240x128xf32, #tpu.memory_space<vmem_shared>>, %arg14: memref<!tpu.dma_semaphore, #tpu.memory_space<semaphore_mem>>, %arg15: memref<!tpu.dma_semaphore, #tpu.memory_space<semaphore_mem>>) attributes {dimension_semantics = [#tpu.dimension_semantics<core_parallel>, #tpu.dimension_semantics<subcore_parallel>], iteration_bounds = array<i64: 2, 16>, scalar_prefetch = 0 : i64, scratch_operands = 9 : i64, tpu.core_type = #tpu.core_type<sc_vector_subcore>, window_params = [{transform_indices = #map}, {transform_indices = #map1}, {transform_indices = #map1}, {transform_indices = #map}, {transform_indices = #map2}]} {
    %mul3A = arith.constant 2 : i32
    %mul3A_0 = arith.muli %arg1, %mul3A : i32
    %add3A = arith.addi %mul3A_0, %arg0 : i32
    %mul3A_1 = arith.constant 640 : i32
    %mul3A_2 = arith.muli %arg1, %mul3A_1 : i32
    "tpu.region"() ({
      %run_scoped3A = tpu.sem_alloc : memref<!tpu.dma_semaphore, #tpu.memory_space<semaphore_mem>>
      %dma_start3A_17 = arith.constant 0 : i32
      %dma_start3A_18 = tpu.memref_slice %arg13[%mul3A_2, %dma_start3A_17] : memref<10240x128xf32, #tpu.memory_space<vmem_shared>> -> memref<640x128xf32, #tpu.memory_space<vmem_shared>>
      %dma_start3A_19 = arith.constant 0 : i32
      %dma_start3A_20 = tpu.memref_slice %arg5[%mul3A_2, %dma_start3A_19] : memref<10240x128xf32, #tpu.memory_space<hbm>> -> memref<640x128xf32, #tpu.memory_space<hbm>>
      tpu.enqueue_dma source(%dma_start3A_20 : memref<640x128xf32, #tpu.memory_space<hbm>>) target(%dma_start3A_18 : memref<640x128xf32, #tpu.memory_space<vmem_shared>>) target_semaphore(%run_scoped3A : memref<!tpu.dma_semaphore, #tpu.memory_space<semaphore_mem>>)
      %dma_wait3A = arith.constant 0 : i32
      %dma_wait3A_21 = tpu.memref_slice %arg13[%mul3A_2, %dma_wait3A] : memref<10240x128xf32, #tpu.memory_space<vmem_shared>> -> memref<640x128xf32, #tpu.memory_space<vmem_shared>>
      %dma_wait3A_22 = arith.constant 0 : i32
      %dma_wait3A_23 = tpu.memref_slice %arg5[%mul3A_2, %dma_wait3A_22] : memref<10240x128xf32, #tpu.memory_space<hbm>> -> memref<640x128xf32, #tpu.memory_space<hbm>>
      tpu.wait_dma2 semaphore(%run_scoped3A : memref<!tpu.dma_semaphore, #tpu.memory_space<semaphore_mem>>) src(%dma_wait3A_23 : memref<640x128xf32, #tpu.memory_space<hbm>>) dst(%dma_wait3A_21 : memref<640x128xf32, #tpu.memory_space<vmem_shared>>)
      tpu.yield
    }) : () -> ()
    %barrier3A = arith.constant 0 : index
    tpu.barrier barrier_id(%barrier3A)
    %mul3A_3 = arith.constant 10240 : i32
    %mul3A_4 = arith.muli %add3A, %mul3A_3 : i32
    %add3A_5 = arith.constant 0 : i32
    %add3A_6 = arith.addi %mul3A_4, %add3A_5 : i32
    "tpu.region"() ({
      %run_scoped3A = tpu.sem_alloc : memref<!tpu.dma_semaphore, #tpu.memory_space<semaphore_mem>>
      %dma_start3A_17 = tpu.memref_slice %arg3[%add3A_6] : memref<327680xi32, #tpu.memory_space<hbm>> -> memref<128xi32, #tpu.memory_space<hbm>>
      %dma_start3A_18 = tpu.memref_slice %arg3[%add3A_6] : memref<327680xi32, #tpu.memory_space<hbm>> -> memref<128xi32, #tpu.memory_space<hbm>>
      tpu.enqueue_dma source(%dma_start3A_18 : memref<128xi32, #tpu.memory_space<hbm>>) target(%arg7 : memref<128xi32, #tpu.memory_space<vmem>>) target_semaphore(%run_scoped3A : memref<!tpu.dma_semaphore, #tpu.memory_space<semaphore_mem>>)
      %dma_wait3A = tpu.memref_slice %arg3[%add3A_6] : memref<327680xi32, #tpu.memory_space<hbm>> -> memref<128xi32, #tpu.memory_space<hbm>>
      %dma_wait3A_19 = tpu.memref_slice %arg3[%add3A_6] : memref<327680xi32, #tpu.memory_space<hbm>> -> memref<128xi32, #tpu.memory_space<hbm>>
      tpu.wait_dma2 semaphore(%run_scoped3A : memref<!tpu.dma_semaphore, #tpu.memory_space<semaphore_mem>>) src(%dma_wait3A_19 : memref<128xi32, #tpu.memory_space<hbm>>) dst(%arg7 : memref<128xi32, #tpu.memory_space<vmem>>)
      tpu.yield
    }) : () -> ()
    %add3A_7 = arith.constant 0 : i32
    %add3A_8 = arith.addi %mul3A_4, %add3A_7 : i32
    "tpu.region"() ({
      %run_scoped3A = tpu.sem_alloc : memref<!tpu.dma_semaphore, #tpu.memory_space<semaphore_mem>>
      %dma_start3A_17 = tpu.memref_slice %arg4[%add3A_8] : memref<327680xi32, #tpu.memory_space<hbm>> -> memref<128xi32, #tpu.memory_space<hbm>>
      %dma_start3A_18 = tpu.memref_slice %arg4[%add3A_8] : memref<327680xi32, #tpu.memory_space<hbm>> -> memref<128xi32, #tpu.memory_space<hbm>>
      tpu.enqueue_dma source(%dma_start3A_18 : memref<128xi32, #tpu.memory_space<hbm>>) target(%arg9 : memref<128xi32, #tpu.memory_space<vmem>>) target_semaphore(%run_scoped3A : memref<!tpu.dma_semaphore, #tpu.memory_space<semaphore_mem>>)
      %dma_wait3A = tpu.memref_slice %arg4[%add3A_8] : memref<327680xi32, #tpu.memory_space<hbm>> -> memref<128xi32, #tpu.memory_space<hbm>>
      %dma_wait3A_19 = tpu.memref_slice %arg4[%add3A_8] : memref<327680xi32, #tpu.memory_space<hbm>> -> memref<128xi32, #tpu.memory_space<hbm>>
      tpu.wait_dma2 semaphore(%run_scoped3A : memref<!tpu.dma_semaphore, #tpu.memory_space<semaphore_mem>>) src(%dma_wait3A_19 : memref<128xi32, #tpu.memory_space<hbm>>) dst(%arg9 : memref<128xi32, #tpu.memory_space<vmem>>)
      tpu.yield
    }) : () -> ()
    %dma_start3A = arith.constant 0 : i32
    %dma_start3A_9 = arith.constant 0 : i32
    %dma_start3A_10 = tpu.memref_slice %arg2[%dma_start3A, %dma_start3A_9] : memref<10240x128xf32, #tpu.memory_space<hbm>> -> memref<10240x128xf32, #tpu.memory_space<hbm>>
    tpu.enqueue_indirect_dma source(%dma_start3A_10 : memref<10240x128xf32, #tpu.memory_space<hbm>>) target(%arg11 : memref<128x128xf32, #tpu.memory_space<vmem>>) offsets(%arg7 : memref<128xi32, #tpu.memory_space<vmem>>) semaphore(%arg14 : memref<!tpu.dma_semaphore, #tpu.memory_space<semaphore_mem>>)
    %scan3A = arith.constant 0 : i32
    %scan3A_11 = arith.constant 0 : i32
    %scan3A_12 = arith.constant 80 : i32
    %scan3A_13 = arith.addi %scan3A_11, %scan3A_12 : i32
    %scan3A_14 = arith.constant 1 : i32
    scf.for %scan3A_17 = %scan3A_11 to %scan3A_13 step %scan3A_14  : i32 {
      %jit3A = arith.constant 2 : i32
      %eq3A = arith.constant 0 : i32
      %eq3A_18 = arith.cmpi eq, %jit3A, %eq3A : i32
      %jit3A_19 = arith.constant 1 : i32
      %select_n3A = arith.select %eq3A_18, %jit3A_19, %jit3A : i32
      %rem3A = arith.remsi %scan3A_17, %select_n3A : i32
      %ne3A = arith.constant 0 : i32
      %ne3A_20 = arith.cmpi ne, %rem3A, %ne3A : i32
      %lt3A = arith.constant 0 : i32
      %lt3A_21 = arith.cmpi slt, %rem3A, %lt3A : i32
      %lt3A_22 = arith.constant 0 : i32
      %lt3A_23 = arith.cmpi slt, %select_n3A, %lt3A_22 : i32
      %ne3A_24 = arith.xori %lt3A_21, %lt3A_23 : i1
      %and3A = arith.andi %ne3A_24, %ne3A_20 : i1
      %add3A_25 = arith.addi %rem3A, %select_n3A : i32
      %select_n3A_26 = arith.select %and3A, %add3A_25, %rem3A : i32
      %eq3A_27 = arith.constant 0 : i32
      %eq3A_28 = arith.cmpi eq, %select_n3A_26, %eq3A_27 : i32
      %convert_element_type3A = arith.extui %eq3A_28 : i1 to i32
      %cond3A = arith.constant 0 : i32
      %cond3A_29 = arith.cmpi ne, %convert_element_type3A, %cond3A : i32
      scf.if %cond3A_29 {
        %add3A_51 = arith.constant 1 : i32
        %add3A_52 = arith.addi %scan3A_17, %add3A_51 : i32
        %lt3A_53 = arith.constant 80 : i32
        %lt3A_54 = arith.cmpi slt, %add3A_52, %lt3A_53 : i32
        %convert_element_type3A_55 = arith.extui %lt3A_54 : i1 to i32
        %cond3A_56 = arith.constant 0 : i32
        %cond3A_57 = arith.cmpi ne, %convert_element_type3A_55, %cond3A_56 : i32
        scf.if %cond3A_57 {
          %add3A_60 = arith.constant 1 : i32
          %add3A_61 = arith.addi %scan3A_17, %add3A_60 : i32
          %mul3A_62 = arith.constant 128 : i32
          %mul3A_63 = arith.muli %add3A_61, %mul3A_62 : i32
          %add3A_64 = arith.addi %mul3A_4, %mul3A_63 : i32
          %add3A_65 = arith.constant 0 : i32
          %add3A_66 = arith.addi %add3A_64, %add3A_65 : i32
          "tpu.region"() ({
            %run_scoped3A = tpu.sem_alloc : memref<!tpu.dma_semaphore, #tpu.memory_space<semaphore_mem>>
            %dma_start3A_72 = tpu.memref_slice %arg3[%add3A_66] : memref<327680xi32, #tpu.memory_space<hbm>> -> memref<128xi32, #tpu.memory_space<hbm>>
            %dma_start3A_73 = tpu.memref_slice %arg3[%add3A_66] : memref<327680xi32, #tpu.memory_space<hbm>> -> memref<128xi32, #tpu.memory_space<hbm>>
            tpu.enqueue_dma source(%dma_start3A_73 : memref<128xi32, #tpu.memory_space<hbm>>) target(%arg8 : memref<128xi32, #tpu.memory_space<vmem>>) target_semaphore(%run_scoped3A : memref<!tpu.dma_semaphore, #tpu.memory_space<semaphore_mem>>)
            %dma_wait3A_74 = tpu.memref_slice %arg3[%add3A_66] : memref<327680xi32, #tpu.memory_space<hbm>> -> memref<128xi32, #tpu.memory_space<hbm>>
            %dma_wait3A_75 = tpu.memref_slice %arg3[%add3A_66] : memref<327680xi32, #tpu.memory_space<hbm>> -> memref<128xi32, #tpu.memory_space<hbm>>
            tpu.wait_dma2 semaphore(%run_scoped3A : memref<!tpu.dma_semaphore, #tpu.memory_space<semaphore_mem>>) src(%dma_wait3A_75 : memref<128xi32, #tpu.memory_space<hbm>>) dst(%arg8 : memref<128xi32, #tpu.memory_space<vmem>>)
            tpu.yield
          }) : () -> ()
          %add3A_67 = arith.constant 0 : i32
          %add3A_68 = arith.addi %add3A_64, %add3A_67 : i32
          "tpu.region"() ({
            %run_scoped3A = tpu.sem_alloc : memref<!tpu.dma_semaphore, #tpu.memory_space<semaphore_mem>>
            %dma_start3A_72 = tpu.memref_slice %arg4[%add3A_68] : memref<327680xi32, #tpu.memory_space<hbm>> -> memref<128xi32, #tpu.memory_space<hbm>>
            %dma_start3A_73 = tpu.memref_slice %arg4[%add3A_68] : memref<327680xi32, #tpu.memory_space<hbm>> -> memref<128xi32, #tpu.memory_space<hbm>>
            tpu.enqueue_dma source(%dma_start3A_73 : memref<128xi32, #tpu.memory_space<hbm>>) target(%arg10 : memref<128xi32, #tpu.memory_space<vmem>>) target_semaphore(%run_scoped3A : memref<!tpu.dma_semaphore, #tpu.memory_space<semaphore_mem>>)
            %dma_wait3A_74 = tpu.memref_slice %arg4[%add3A_68] : memref<327680xi32, #tpu.memory_space<hbm>> -> memref<128xi32, #tpu.memory_space<hbm>>
            %dma_wait3A_75 = tpu.memref_slice %arg4[%add3A_68] : memref<327680xi32, #tpu.memory_space<hbm>> -> memref<128xi32, #tpu.memory_space<hbm>>
            tpu.wait_dma2 semaphore(%run_scoped3A : memref<!tpu.dma_semaphore, #tpu.memory_space<semaphore_mem>>) src(%dma_wait3A_75 : memref<128xi32, #tpu.memory_space<hbm>>) dst(%arg10 : memref<128xi32, #tpu.memory_space<vmem>>)
            tpu.yield
          }) : () -> ()
          %dma_start3A_69 = arith.constant 0 : i32
          %dma_start3A_70 = arith.constant 0 : i32
          %dma_start3A_71 = tpu.memref_slice %arg2[%dma_start3A_69, %dma_start3A_70] : memref<10240x128xf32, #tpu.memory_space<hbm>> -> memref<10240x128xf32, #tpu.memory_space<hbm>>
          tpu.enqueue_indirect_dma source(%dma_start3A_71 : memref<10240x128xf32, #tpu.memory_space<hbm>>) target(%arg12 : memref<128x128xf32, #tpu.memory_space<vmem>>) offsets(%arg8 : memref<128xi32, #tpu.memory_space<vmem>>) semaphore(%arg15 : memref<!tpu.dma_semaphore, #tpu.memory_space<semaphore_mem>>)
        } else {
        }
        %dma_wait3A = arith.constant 0 : i32
        %dma_wait3A_58 = arith.constant 0 : i32
        %dma_wait3A_59 = tpu.memref_slice %arg2[%dma_wait3A, %dma_wait3A_58] : memref<10240x128xf32, #tpu.memory_space<hbm>> -> memref<10240x128xf32, #tpu.memory_space<hbm>>
        tpu.wait_indirect_dma semaphore(%arg14 : memref<!tpu.dma_semaphore, #tpu.memory_space<semaphore_mem>>) src(%dma_wait3A_59 : memref<10240x128xf32, #tpu.memory_space<hbm>>) dst(%arg11 : memref<128x128xf32, #tpu.memory_space<vmem>>)
        "tpu.region"() ({
          %run_scoped3A = tpu.sem_alloc : memref<!tpu.dma_semaphore, #tpu.memory_space<semaphore_mem>>
          %dma_start3A_60 = arith.constant 0 : i32
          %dma_start3A_61 = arith.constant 0 : i32
          %dma_start3A_62 = tpu.memref_slice %arg13[%dma_start3A_60, %dma_start3A_61] : memref<10240x128xf32, #tpu.memory_space<vmem_shared>> -> memref<10240x128xf32, #tpu.memory_space<vmem_shared>>
          tpu.enqueue_indirect_dma source(%arg11 : memref<128x128xf32, #tpu.memory_space<vmem>>) target(%dma_start3A_62 : memref<10240x128xf32, #tpu.memory_space<vmem_shared>>) offsets(%arg9 : memref<128xi32, #tpu.memory_space<vmem>>) semaphore(%run_scoped3A : memref<!tpu.dma_semaphore, #tpu.memory_space<semaphore_mem>>) {add = true}
          %dma_wait3A_63 = arith.constant 0 : i32
          %dma_wait3A_64 = arith.constant 0 : i32
          %dma_wait3A_65 = tpu.memref_slice %arg13[%dma_wait3A_63, %dma_wait3A_64] : memref<10240x128xf32, #tpu.memory_space<vmem_shared>> -> memref<10240x128xf32, #tpu.memory_space<vmem_shared>>
          tpu.wait_indirect_dma semaphore(%run_scoped3A : memref<!tpu.dma_semaphore, #tpu.memory_space<semaphore_mem>>) src(%arg11 : memref<128x128xf32, #tpu.memory_space<vmem>>) dst(%dma_wait3A_65 : memref<10240x128xf32, #tpu.memory_space<vmem_shared>>)
          tpu.yield
        }) : () -> ()
      } else {
      }
      %jit3A_30 = arith.constant 2 : i32
      %eq3A_31 = arith.constant 0 : i32
      %eq3A_32 = arith.cmpi eq, %jit3A_30, %eq3A_31 : i32
      %jit3A_33 = arith.constant 1 : i32
      %select_n3A_34 = arith.select %eq3A_32, %jit3A_33, %jit3A_30 : i32
      %rem3A_35 = arith.remsi %scan3A_17, %select_n3A_34 : i32
      %ne3A_36 = arith.constant 0 : i32
      %ne3A_37 = arith.cmpi ne, %rem3A_35, %ne3A_36 : i32
      %lt3A_38 = arith.constant 0 : i32
      %lt3A_39 = arith.cmpi slt, %rem3A_35, %lt3A_38 : i32
      %lt3A_40 = arith.constant 0 : i32
      %lt3A_41 = arith.cmpi slt, %select_n3A_34, %lt3A_40 : i32
      %ne3A_42 = arith.xori %lt3A_39, %lt3A_41 : i1
      %and3A_43 = arith.andi %ne3A_42, %ne3A_37 : i1
      %add3A_44 = arith.addi %rem3A_35, %select_n3A_34 : i32
      %select_n3A_45 = arith.select %and3A_43, %add3A_44, %rem3A_35 : i32
      %eq3A_46 = arith.constant 1 : i32
      %eq3A_47 = arith.cmpi eq, %select_n3A_45, %eq3A_46 : i32
      %convert_element_type3A_48 = arith.extui %eq3A_47 : i1 to i32
      %cond3A_49 = arith.constant 0 : i32
      %cond3A_50 = arith.cmpi ne, %convert_element_type3A_48, %cond3A_49 : i32
      scf.if %cond3A_50 {
        %add3A_51 = arith.constant 1 : i32
        %add3A_52 = arith.addi %scan3A_17, %add3A_51 : i32
        %lt3A_53 = arith.constant 80 : i32
        %lt3A_54 = arith.cmpi slt, %add3A_52, %lt3A_53 : i32
        %convert_element_type3A_55 = arith.extui %lt3A_54 : i1 to i32
        %cond3A_56 = arith.constant 0 : i32
        %cond3A_57 = arith.cmpi ne, %convert_element_type3A_55, %cond3A_56 : i32
        scf.if %cond3A_57 {
          %add3A_60 = arith.constant 1 : i32
          %add3A_61 = arith.addi %scan3A_17, %add3A_60 : i32
          %mul3A_62 = arith.constant 128 : i32
          %mul3A_63 = arith.muli %add3A_61, %mul3A_62 : i32
          %add3A_64 = arith.addi %mul3A_4, %mul3A_63 : i32
          %add3A_65 = arith.constant 0 : i32
          %add3A_66 = arith.addi %add3A_64, %add3A_65 : i32
          "tpu.region"() ({
            %run_scoped3A = tpu.sem_alloc : memref<!tpu.dma_semaphore, #tpu.memory_space<semaphore_mem>>
            %dma_start3A_72 = tpu.memref_slice %arg3[%add3A_66] : memref<327680xi32, #tpu.memory_space<hbm>> -> memref<128xi32, #tpu.memory_space<hbm>>
            %dma_start3A_73 = tpu.memref_slice %arg3[%add3A_66] : memref<327680xi32, #tpu.memory_space<hbm>> -> memref<128xi32, #tpu.memory_space<hbm>>
            tpu.enqueue_dma source(%dma_start3A_73 : memref<128xi32, #tpu.memory_space<hbm>>) target(%arg7 : memref<128xi32, #tpu.memory_space<vmem>>) target_semaphore(%run_scoped3A : memref<!tpu.dma_semaphore, #tpu.memory_space<semaphore_mem>>)
            %dma_wait3A_74 = tpu.memref_slice %arg3[%add3A_66] : memref<327680xi32, #tpu.memory_space<hbm>> -> memref<128xi32, #tpu.memory_space<hbm>>
            %dma_wait3A_75 = tpu.memref_slice %arg3[%add3A_66] : memref<327680xi32, #tpu.memory_space<hbm>> -> memref<128xi32, #tpu.memory_space<hbm>>
            tpu.wait_dma2 semaphore(%run_scoped3A : memref<!tpu.dma_semaphore, #tpu.memory_space<semaphore_mem>>) src(%dma_wait3A_75 : memref<128xi32, #tpu.memory_space<hbm>>) dst(%arg7 : memref<128xi32, #tpu.memory_space<vmem>>)
            tpu.yield
          }) : () -> ()
          %add3A_67 = arith.constant 0 : i32
          %add3A_68 = arith.addi %add3A_64, %add3A_67 : i32
          "tpu.region"() ({
            %run_scoped3A = tpu.sem_alloc : memref<!tpu.dma_semaphore, #tpu.memory_space<semaphore_mem>>
            %dma_start3A_72 = tpu.memref_slice %arg4[%add3A_68] : memref<327680xi32, #tpu.memory_space<hbm>> -> memref<128xi32, #tpu.memory_space<hbm>>
            %dma_start3A_73 = tpu.memref_slice %arg4[%add3A_68] : memref<327680xi32, #tpu.memory_space<hbm>> -> memref<128xi32, #tpu.memory_space<hbm>>
            tpu.enqueue_dma source(%dma_start3A_73 : memref<128xi32, #tpu.memory_space<hbm>>) target(%arg9 : memref<128xi32, #tpu.memory_space<vmem>>) target_semaphore(%run_scoped3A : memref<!tpu.dma_semaphore, #tpu.memory_space<semaphore_mem>>)
            %dma_wait3A_74 = tpu.memref_slice %arg4[%add3A_68] : memref<327680xi32, #tpu.memory_space<hbm>> -> memref<128xi32, #tpu.memory_space<hbm>>
            %dma_wait3A_75 = tpu.memref_slice %arg4[%add3A_68] : memref<327680xi32, #tpu.memory_space<hbm>> -> memref<128xi32, #tpu.memory_space<hbm>>
            tpu.wait_dma2 semaphore(%run_scoped3A : memref<!tpu.dma_semaphore, #tpu.memory_space<semaphore_mem>>) src(%dma_wait3A_75 : memref<128xi32, #tpu.memory_space<hbm>>) dst(%arg9 : memref<128xi32, #tpu.memory_space<vmem>>)
            tpu.yield
          }) : () -> ()
          %dma_start3A_69 = arith.constant 0 : i32
          %dma_start3A_70 = arith.constant 0 : i32
          %dma_start3A_71 = tpu.memref_slice %arg2[%dma_start3A_69, %dma_start3A_70] : memref<10240x128xf32, #tpu.memory_space<hbm>> -> memref<10240x128xf32, #tpu.memory_space<hbm>>
          tpu.enqueue_indirect_dma source(%dma_start3A_71 : memref<10240x128xf32, #tpu.memory_space<hbm>>) target(%arg11 : memref<128x128xf32, #tpu.memory_space<vmem>>) offsets(%arg7 : memref<128xi32, #tpu.memory_space<vmem>>) semaphore(%arg14 : memref<!tpu.dma_semaphore, #tpu.memory_space<semaphore_mem>>)
        } else {
        }
        %dma_wait3A = arith.constant 0 : i32
        %dma_wait3A_58 = arith.constant 0 : i32
        %dma_wait3A_59 = tpu.memref_slice %arg2[%dma_wait3A, %dma_wait3A_58] : memref<10240x128xf32, #tpu.memory_space<hbm>> -> memref<10240x128xf32, #tpu.memory_space<hbm>>
        tpu.wait_indirect_dma semaphore(%arg15 : memref<!tpu.dma_semaphore, #tpu.memory_space<semaphore_mem>>) src(%dma_wait3A_59 : memref<10240x128xf32, #tpu.memory_space<hbm>>) dst(%arg12 : memref<128x128xf32, #tpu.memory_space<vmem>>)
        "tpu.region"() ({
          %run_scoped3A = tpu.sem_alloc : memref<!tpu.dma_semaphore, #tpu.memory_space<semaphore_mem>>
          %dma_start3A_60 = arith.constant 0 : i32
          %dma_start3A_61 = arith.constant 0 : i32
          %dma_start3A_62 = tpu.memref_slice %arg13[%dma_start3A_60, %dma_start3A_61] : memref<10240x128xf32, #tpu.memory_space<vmem_shared>> -> memref<10240x128xf32, #tpu.memory_space<vmem_shared>>
          tpu.enqueue_indirect_dma source(%arg12 : memref<128x128xf32, #tpu.memory_space<vmem>>) target(%dma_start3A_62 : memref<10240x128xf32, #tpu.memory_space<vmem_shared>>) offsets(%arg10 : memref<128xi32, #tpu.memory_space<vmem>>) semaphore(%run_scoped3A : memref<!tpu.dma_semaphore, #tpu.memory_space<semaphore_mem>>) {add = true}
          %dma_wait3A_63 = arith.constant 0 : i32
          %dma_wait3A_64 = arith.constant 0 : i32
          %dma_wait3A_65 = tpu.memref_slice %arg13[%dma_wait3A_63, %dma_wait3A_64] : memref<10240x128xf32, #tpu.memory_space<vmem_shared>> -> memref<10240x128xf32, #tpu.memory_space<vmem_shared>>
          tpu.wait_indirect_dma semaphore(%run_scoped3A : memref<!tpu.dma_semaphore, #tpu.memory_space<semaphore_mem>>) src(%arg12 : memref<128x128xf32, #tpu.memory_space<vmem>>) dst(%dma_wait3A_65 : memref<10240x128xf32, #tpu.memory_space<vmem_shared>>)
          tpu.yield
        }) : () -> ()
      } else {
      }
    }
    %scan3A_15 = arith.constant 80 : i32
    %barrier3A_16 = arith.constant 0 : index
    tpu.barrier barrier_id(%barrier3A_16)
    "tpu.region"() ({
      %run_scoped3A = tpu.sem_alloc : memref<!tpu.dma_semaphore, #tpu.memory_space<semaphore_mem>>
      %dma_start3A_17 = arith.constant 0 : i32
      %dma_start3A_18 = tpu.memref_slice %arg6[%arg0, %mul3A_2, %dma_start3A_17] : memref<2x10240x128xf32, #tpu.memory_space<hbm>> -> memref<1x640x128xf32, #tpu.memory_space<hbm>>
      %dma_start3A_19 = tpu.memref_squeeze %dma_start3A_18 : memref<1x640x128xf32, #tpu.memory_space<hbm>> -> memref<640x128xf32, #tpu.memory_space<hbm>>
      %dma_start3A_20 = arith.constant 0 : i32
      %dma_start3A_21 = tpu.memref_slice %arg13[%mul3A_2, %dma_start3A_20] : memref<10240x128xf32, #tpu.memory_space<vmem_shared>> -> memref<640x128xf32, #tpu.memory_space<vmem_shared>>
      tpu.enqueue_dma source(%dma_start3A_21 : memref<640x128xf32, #tpu.memory_space<vmem_shared>>) target(%dma_start3A_19 : memref<640x128xf32, #tpu.memory_space<hbm>>) target_semaphore(%run_scoped3A : memref<!tpu.dma_semaphore, #tpu.memory_space<semaphore_mem>>)
      %dma_wait3A = arith.constant 0 : i32
      %dma_wait3A_22 = tpu.memref_slice %arg6[%arg0, %mul3A_2, %dma_wait3A] : memref<2x10240x128xf32, #tpu.memory_space<hbm>> -> memref<1x640x128xf32, #tpu.memory_space<hbm>>
      %dma_wait3A_23 = tpu.memref_squeeze %dma_wait3A_22 : memref<1x640x128xf32, #tpu.memory_space<hbm>> -> memref<640x128xf32, #tpu.memory_space<hbm>>
      %dma_wait3A_24 = arith.constant 0 : i32
      %dma_wait3A_25 = tpu.memref_slice %arg13[%mul3A_2, %dma_wait3A_24] : memref<10240x128xf32, #tpu.memory_space<vmem_shared>> -> memref<640x128xf32, #tpu.memory_space<vmem_shared>>
      tpu.wait_dma2 semaphore(%run_scoped3A : memref<!tpu.dma_semaphore, #tpu.memory_space<semaphore_mem>>) src(%dma_wait3A_25 : memref<640x128xf32, #tpu.memory_space<vmem_shared>>) dst(%dma_wait3A_23 : memref<640x128xf32, #tpu.memory_space<hbm>>)
      tpu.yield
    }) : () -> ()
    return
  }
}

#map = affine_map<(d0, d1) -> (0)>
#map1 = affine_map<(d0, d1) -> (0, 0)>
#map2 = affine_map<(d0, d1) -> (0, 0, 0)>
module attributes {stable_mosaic.version = 14 : i64} {
  func.func @_sc0_body(%arg0: i32, %arg1: i32, %arg2: memref<327680xi32, #tpu.memory_space<hbm>>, %arg3: memref<327680xi32, #tpu.memory_space<hbm>>, %arg4: memref<10240x128xf32, #tpu.memory_space<hbm>>, %arg5: memref<128x128xf32, #tpu.memory_space<hbm>>, %arg6: memref<2x10240x128xf32, #tpu.memory_space<hbm>>, %arg7: memref<128xi32, #tpu.memory_space<vmem>>, %arg8: memref<128xi32, #tpu.memory_space<vmem>>, %arg9: memref<128x128xf32, #tpu.memory_space<vmem>>, %arg10: memref<10240x128xf32, #tpu.memory_space<vmem_shared>>, %arg11: memref<!tpu.dma_semaphore, #tpu.memory_space<semaphore_mem>>, %arg12: memref<!tpu.dma_semaphore, #tpu.memory_space<semaphore_mem>>) attributes {dimension_semantics = [#tpu.dimension_semantics<core_parallel>, #tpu.dimension_semantics<subcore_parallel>], iteration_bounds = array<i64: 2, 16>, scalar_prefetch = 0 : i64, scratch_operands = 6 : i64, tpu.core_type = #tpu.core_type<sc_vector_subcore>, window_params = [{transform_indices = #map}, {transform_indices = #map}, {transform_indices = #map1}, {transform_indices = #map1}, {transform_indices = #map2}]} {
    %mul3A = arith.constant 640 : i32
    %mul3A_0 = arith.muli %arg1, %mul3A : i32
    "tpu.region"() ({
      %run_scoped3A = tpu.sem_alloc : memref<!tpu.dma_semaphore, #tpu.memory_space<semaphore_mem>>
      %dma_start3A = arith.constant 0 : i32
      %dma_start3A_11 = tpu.memref_slice %arg10[%mul3A_0, %dma_start3A] : memref<10240x128xf32, #tpu.memory_space<vmem_shared>> -> memref<640x128xf32, #tpu.memory_space<vmem_shared>>
      %dma_start3A_12 = arith.constant 0 : i32
      %dma_start3A_13 = tpu.memref_slice %arg4[%mul3A_0, %dma_start3A_12] : memref<10240x128xf32, #tpu.memory_space<hbm>> -> memref<640x128xf32, #tpu.memory_space<hbm>>
      tpu.enqueue_dma source(%dma_start3A_13 : memref<640x128xf32, #tpu.memory_space<hbm>>) target(%dma_start3A_11 : memref<640x128xf32, #tpu.memory_space<vmem_shared>>) target_semaphore(%run_scoped3A : memref<!tpu.dma_semaphore, #tpu.memory_space<semaphore_mem>>)
      %dma_wait3A = arith.constant 0 : i32
      %dma_wait3A_14 = tpu.memref_slice %arg10[%mul3A_0, %dma_wait3A] : memref<10240x128xf32, #tpu.memory_space<vmem_shared>> -> memref<640x128xf32, #tpu.memory_space<vmem_shared>>
      %dma_wait3A_15 = arith.constant 0 : i32
      %dma_wait3A_16 = tpu.memref_slice %arg4[%mul3A_0, %dma_wait3A_15] : memref<10240x128xf32, #tpu.memory_space<hbm>> -> memref<640x128xf32, #tpu.memory_space<hbm>>
      tpu.wait_dma2 semaphore(%run_scoped3A : memref<!tpu.dma_semaphore, #tpu.memory_space<semaphore_mem>>) src(%dma_wait3A_16 : memref<640x128xf32, #tpu.memory_space<hbm>>) dst(%dma_wait3A_14 : memref<640x128xf32, #tpu.memory_space<vmem_shared>>)
      tpu.yield
    }) : () -> ()
    "tpu.region"() ({
      %run_scoped3A = tpu.sem_alloc : memref<!tpu.dma_semaphore, #tpu.memory_space<semaphore_mem>>
      tpu.enqueue_dma source(%arg5 : memref<128x128xf32, #tpu.memory_space<hbm>>) target(%arg9 : memref<128x128xf32, #tpu.memory_space<vmem>>) target_semaphore(%run_scoped3A : memref<!tpu.dma_semaphore, #tpu.memory_space<semaphore_mem>>)
      tpu.wait_dma2 semaphore(%run_scoped3A : memref<!tpu.dma_semaphore, #tpu.memory_space<semaphore_mem>>) src(%arg5 : memref<128x128xf32, #tpu.memory_space<hbm>>) dst(%arg9 : memref<128x128xf32, #tpu.memory_space<vmem>>)
      tpu.yield
    }) : () -> ()
    %barrier3A = arith.constant 0 : index
    tpu.barrier barrier_id(%barrier3A)
    %mul3A_1 = arith.constant 20480 : i32
    %mul3A_2 = arith.muli %arg1, %mul3A_1 : i32
    %eq3A = arith.constant 0 : i32
    %eq3A_3 = arith.cmpi eq, %arg0, %eq3A : i32
    %convert_element_type3A = arith.extui %eq3A_3 : i1 to i32
    %cond3A = arith.constant 0 : i32
    %cond3A_4 = arith.cmpi ne, %convert_element_type3A, %cond3A : i32
    scf.if %cond3A_4 {
      %dma_start3A = tpu.memref_slice %arg2[%mul3A_2] : memref<327680xi32, #tpu.memory_space<hbm>> -> memref<128xi32, #tpu.memory_space<hbm>>
      %dma_start3A_11 = tpu.memref_slice %arg2[%mul3A_2] : memref<327680xi32, #tpu.memory_space<hbm>> -> memref<128xi32, #tpu.memory_space<hbm>>
      tpu.enqueue_dma source(%dma_start3A_11 : memref<128xi32, #tpu.memory_space<hbm>>) target(%arg7 : memref<128xi32, #tpu.memory_space<vmem>>) target_semaphore(%arg11 : memref<!tpu.dma_semaphore, #tpu.memory_space<semaphore_mem>>)
      %scan3A = arith.constant 0 : i32
      %scan3A_12 = arith.constant 0 : i32
      %scan3A_13 = arith.constant 160 : i32
      %scan3A_14 = arith.addi %scan3A_12, %scan3A_13 : i32
      %scan3A_15 = arith.constant 1 : i32
      scf.for %scan3A_17 = %scan3A_12 to %scan3A_14 step %scan3A_15  : i32 {
        %mul3A_18 = arith.constant 128 : i32
        %mul3A_19 = arith.muli %scan3A_17, %mul3A_18 : i32
        %add3A = arith.addi %mul3A_2, %mul3A_19 : i32
        %jit3A = arith.constant 2 : i32
        %eq3A_20 = arith.constant 0 : i32
        %eq3A_21 = arith.cmpi eq, %jit3A, %eq3A_20 : i32
        %jit3A_22 = arith.constant 1 : i32
        %select_n3A = arith.select %eq3A_21, %jit3A_22, %jit3A : i32
        %rem3A = arith.remsi %scan3A_17, %select_n3A : i32
        %ne3A = arith.constant 0 : i32
        %ne3A_23 = arith.cmpi ne, %rem3A, %ne3A : i32
        %lt3A = arith.constant 0 : i32
        %lt3A_24 = arith.cmpi slt, %rem3A, %lt3A : i32
        %lt3A_25 = arith.constant 0 : i32
        %lt3A_26 = arith.cmpi slt, %select_n3A, %lt3A_25 : i32
        %ne3A_27 = arith.xori %lt3A_24, %lt3A_26 : i1
        %and3A = arith.andi %ne3A_27, %ne3A_23 : i1
        %add3A_28 = arith.addi %rem3A, %select_n3A : i32
        %select_n3A_29 = arith.select %and3A, %add3A_28, %rem3A : i32
        %eq3A_30 = arith.constant 0 : i32
        %eq3A_31 = arith.cmpi eq, %select_n3A_29, %eq3A_30 : i32
        %convert_element_type3A_32 = arith.extui %eq3A_31 : i1 to i32
        %cond3A_33 = arith.constant 0 : i32
        %cond3A_34 = arith.cmpi ne, %convert_element_type3A_32, %cond3A_33 : i32
        scf.if %cond3A_34 {
          %add3A_56 = arith.constant 1 : i32
          %add3A_57 = arith.addi %scan3A_17, %add3A_56 : i32
          %lt3A_58 = arith.constant 160 : i32
          %lt3A_59 = arith.cmpi slt, %add3A_57, %lt3A_58 : i32
          %convert_element_type3A_60 = arith.extui %lt3A_59 : i1 to i32
          %cond3A_61 = arith.constant 0 : i32
          %cond3A_62 = arith.cmpi ne, %convert_element_type3A_60, %cond3A_61 : i32
          scf.if %cond3A_62 {
            %add3A_64 = arith.constant 128 : i32
            %add3A_65 = arith.addi %add3A, %add3A_64 : i32
            %dma_start3A_66 = tpu.memref_slice %arg2[%add3A_65] : memref<327680xi32, #tpu.memory_space<hbm>> -> memref<128xi32, #tpu.memory_space<hbm>>
            %dma_start3A_67 = tpu.memref_slice %arg2[%add3A_65] : memref<327680xi32, #tpu.memory_space<hbm>> -> memref<128xi32, #tpu.memory_space<hbm>>
            tpu.enqueue_dma source(%dma_start3A_67 : memref<128xi32, #tpu.memory_space<hbm>>) target(%arg8 : memref<128xi32, #tpu.memory_space<vmem>>) target_semaphore(%arg12 : memref<!tpu.dma_semaphore, #tpu.memory_space<semaphore_mem>>)
          } else {
          }
          %dma_wait3A = tpu.memref_slice %arg2[%add3A] : memref<327680xi32, #tpu.memory_space<hbm>> -> memref<128xi32, #tpu.memory_space<hbm>>
          %dma_wait3A_63 = tpu.memref_slice %arg2[%add3A] : memref<327680xi32, #tpu.memory_space<hbm>> -> memref<128xi32, #tpu.memory_space<hbm>>
          tpu.wait_dma2 semaphore(%arg11 : memref<!tpu.dma_semaphore, #tpu.memory_space<semaphore_mem>>) src(%dma_wait3A_63 : memref<128xi32, #tpu.memory_space<hbm>>) dst(%arg7 : memref<128xi32, #tpu.memory_space<vmem>>)
          "tpu.region"() ({
            %run_scoped3A = tpu.sem_alloc : memref<!tpu.dma_semaphore, #tpu.memory_space<semaphore_mem>>
            %dma_start3A_64 = arith.constant 0 : i32
            %dma_start3A_65 = arith.constant 0 : i32
            %dma_start3A_66 = tpu.memref_slice %arg10[%dma_start3A_64, %dma_start3A_65] : memref<10240x128xf32, #tpu.memory_space<vmem_shared>> -> memref<10240x128xf32, #tpu.memory_space<vmem_shared>>
            tpu.enqueue_indirect_dma source(%arg9 : memref<128x128xf32, #tpu.memory_space<vmem>>) target(%dma_start3A_66 : memref<10240x128xf32, #tpu.memory_space<vmem_shared>>) offsets(%arg7 : memref<128xi32, #tpu.memory_space<vmem>>) semaphore(%run_scoped3A : memref<!tpu.dma_semaphore, #tpu.memory_space<semaphore_mem>>) {add = true}
            %dma_wait3A_67 = arith.constant 0 : i32
            %dma_wait3A_68 = arith.constant 0 : i32
            %dma_wait3A_69 = tpu.memref_slice %arg10[%dma_wait3A_67, %dma_wait3A_68] : memref<10240x128xf32, #tpu.memory_space<vmem_shared>> -> memref<10240x128xf32, #tpu.memory_space<vmem_shared>>
            tpu.wait_indirect_dma semaphore(%run_scoped3A : memref<!tpu.dma_semaphore, #tpu.memory_space<semaphore_mem>>) src(%arg9 : memref<128x128xf32, #tpu.memory_space<vmem>>) dst(%dma_wait3A_69 : memref<10240x128xf32, #tpu.memory_space<vmem_shared>>)
            tpu.yield
          }) : () -> ()
        } else {
        }
        %jit3A_35 = arith.constant 2 : i32
        %eq3A_36 = arith.constant 0 : i32
        %eq3A_37 = arith.cmpi eq, %jit3A_35, %eq3A_36 : i32
        %jit3A_38 = arith.constant 1 : i32
        %select_n3A_39 = arith.select %eq3A_37, %jit3A_38, %jit3A_35 : i32
        %rem3A_40 = arith.remsi %scan3A_17, %select_n3A_39 : i32
        %ne3A_41 = arith.constant 0 : i32
        %ne3A_42 = arith.cmpi ne, %rem3A_40, %ne3A_41 : i32
        %lt3A_43 = arith.constant 0 : i32
        %lt3A_44 = arith.cmpi slt, %rem3A_40, %lt3A_43 : i32
        %lt3A_45 = arith.constant 0 : i32
        %lt3A_46 = arith.cmpi slt, %select_n3A_39, %lt3A_45 : i32
        %ne3A_47 = arith.xori %lt3A_44, %lt3A_46 : i1
        %and3A_48 = arith.andi %ne3A_47, %ne3A_42 : i1
        %add3A_49 = arith.addi %rem3A_40, %select_n3A_39 : i32
        %select_n3A_50 = arith.select %and3A_48, %add3A_49, %rem3A_40 : i32
        %eq3A_51 = arith.constant 1 : i32
        %eq3A_52 = arith.cmpi eq, %select_n3A_50, %eq3A_51 : i32
        %convert_element_type3A_53 = arith.extui %eq3A_52 : i1 to i32
        %cond3A_54 = arith.constant 0 : i32
        %cond3A_55 = arith.cmpi ne, %convert_element_type3A_53, %cond3A_54 : i32
        scf.if %cond3A_55 {
          %add3A_56 = arith.constant 1 : i32
          %add3A_57 = arith.addi %scan3A_17, %add3A_56 : i32
          %lt3A_58 = arith.constant 160 : i32
          %lt3A_59 = arith.cmpi slt, %add3A_57, %lt3A_58 : i32
          %convert_element_type3A_60 = arith.extui %lt3A_59 : i1 to i32
          %cond3A_61 = arith.constant 0 : i32
          %cond3A_62 = arith.cmpi ne, %convert_element_type3A_60, %cond3A_61 : i32
          scf.if %cond3A_62 {
            %add3A_64 = arith.constant 128 : i32
            %add3A_65 = arith.addi %add3A, %add3A_64 : i32
            %dma_start3A_66 = tpu.memref_slice %arg2[%add3A_65] : memref<327680xi32, #tpu.memory_space<hbm>> -> memref<128xi32, #tpu.memory_space<hbm>>
            %dma_start3A_67 = tpu.memref_slice %arg2[%add3A_65] : memref<327680xi32, #tpu.memory_space<hbm>> -> memref<128xi32, #tpu.memory_space<hbm>>
            tpu.enqueue_dma source(%dma_start3A_67 : memref<128xi32, #tpu.memory_space<hbm>>) target(%arg7 : memref<128xi32, #tpu.memory_space<vmem>>) target_semaphore(%arg11 : memref<!tpu.dma_semaphore, #tpu.memory_space<semaphore_mem>>)
          } else {
          }
          %dma_wait3A = tpu.memref_slice %arg2[%add3A] : memref<327680xi32, #tpu.memory_space<hbm>> -> memref<128xi32, #tpu.memory_space<hbm>>
          %dma_wait3A_63 = tpu.memref_slice %arg2[%add3A] : memref<327680xi32, #tpu.memory_space<hbm>> -> memref<128xi32, #tpu.memory_space<hbm>>
          tpu.wait_dma2 semaphore(%arg12 : memref<!tpu.dma_semaphore, #tpu.memory_space<semaphore_mem>>) src(%dma_wait3A_63 : memref<128xi32, #tpu.memory_space<hbm>>) dst(%arg8 : memref<128xi32, #tpu.memory_space<vmem>>)
          "tpu.region"() ({
            %run_scoped3A = tpu.sem_alloc : memref<!tpu.dma_semaphore, #tpu.memory_space<semaphore_mem>>
            %dma_start3A_64 = arith.constant 0 : i32
            %dma_start3A_65 = arith.constant 0 : i32
            %dma_start3A_66 = tpu.memref_slice %arg10[%dma_start3A_64, %dma_start3A_65] : memref<10240x128xf32, #tpu.memory_space<vmem_shared>> -> memref<10240x128xf32, #tpu.memory_space<vmem_shared>>
            tpu.enqueue_indirect_dma source(%arg9 : memref<128x128xf32, #tpu.memory_space<vmem>>) target(%dma_start3A_66 : memref<10240x128xf32, #tpu.memory_space<vmem_shared>>) offsets(%arg8 : memref<128xi32, #tpu.memory_space<vmem>>) semaphore(%run_scoped3A : memref<!tpu.dma_semaphore, #tpu.memory_space<semaphore_mem>>) {add = true}
            %dma_wait3A_67 = arith.constant 0 : i32
            %dma_wait3A_68 = arith.constant 0 : i32
            %dma_wait3A_69 = tpu.memref_slice %arg10[%dma_wait3A_67, %dma_wait3A_68] : memref<10240x128xf32, #tpu.memory_space<vmem_shared>> -> memref<10240x128xf32, #tpu.memory_space<vmem_shared>>
            tpu.wait_indirect_dma semaphore(%run_scoped3A : memref<!tpu.dma_semaphore, #tpu.memory_space<semaphore_mem>>) src(%arg9 : memref<128x128xf32, #tpu.memory_space<vmem>>) dst(%dma_wait3A_69 : memref<10240x128xf32, #tpu.memory_space<vmem_shared>>)
            tpu.yield
          }) : () -> ()
        } else {
        }
      }
      %scan3A_16 = arith.constant 160 : i32
    } else {
    }
    %eq3A_5 = arith.constant 1 : i32
    %eq3A_6 = arith.cmpi eq, %arg0, %eq3A_5 : i32
    %convert_element_type3A_7 = arith.extui %eq3A_6 : i1 to i32
    %cond3A_8 = arith.constant 0 : i32
    %cond3A_9 = arith.cmpi ne, %convert_element_type3A_7, %cond3A_8 : i32
    scf.if %cond3A_9 {
      %dma_start3A = tpu.memref_slice %arg3[%mul3A_2] : memref<327680xi32, #tpu.memory_space<hbm>> -> memref<128xi32, #tpu.memory_space<hbm>>
      %dma_start3A_11 = tpu.memref_slice %arg3[%mul3A_2] : memref<327680xi32, #tpu.memory_space<hbm>> -> memref<128xi32, #tpu.memory_space<hbm>>
      tpu.enqueue_dma source(%dma_start3A_11 : memref<128xi32, #tpu.memory_space<hbm>>) target(%arg7 : memref<128xi32, #tpu.memory_space<vmem>>) target_semaphore(%arg11 : memref<!tpu.dma_semaphore, #tpu.memory_space<semaphore_mem>>)
      %scan3A = arith.constant 0 : i32
      %scan3A_12 = arith.constant 0 : i32
      %scan3A_13 = arith.constant 160 : i32
      %scan3A_14 = arith.addi %scan3A_12, %scan3A_13 : i32
      %scan3A_15 = arith.constant 1 : i32
      scf.for %scan3A_17 = %scan3A_12 to %scan3A_14 step %scan3A_15  : i32 {
        %mul3A_18 = arith.constant 128 : i32
        %mul3A_19 = arith.muli %scan3A_17, %mul3A_18 : i32
        %add3A = arith.addi %mul3A_2, %mul3A_19 : i32
        %jit3A = arith.constant 2 : i32
        %eq3A_20 = arith.constant 0 : i32
        %eq3A_21 = arith.cmpi eq, %jit3A, %eq3A_20 : i32
        %jit3A_22 = arith.constant 1 : i32
        %select_n3A = arith.select %eq3A_21, %jit3A_22, %jit3A : i32
        %rem3A = arith.remsi %scan3A_17, %select_n3A : i32
        %ne3A = arith.constant 0 : i32
        %ne3A_23 = arith.cmpi ne, %rem3A, %ne3A : i32
        %lt3A = arith.constant 0 : i32
        %lt3A_24 = arith.cmpi slt, %rem3A, %lt3A : i32
        %lt3A_25 = arith.constant 0 : i32
        %lt3A_26 = arith.cmpi slt, %select_n3A, %lt3A_25 : i32
        %ne3A_27 = arith.xori %lt3A_24, %lt3A_26 : i1
        %and3A = arith.andi %ne3A_27, %ne3A_23 : i1
        %add3A_28 = arith.addi %rem3A, %select_n3A : i32
        %select_n3A_29 = arith.select %and3A, %add3A_28, %rem3A : i32
        %eq3A_30 = arith.constant 0 : i32
        %eq3A_31 = arith.cmpi eq, %select_n3A_29, %eq3A_30 : i32
        %convert_element_type3A_32 = arith.extui %eq3A_31 : i1 to i32
        %cond3A_33 = arith.constant 0 : i32
        %cond3A_34 = arith.cmpi ne, %convert_element_type3A_32, %cond3A_33 : i32
        scf.if %cond3A_34 {
          %add3A_56 = arith.constant 1 : i32
          %add3A_57 = arith.addi %scan3A_17, %add3A_56 : i32
          %lt3A_58 = arith.constant 160 : i32
          %lt3A_59 = arith.cmpi slt, %add3A_57, %lt3A_58 : i32
          %convert_element_type3A_60 = arith.extui %lt3A_59 : i1 to i32
          %cond3A_61 = arith.constant 0 : i32
          %cond3A_62 = arith.cmpi ne, %convert_element_type3A_60, %cond3A_61 : i32
          scf.if %cond3A_62 {
            %add3A_64 = arith.constant 128 : i32
            %add3A_65 = arith.addi %add3A, %add3A_64 : i32
            %dma_start3A_66 = tpu.memref_slice %arg3[%add3A_65] : memref<327680xi32, #tpu.memory_space<hbm>> -> memref<128xi32, #tpu.memory_space<hbm>>
            %dma_start3A_67 = tpu.memref_slice %arg3[%add3A_65] : memref<327680xi32, #tpu.memory_space<hbm>> -> memref<128xi32, #tpu.memory_space<hbm>>
            tpu.enqueue_dma source(%dma_start3A_67 : memref<128xi32, #tpu.memory_space<hbm>>) target(%arg8 : memref<128xi32, #tpu.memory_space<vmem>>) target_semaphore(%arg12 : memref<!tpu.dma_semaphore, #tpu.memory_space<semaphore_mem>>)
          } else {
          }
          %dma_wait3A = tpu.memref_slice %arg3[%add3A] : memref<327680xi32, #tpu.memory_space<hbm>> -> memref<128xi32, #tpu.memory_space<hbm>>
          %dma_wait3A_63 = tpu.memref_slice %arg3[%add3A] : memref<327680xi32, #tpu.memory_space<hbm>> -> memref<128xi32, #tpu.memory_space<hbm>>
          tpu.wait_dma2 semaphore(%arg11 : memref<!tpu.dma_semaphore, #tpu.memory_space<semaphore_mem>>) src(%dma_wait3A_63 : memref<128xi32, #tpu.memory_space<hbm>>) dst(%arg7 : memref<128xi32, #tpu.memory_space<vmem>>)
          "tpu.region"() ({
            %run_scoped3A = tpu.sem_alloc : memref<!tpu.dma_semaphore, #tpu.memory_space<semaphore_mem>>
            %dma_start3A_64 = arith.constant 0 : i32
            %dma_start3A_65 = arith.constant 0 : i32
            %dma_start3A_66 = tpu.memref_slice %arg10[%dma_start3A_64, %dma_start3A_65] : memref<10240x128xf32, #tpu.memory_space<vmem_shared>> -> memref<10240x128xf32, #tpu.memory_space<vmem_shared>>
            tpu.enqueue_indirect_dma source(%arg9 : memref<128x128xf32, #tpu.memory_space<vmem>>) target(%dma_start3A_66 : memref<10240x128xf32, #tpu.memory_space<vmem_shared>>) offsets(%arg7 : memref<128xi32, #tpu.memory_space<vmem>>) semaphore(%run_scoped3A : memref<!tpu.dma_semaphore, #tpu.memory_space<semaphore_mem>>) {add = true}
            %dma_wait3A_67 = arith.constant 0 : i32
            %dma_wait3A_68 = arith.constant 0 : i32
            %dma_wait3A_69 = tpu.memref_slice %arg10[%dma_wait3A_67, %dma_wait3A_68] : memref<10240x128xf32, #tpu.memory_space<vmem_shared>> -> memref<10240x128xf32, #tpu.memory_space<vmem_shared>>
            tpu.wait_indirect_dma semaphore(%run_scoped3A : memref<!tpu.dma_semaphore, #tpu.memory_space<semaphore_mem>>) src(%arg9 : memref<128x128xf32, #tpu.memory_space<vmem>>) dst(%dma_wait3A_69 : memref<10240x128xf32, #tpu.memory_space<vmem_shared>>)
            tpu.yield
          }) : () -> ()
        } else {
        }
        %jit3A_35 = arith.constant 2 : i32
        %eq3A_36 = arith.constant 0 : i32
        %eq3A_37 = arith.cmpi eq, %jit3A_35, %eq3A_36 : i32
        %jit3A_38 = arith.constant 1 : i32
        %select_n3A_39 = arith.select %eq3A_37, %jit3A_38, %jit3A_35 : i32
        %rem3A_40 = arith.remsi %scan3A_17, %select_n3A_39 : i32
        %ne3A_41 = arith.constant 0 : i32
        %ne3A_42 = arith.cmpi ne, %rem3A_40, %ne3A_41 : i32
        %lt3A_43 = arith.constant 0 : i32
        %lt3A_44 = arith.cmpi slt, %rem3A_40, %lt3A_43 : i32
        %lt3A_45 = arith.constant 0 : i32
        %lt3A_46 = arith.cmpi slt, %select_n3A_39, %lt3A_45 : i32
        %ne3A_47 = arith.xori %lt3A_44, %lt3A_46 : i1
        %and3A_48 = arith.andi %ne3A_47, %ne3A_42 : i1
        %add3A_49 = arith.addi %rem3A_40, %select_n3A_39 : i32
        %select_n3A_50 = arith.select %and3A_48, %add3A_49, %rem3A_40 : i32
        %eq3A_51 = arith.constant 1 : i32
        %eq3A_52 = arith.cmpi eq, %select_n3A_50, %eq3A_51 : i32
        %convert_element_type3A_53 = arith.extui %eq3A_52 : i1 to i32
        %cond3A_54 = arith.constant 0 : i32
        %cond3A_55 = arith.cmpi ne, %convert_element_type3A_53, %cond3A_54 : i32
        scf.if %cond3A_55 {
          %add3A_56 = arith.constant 1 : i32
          %add3A_57 = arith.addi %scan3A_17, %add3A_56 : i32
          %lt3A_58 = arith.constant 160 : i32
          %lt3A_59 = arith.cmpi slt, %add3A_57, %lt3A_58 : i32
          %convert_element_type3A_60 = arith.extui %lt3A_59 : i1 to i32
          %cond3A_61 = arith.constant 0 : i32
          %cond3A_62 = arith.cmpi ne, %convert_element_type3A_60, %cond3A_61 : i32
          scf.if %cond3A_62 {
            %add3A_64 = arith.constant 128 : i32
            %add3A_65 = arith.addi %add3A, %add3A_64 : i32
            %dma_start3A_66 = tpu.memref_slice %arg3[%add3A_65] : memref<327680xi32, #tpu.memory_space<hbm>> -> memref<128xi32, #tpu.memory_space<hbm>>
            %dma_start3A_67 = tpu.memref_slice %arg3[%add3A_65] : memref<327680xi32, #tpu.memory_space<hbm>> -> memref<128xi32, #tpu.memory_space<hbm>>
            tpu.enqueue_dma source(%dma_start3A_67 : memref<128xi32, #tpu.memory_space<hbm>>) target(%arg7 : memref<128xi32, #tpu.memory_space<vmem>>) target_semaphore(%arg11 : memref<!tpu.dma_semaphore, #tpu.memory_space<semaphore_mem>>)
          } else {
          }
          %dma_wait3A = tpu.memref_slice %arg3[%add3A] : memref<327680xi32, #tpu.memory_space<hbm>> -> memref<128xi32, #tpu.memory_space<hbm>>
          %dma_wait3A_63 = tpu.memref_slice %arg3[%add3A] : memref<327680xi32, #tpu.memory_space<hbm>> -> memref<128xi32, #tpu.memory_space<hbm>>
          tpu.wait_dma2 semaphore(%arg12 : memref<!tpu.dma_semaphore, #tpu.memory_space<semaphore_mem>>) src(%dma_wait3A_63 : memref<128xi32, #tpu.memory_space<hbm>>) dst(%arg8 : memref<128xi32, #tpu.memory_space<vmem>>)
          "tpu.region"() ({
            %run_scoped3A = tpu.sem_alloc : memref<!tpu.dma_semaphore, #tpu.memory_space<semaphore_mem>>
            %dma_start3A_64 = arith.constant 0 : i32
            %dma_start3A_65 = arith.constant 0 : i32
            %dma_start3A_66 = tpu.memref_slice %arg10[%dma_start3A_64, %dma_start3A_65] : memref<10240x128xf32, #tpu.memory_space<vmem_shared>> -> memref<10240x128xf32, #tpu.memory_space<vmem_shared>>
            tpu.enqueue_indirect_dma source(%arg9 : memref<128x128xf32, #tpu.memory_space<vmem>>) target(%dma_start3A_66 : memref<10240x128xf32, #tpu.memory_space<vmem_shared>>) offsets(%arg8 : memref<128xi32, #tpu.memory_space<vmem>>) semaphore(%run_scoped3A : memref<!tpu.dma_semaphore, #tpu.memory_space<semaphore_mem>>) {add = true}
            %dma_wait3A_67 = arith.constant 0 : i32
            %dma_wait3A_68 = arith.constant 0 : i32
            %dma_wait3A_69 = tpu.memref_slice %arg10[%dma_wait3A_67, %dma_wait3A_68] : memref<10240x128xf32, #tpu.memory_space<vmem_shared>> -> memref<10240x128xf32, #tpu.memory_space<vmem_shared>>
            tpu.wait_indirect_dma semaphore(%run_scoped3A : memref<!tpu.dma_semaphore, #tpu.memory_space<semaphore_mem>>) src(%arg9 : memref<128x128xf32, #tpu.memory_space<vmem>>) dst(%dma_wait3A_69 : memref<10240x128xf32, #tpu.memory_space<vmem_shared>>)
            tpu.yield
          }) : () -> ()
        } else {
        }
      }
      %scan3A_16 = arith.constant 160 : i32
    } else {
    }
    %barrier3A_10 = arith.constant 0 : index
    tpu.barrier barrier_id(%barrier3A_10)
    "tpu.region"() ({
      %run_scoped3A = tpu.sem_alloc : memref<!tpu.dma_semaphore, #tpu.memory_space<semaphore_mem>>
      %dma_start3A = arith.constant 0 : i32
      %dma_start3A_11 = tpu.memref_slice %arg6[%arg0, %mul3A_0, %dma_start3A] : memref<2x10240x128xf32, #tpu.memory_space<hbm>> -> memref<1x640x128xf32, #tpu.memory_space<hbm>>
      %dma_start3A_12 = tpu.memref_squeeze %dma_start3A_11 : memref<1x640x128xf32, #tpu.memory_space<hbm>> -> memref<640x128xf32, #tpu.memory_space<hbm>>
      %dma_start3A_13 = arith.constant 0 : i32
      %dma_start3A_14 = tpu.memref_slice %arg10[%mul3A_0, %dma_start3A_13] : memref<10240x128xf32, #tpu.memory_space<vmem_shared>> -> memref<640x128xf32, #tpu.memory_space<vmem_shared>>
      tpu.enqueue_dma source(%dma_start3A_14 : memref<640x128xf32, #tpu.memory_space<vmem_shared>>) target(%dma_start3A_12 : memref<640x128xf32, #tpu.memory_space<hbm>>) target_semaphore(%run_scoped3A : memref<!tpu.dma_semaphore, #tpu.memory_space<semaphore_mem>>)
      %dma_wait3A = arith.constant 0 : i32
      %dma_wait3A_15 = tpu.memref_slice %arg6[%arg0, %mul3A_0, %dma_wait3A] : memref<2x10240x128xf32, #tpu.memory_space<hbm>> -> memref<1x640x128xf32, #tpu.memory_space<hbm>>
      %dma_wait3A_16 = tpu.memref_squeeze %dma_wait3A_15 : memref<1x640x128xf32, #tpu.memory_space<hbm>> -> memref<640x128xf32, #tpu.memory_space<hbm>>
      %dma_wait3A_17 = arith.constant 0 : i32
      %dma_wait3A_18 = tpu.memref_slice %arg10[%mul3A_0, %dma_wait3A_17] : memref<10240x128xf32, #tpu.memory_space<vmem_shared>> -> memref<640x128xf32, #tpu.memory_space<vmem_shared>>
      tpu.wait_dma2 semaphore(%run_scoped3A : memref<!tpu.dma_semaphore, #tpu.memory_space<semaphore_mem>>) src(%dma_wait3A_18 : memref<640x128xf32, #tpu.memory_space<vmem_shared>>) dst(%dma_wait3A_16 : memref<640x128xf32, #tpu.memory_space<hbm>>)
      tpu.yield
    }) : () -> ()
    return
  }
}

module attributes {stable_mosaic.version = 14 : i64} {
  func.func @_tca_body(%arg0: i32, %arg1: memref<512x128xf32, #tpu.memory_space<vmem>>, %arg2: memref<1x128xf32, #tpu.memory_space<vmem>>, %arg3: memref<128x128xf32, #tpu.memory_space<vmem>>, %arg4: memref<512x128xf32, #tpu.memory_space<vmem>>, %arg5: memref<512x128xf32, #tpu.memory_space<vmem>>) attributes {dimension_semantics = [#tpu.dimension_semantics<arbitrary>], iteration_bounds = array<i64: 20>, scalar_prefetch = 0 : i64, scratch_operands = 0 : i64, tpu.core_type = #tpu.core_type<tc>, window_params = [{transform_indices = @transform_0, window_bounds = array<i64: 512, 128>}, {pipeline_mode = #tpu.pipeline_mode<synchronous>, transform_indices = @transform_1, window_bounds = array<i64: 1, 128>}, {pipeline_mode = #tpu.pipeline_mode<synchronous>, transform_indices = @transform_2, window_bounds = array<i64: 128, 128>}, {transform_indices = @transform_3, window_bounds = array<i64: 512, 128>}, {transform_indices = @transform_4, window_bounds = array<i64: 512, 128>}]} {
    %get3A = arith.constant 0 : index
    %get3A_0 = arith.constant 0 : index
    %get3A_1 = vector.load %arg1[%get3A, %get3A_0] : memref<512x128xf32, #tpu.memory_space<vmem>>, vector<512x128xf32>
    %get3A_2 = arith.constant 0 : index
    %get3A_3 = arith.constant 0 : index
    %get3A_4 = vector.load %arg2[%get3A_2, %get3A_3] : memref<1x128xf32, #tpu.memory_space<vmem>>, vector<1x128xf32>
    %logistic3A = arith.negf %get3A_4 : vector<1x128xf32>
    %logistic3A_5 = math.exp %logistic3A : vector<1x128xf32>
    %logistic3A_6 = arith.constant 1.000000e+00 : f32
    %logistic3A_7 = vector.broadcast %logistic3A_6 : f32 to vector<1x128xf32>
    %logistic3A_8 = arith.addf %logistic3A_7, %logistic3A_5 : vector<1x128xf32>
    %logistic3A_9 = arith.divf %logistic3A_7, %logistic3A_8 : vector<1x128xf32>
    %mul3A = vector.broadcast %logistic3A_9 : vector<1x128xf32> to vector<512x128xf32>
    %mul3A_10 = arith.mulf %get3A_1, %mul3A : vector<512x128xf32>
    %swap3A = arith.constant 0 : index
    %swap3A_11 = arith.constant 0 : index
    %swap3A_12 = vector.load %arg4[%swap3A, %swap3A_11] : memref<512x128xf32, #tpu.memory_space<vmem>>, vector<512x128xf32>
    tpu.vector_store %arg4[%swap3A, %swap3A_11], %mul3A_10 {strides = array<i32>} : memref<512x128xf32, #tpu.memory_space<vmem>>, vector<512x128xf32>,
    %get3A_13 = arith.constant 0 : index
    %get3A_14 = arith.constant 0 : index
    %get3A_15 = vector.load %arg3[%get3A_13, %get3A_14] : memref<128x128xf32, #tpu.memory_space<vmem>>, vector<128x128xf32>
    %dot_general3A = arith.constant dense<0.000000e+00> : vector<512x128xf32>
    %dot_general3A_16 = tpu.matmul %mul3A_10, %get3A_15, %dot_general3A {dimension_numbers = #tpu.dot_dimension_numbers<[1], [0], [0], [1], [0, 0, 1, 1], [], []>, transpose_lhs_hint = false} : vector<512x128xf32>, vector<128x128xf32>, vector<512x128xf32> -> vector<512x128xf32>
    %swap3A_17 = arith.constant 0 : index
    %swap3A_18 = arith.constant 0 : index
    %swap3A_19 = vector.load %arg5[%swap3A_17, %swap3A_18] : memref<512x128xf32, #tpu.memory_space<vmem>>, vector<512x128xf32>
    tpu.vector_store %arg5[%swap3A_17, %swap3A_18], %dot_general3A_16 {strides = array<i32>} : memref<512x128xf32, #tpu.memory_space<vmem>>, vector<512x128xf32>,
    return
  }
  func.func @transform_0(%arg0: i32) -> (i32, i32) {
    %c0_i32 = arith.constant 0 : i32
    %c0_i32_0 = arith.constant 0 : i32
    return %arg0, %c0_i32 : i32, i32
  }
  func.func @transform_1(%arg0: i32) -> (i32, i32) {
    %c0_i32 = arith.constant 0 : i32
    %c0_i32_0 = arith.constant 0 : i32
    %c0_i32_1 = arith.constant 0 : i32
    return %c0_i32, %c0_i32_0 : i32, i32
  }
  func.func @transform_2(%arg0: i32) -> (i32, i32) {
    %c0_i32 = arith.constant 0 : i32
    %c0_i32_0 = arith.constant 0 : i32
    %c0_i32_1 = arith.constant 0 : i32
    return %c0_i32, %c0_i32_0 : i32, i32
  }
  func.func @transform_3(%arg0: i32) -> (i32, i32) {
    %c0_i32 = arith.constant 0 : i32
    %c0_i32_0 = arith.constant 0 : i32
    return %arg0, %c0_i32 : i32, i32
  }
  func.func @transform_4(%arg0: i32) -> (i32, i32) {
    %c0_i32 = arith.constant 0 : i32
    %c0_i32_0 = arith.constant 0 : i32
    return %arg0, %c0_i32 : i32, i32
  }
}

module attributes {stable_mosaic.version = 14 : i64} {
  func.func @_tcb_body(%arg0: i32, %arg1: memref<2x512x128xf32, #tpu.memory_space<vmem>>, %arg2: memref<2x512x128xf32, #tpu.memory_space<vmem>>, %arg3: memref<512x128xf32, #tpu.memory_space<vmem>>, %arg4: memref<512x128xf32, #tpu.memory_space<vmem>>, %arg5: memref<1x1xf32, #tpu.memory_space<vmem>>, %arg6: memref<512x128xf32, #tpu.memory_space<vmem>>, %arg7: memref<512x128xf32, #tpu.memory_space<vmem>>, %arg8: memref<512x128xf32, #tpu.memory_space<vmem>>) attributes {dimension_semantics = [#tpu.dimension_semantics<arbitrary>], iteration_bounds = array<i64: 20>, scalar_prefetch = 0 : i64, scratch_operands = 0 : i64, tpu.core_type = #tpu.core_type<tc>, window_params = [{transform_indices = @transform_0, window_bounds = array<i64: 2, 512, 128>}, {transform_indices = @transform_1, window_bounds = array<i64: 2, 512, 128>}, {transform_indices = @transform_2, window_bounds = array<i64: 512, 128>}, {transform_indices = @transform_3, window_bounds = array<i64: 512, 128>}, {pipeline_mode = #tpu.pipeline_mode<synchronous>, transform_indices = @transform_4, window_bounds = array<i64: 1, 1>}, {transform_indices = @transform_5, window_bounds = array<i64: 512, 128>}, {transform_indices = @transform_6, window_bounds = array<i64: 512, 128>}, {transform_indices = @transform_7, window_bounds = array<i64: 512, 128>}]} {
    %get3A = arith.constant 0 : index
    %get3A_0 = arith.constant 0 : index
    %get3A_1 = arith.constant 0 : index
    %get3A_2 = vector.load %arg1[%get3A, %get3A_0, %get3A_1] : memref<2x512x128xf32, #tpu.memory_space<vmem>>, vector<1x512x128xf32>
    %get3A_3 = vector.shape_cast %get3A_2 : vector<1x512x128xf32> to vector<512x128xf32>
    %get3A_4 = arith.constant 1 : index
    %get3A_5 = arith.constant 0 : index
    %get3A_6 = arith.constant 0 : index
    %get3A_7 = vector.load %arg1[%get3A_4, %get3A_5, %get3A_6] : memref<2x512x128xf32, #tpu.memory_space<vmem>>, vector<1x512x128xf32>
    %get3A_8 = vector.shape_cast %get3A_7 : vector<1x512x128xf32> to vector<512x128xf32>
    %add3A = arith.addf %get3A_3, %get3A_8 : vector<512x128xf32>
    %get3A_9 = arith.constant 0 : index
    %get3A_10 = arith.constant 0 : index
    %get3A_11 = arith.constant 0 : index
    %get3A_12 = vector.load %arg2[%get3A_9, %get3A_10, %get3A_11] : memref<2x512x128xf32, #tpu.memory_space<vmem>>, vector<1x512x128xf32>
    %get3A_13 = vector.shape_cast %get3A_12 : vector<1x512x128xf32> to vector<512x128xf32>
    %slice3A = vector.extract_strided_slice %get3A_13 {offsets = [0, 0], sizes = [512, 1], strides = [1, 1]} : vector<512x128xf32> to vector<512x1xf32>
    %get3A_14 = arith.constant 1 : index
    %get3A_15 = arith.constant 0 : index
    %get3A_16 = arith.constant 0 : index
    %get3A_17 = vector.load %arg2[%get3A_14, %get3A_15, %get3A_16] : memref<2x512x128xf32, #tpu.memory_space<vmem>>, vector<1x512x128xf32>
    %get3A_18 = vector.shape_cast %get3A_17 : vector<1x512x128xf32> to vector<512x128xf32>
    %slice3A_19 = vector.extract_strided_slice %get3A_18 {offsets = [0, 0], sizes = [512, 1], strides = [1, 1]} : vector<512x128xf32> to vector<512x1xf32>
    %max3A = arith.constant 1.000000e+00 : f32
    %max3A_20 = vector.broadcast %max3A : f32 to vector<512x1xf32>
    %max3A_21 = arith.maximumf %slice3A, %max3A_20 : vector<512x1xf32>
    %div3A = arith.constant 1.000000e+00 : f32
    %div3A_22 = vector.broadcast %div3A : f32 to vector<512x1xf32>
    %div3A_23 = arith.divf %div3A_22, %max3A_21 : vector<512x1xf32>
    %mul3A = vector.broadcast %div3A_23 : vector<512x1xf32> to vector<512x128xf32>
    %mul3A_24 = arith.mulf %add3A, %mul3A : vector<512x128xf32>
    %get3A_25 = arith.constant 0 : index
    %get3A_26 = arith.constant 0 : index
    %get3A_27 = vector.load %arg3[%get3A_25, %get3A_26] : memref<512x128xf32, #tpu.memory_space<vmem>>, vector<512x128xf32>
    %mul3A_28 = arith.mulf %get3A_27, %get3A_27 : vector<512x128xf32>
    %reduce_sum3A = arith.constant dense<0.000000e+00> : vector<512xf32>
    %reduce_sum3A_29 = vector.multi_reduction <add>, %mul3A_28, %reduce_sum3A [1] : vector<512x128xf32> to vector<512xf32>
    %broadcast_in_dim3A = vector.shape_cast %reduce_sum3A_29 : vector<512xf32> to vector<512x1xf32>
    %sqrt3A = math.sqrt %broadcast_in_dim3A : vector<512x1xf32>
    %mul3A_30 = arith.mulf %mul3A_24, %mul3A_24 : vector<512x128xf32>
    %reduce_sum3A_31 = arith.constant dense<0.000000e+00> : vector<512xf32>
    %reduce_sum3A_32 = vector.multi_reduction <add>, %mul3A_30, %reduce_sum3A_31 [1] : vector<512x128xf32> to vector<512xf32>
    %broadcast_in_dim3A_33 = vector.shape_cast %reduce_sum3A_32 : vector<512xf32> to vector<512x1xf32>
    %sqrt3A_34 = math.sqrt %broadcast_in_dim3A_33 : vector<512x1xf32>
    %mul3A_35 = arith.mulf %get3A_27, %mul3A_24 : vector<512x128xf32>
    %reduce_sum3A_36 = arith.constant dense<0.000000e+00> : vector<512xf32>
    %reduce_sum3A_37 = vector.multi_reduction <add>, %mul3A_35, %reduce_sum3A_36 [1] : vector<512x128xf32> to vector<512xf32>
    %broadcast_in_dim3A_38 = vector.shape_cast %reduce_sum3A_37 : vector<512xf32> to vector<512x1xf32>
    %max3A_39 = arith.constant 9.99999996E-13 : f32
    %max3A_40 = vector.broadcast %max3A_39 : f32 to vector<512x1xf32>
    %max3A_41 = arith.maximumf %sqrt3A, %max3A_40 : vector<512x1xf32>
    %max3A_42 = arith.constant 9.99999996E-13 : f32
    %max3A_43 = vector.broadcast %max3A_42 : f32 to vector<512x1xf32>
    %max3A_44 = arith.maximumf %sqrt3A_34, %max3A_43 : vector<512x1xf32>
    %mul3A_45 = arith.mulf %max3A_41, %max3A_44 : vector<512x1xf32>
    %div3A_46 = arith.divf %broadcast_in_dim3A_38, %mul3A_45 : vector<512x1xf32>
    %gt3A = arith.constant 0.000000e+00 : f32
    %gt3A_47 = vector.broadcast %gt3A : f32 to vector<512x1xf32>
    %gt3A_48 = arith.cmpf ogt, %slice3A, %gt3A_47 : vector<512x1xf32>
    %jit3A = arith.constant 1.000000e+00 : f32
    %broadcast_in_dim3A_49 = vector.broadcast %jit3A : f32 to vector<512x1xf32>
    %select_n3A = arith.select %gt3A_48, %div3A_46, %broadcast_in_dim3A_49 : vector<512x1xi1>, vector<512x1xf32>
    %sub3A = arith.constant 1.000000e+00 : f32
    %sub3A_50 = vector.broadcast %sub3A : f32 to vector<512x1xf32>
    %sub3A_51 = arith.subf %sub3A_50, %select_n3A : vector<512x1xf32>
    %mul3A_52 = arith.mulf %slice3A, %sub3A_51 : vector<512x1xf32>
    %div3A_53 = arith.constant 1.000000e+01 : f32
    %div3A_54 = vector.broadcast %div3A_53 : f32 to vector<512x1xf32>
    %div3A_55 = arith.divf %mul3A_52, %div3A_54 : vector<512x1xf32>
    %sub3A_56 = arith.constant 5.000000e-01 : f32
    %sub3A_57 = vector.broadcast %sub3A_56 : f32 to vector<512x1xf32>
    %sub3A_58 = arith.subf %div3A_55, %sub3A_57 : vector<512x1xf32>
    %logistic3A = arith.negf %sub3A_58 : vector<512x1xf32>
    %logistic3A_59 = math.exp %logistic3A : vector<512x1xf32>
    %logistic3A_60 = arith.constant 1.000000e+00 : f32
    %logistic3A_61 = vector.broadcast %logistic3A_60 : f32 to vector<512x1xf32>
    %logistic3A_62 = arith.addf %logistic3A_61, %logistic3A_59 : vector<512x1xf32>
    %logistic3A_63 = arith.divf %logistic3A_61, %logistic3A_62 : vector<512x1xf32>
    %sub3A_64 = arith.constant 5.000000e-01 : f32
    %sub3A_65 = vector.broadcast %sub3A_64 : f32 to vector<512x1xf32>
    %sub3A_66 = arith.subf %logistic3A_63, %sub3A_65 : vector<512x1xf32>
    %get3A_67 = arith.constant 0 : index
    %get3A_68 = arith.constant 0 : index
    %get3A_69 = vector.load %arg5[%get3A_67, %get3A_68] : memref<1x1xf32, #tpu.memory_space<vmem>>, vector<1x1xf32>
    %get3A_70 = vector.extract %get3A_69[0, 0] : f32 from vector<1x1xf32>
    %mul3A_71 = vector.broadcast %get3A_70 : f32 to vector<512x1xf32>
    %mul3A_72 = arith.mulf %sub3A_66, %mul3A_71 : vector<512x1xf32>
    %mul3A_73 = arith.constant 1.000000e+01 : f32
    %mul3A_74 = vector.broadcast %mul3A_73 : f32 to vector<512x1xf32>
    %mul3A_75 = arith.mulf %mul3A_72, %mul3A_74 : vector<512x1xf32>
    %logistic3A_76 = arith.negf %mul3A_75 : vector<512x1xf32>
    %logistic3A_77 = math.exp %logistic3A_76 : vector<512x1xf32>
    %logistic3A_78 = arith.constant 1.000000e+00 : f32
    %logistic3A_79 = vector.broadcast %logistic3A_78 : f32 to vector<512x1xf32>
    %logistic3A_80 = arith.addf %logistic3A_79, %logistic3A_77 : vector<512x1xf32>
    %logistic3A_81 = arith.divf %logistic3A_79, %logistic3A_80 : vector<512x1xf32>
    %add3A_82 = arith.constant 1.000000e+00 : f32
    %add3A_83 = vector.broadcast %add3A_82 : f32 to vector<512x1xf32>
    %add3A_84 = arith.addf %slice3A_19, %add3A_83 : vector<512x1xf32>
    %rsqrt3A = math.rsqrt %add3A_84 : vector<512x1xf32>
    %mul3A_85 = arith.mulf %rsqrt3A, %rsqrt3A : vector<512x1xf32>
    %swap3A = arith.constant 0 : index
    %swap3A_86 = arith.constant 0 : index
    %swap3A_87 = vector.load %arg6[%swap3A, %swap3A_86] : memref<512x128xf32, #tpu.memory_space<vmem>>, vector<512x128xf32>
    tpu.vector_store %arg6[%swap3A, %swap3A_86], %mul3A_24 {strides = array<i32>} : memref<512x128xf32, #tpu.memory_space<vmem>>, vector<512x128xf32>,
    %get3A_88 = arith.constant 0 : index
    %get3A_89 = arith.constant 0 : index
    %get3A_90 = vector.load %arg4[%get3A_88, %get3A_89] : memref<512x128xf32, #tpu.memory_space<vmem>>, vector<512x128xf32>
    %mul3A_91 = vector.broadcast %rsqrt3A : vector<512x1xf32> to vector<512x128xf32>
    %mul3A_92 = arith.mulf %mul3A_91, %get3A_90 : vector<512x128xf32>
    %swap3A_93 = arith.constant 0 : index
    %swap3A_94 = arith.constant 0 : index
    %swap3A_95 = vector.load %arg7[%swap3A_93, %swap3A_94] : memref<512x128xf32, #tpu.memory_space<vmem>>, vector<512x128xf32>
    tpu.vector_store %arg7[%swap3A_93, %swap3A_94], %mul3A_92 {strides = array<i32>} : memref<512x128xf32, #tpu.memory_space<vmem>>, vector<512x128xf32>,
    %iota3A = tpu.iota {dimensions = array<i32: 1>} : vector<512x128xi32>
    %eq3A = arith.constant 0 : i32
    %eq3A_96 = vector.broadcast %eq3A : i32 to vector<512x128xi32>
    %eq3A_97 = arith.cmpi eq, %iota3A, %eq3A_96 : vector<512x128xi32>
    %eq3A_98 = arith.constant 1 : i32
    %eq3A_99 = vector.broadcast %eq3A_98 : i32 to vector<512x128xi32>
    %eq3A_100 = arith.cmpi eq, %iota3A, %eq3A_99 : vector<512x128xi32>
    %eq3A_101 = arith.constant 2 : i32
    %eq3A_102 = vector.broadcast %eq3A_101 : i32 to vector<512x128xi32>
    %eq3A_103 = arith.cmpi eq, %iota3A, %eq3A_102 : vector<512x128xi32>
    %broadcast_in_dim3A_104 = vector.shape_cast %mul3A_85 : vector<512x1xf32> to vector<512x1xf32>
    %broadcast_in_dim3A_105 = vector.broadcast %broadcast_in_dim3A_104 : vector<512x1xf32> to vector<512x128xf32>
    %broadcast_in_dim3A_106 = vector.shape_cast %div3A_23 : vector<512x1xf32> to vector<512x1xf32>
    %broadcast_in_dim3A_107 = vector.broadcast %broadcast_in_dim3A_106 : vector<512x1xf32> to vector<512x128xf32>
    %select_n3A_108 = arith.select %eq3A_103, %broadcast_in_dim3A_105, %broadcast_in_dim3A_107 : vector<512x128xi1>, vector<512x128xf32>
    %broadcast_in_dim3A_109 = vector.shape_cast %rsqrt3A : vector<512x1xf32> to vector<512x1xf32>
    %broadcast_in_dim3A_110 = vector.broadcast %broadcast_in_dim3A_109 : vector<512x1xf32> to vector<512x128xf32>
    %select_n3A_111 = arith.select %eq3A_100, %broadcast_in_dim3A_110, %select_n3A_108 : vector<512x128xi1>, vector<512x128xf32>
    %broadcast_in_dim3A_112 = vector.shape_cast %logistic3A_81 : vector<512x1xf32> to vector<512x1xf32>
    %broadcast_in_dim3A_113 = vector.broadcast %broadcast_in_dim3A_112 : vector<512x1xf32> to vector<512x128xf32>
    %select_n3A_114 = arith.select %eq3A_97, %broadcast_in_dim3A_113, %select_n3A_111 : vector<512x128xi1>, vector<512x128xf32>
    %swap3A_115 = arith.constant 0 : index
    %swap3A_116 = arith.constant 0 : index
    %swap3A_117 = vector.load %arg8[%swap3A_115, %swap3A_116] : memref<512x128xf32, #tpu.memory_space<vmem>>, vector<512x128xf32>
    tpu.vector_store %arg8[%swap3A_115, %swap3A_116], %select_n3A_114 {strides = array<i32>} : memref<512x128xf32, #tpu.memory_space<vmem>>, vector<512x128xf32>,
    return
  }
  func.func @transform_0(%arg0: i32) -> (i32, i32, i32) {
    %c0_i32 = arith.constant 0 : i32
    %c0_i32_0 = arith.constant 0 : i32
    %c0_i32_1 = arith.constant 0 : i32
    return %c0_i32, %arg0, %c0_i32_0 : i32, i32, i32
  }
  func.func @transform_1(%arg0: i32) -> (i32, i32, i32) {
    %c0_i32 = arith.constant 0 : i32
    %c0_i32_0 = arith.constant 0 : i32
    %c0_i32_1 = arith.constant 0 : i32
    return %c0_i32, %arg0, %c0_i32_0 : i32, i32, i32
  }
  func.func @transform_2(%arg0: i32) -> (i32, i32) {
    %c0_i32 = arith.constant 0 : i32
    %c0_i32_0 = arith.constant 0 : i32
    return %arg0, %c0_i32 : i32, i32
  }
  func.func @transform_3(%arg0: i32) -> (i32, i32) {
    %c0_i32 = arith.constant 0 : i32
    %c0_i32_0 = arith.constant 0 : i32
    return %arg0, %c0_i32 : i32, i32
  }
  func.func @transform_4(%arg0: i32) -> (i32, i32) {
    %c0_i32 = arith.constant 0 : i32
    %c0_i32_0 = arith.constant 0 : i32
    %c0_i32_1 = arith.constant 0 : i32
    return %c0_i32, %c0_i32_0 : i32, i32
  }
  func.func @transform_5(%arg0: i32) -> (i32, i32) {
    %c0_i32 = arith.constant 0 : i32
    %c0_i32_0 = arith.constant 0 : i32
    return %arg0, %c0_i32 : i32, i32
  }
  func.func @transform_6(%arg0: i32) -> (i32, i32) {
    %c0_i32 = arith.constant 0 : i32
    %c0_i32_0 = arith.constant 0 : i32
    return %arg0, %c0_i32 : i32, i32
  }
  func.func @transform_7(%arg0: i32) -> (i32, i32) {
    %c0_i32 = arith.constant 0 : i32
    %c0_i32_0 = arith.constant 0 : i32
    return %arg0, %c0_i32 : i32, i32
  }
}

module attributes {stable_mosaic.version = 14 : i64} {
  func.func @_tcc_body(%arg0: i32, %arg1: memref<1x512x128xf32, #tpu.memory_space<vmem>>, %arg2: memref<512x128xf32, #tpu.memory_space<vmem>>, %arg3: memref<512x128xf32, #tpu.memory_space<vmem>>, %arg4: memref<128x128xf32, #tpu.memory_space<vmem>>, %arg5: memref<1x128xf32, #tpu.memory_space<vmem>>, %arg6: memref<512x128xf32, #tpu.memory_space<vmem>>, %arg7: memref<512x128xf32, #tpu.memory_space<vmem>>) attributes {dimension_semantics = [#tpu.dimension_semantics<arbitrary>], iteration_bounds = array<i64: 20>, scalar_prefetch = 0 : i64, scratch_operands = 0 : i64, tpu.core_type = #tpu.core_type<tc>, window_params = [{transform_indices = @transform_0, window_bounds = array<i64: 1, 512, 128>}, {transform_indices = @transform_1, window_bounds = array<i64: 512, 128>}, {transform_indices = @transform_2, window_bounds = array<i64: 512, 128>}, {pipeline_mode = #tpu.pipeline_mode<synchronous>, transform_indices = @transform_3, window_bounds = array<i64: 128, 128>}, {pipeline_mode = #tpu.pipeline_mode<synchronous>, transform_indices = @transform_4, window_bounds = array<i64: 1, 128>}, {transform_indices = @transform_5, window_bounds = array<i64: 512, 128>}, {transform_indices = @transform_6, window_bounds = array<i64: 512, 128>}]} {
    %get3A = arith.constant 0 : index
    %get3A_0 = arith.constant 1 : index
    %get3A_1 = vector.load %arg3[%get3A, %get3A_0] : memref<512x128xf32, #tpu.memory_space<vmem>>, vector<512x1xf32>
    %get3A_2 = arith.constant 0 : index
    %get3A_3 = arith.constant 2 : index
    %get3A_4 = vector.load %arg3[%get3A_2, %get3A_3] : memref<512x128xf32, #tpu.memory_space<vmem>>, vector<512x1xf32>
    %get3A_5 = arith.constant 0 : index
    %get3A_6 = arith.constant 0 : index
    %get3A_7 = arith.constant 0 : index
    %get3A_8 = vector.load %arg1[%get3A_5, %get3A_6, %get3A_7] : memref<1x512x128xf32, #tpu.memory_space<vmem>>, vector<1x512x128xf32>
    %get3A_9 = vector.shape_cast %get3A_8 : vector<1x512x128xf32> to vector<512x128xf32>
    %mul3A = vector.broadcast %get3A_1 : vector<512x1xf32> to vector<512x128xf32>
    %mul3A_10 = arith.mulf %mul3A, %get3A_9 : vector<512x128xf32>
    %get3A_11 = arith.constant 0 : index
    %get3A_12 = arith.constant 0 : index
    %get3A_13 = vector.load %arg2[%get3A_11, %get3A_12] : memref<512x128xf32, #tpu.memory_space<vmem>>, vector<512x128xf32>
    %mul3A_14 = vector.broadcast %get3A_4 : vector<512x1xf32> to vector<512x128xf32>
    %mul3A_15 = arith.mulf %mul3A_14, %get3A_13 : vector<512x128xf32>
    %add3A = arith.addf %mul3A_10, %mul3A_15 : vector<512x128xf32>
    %get3A_16 = arith.constant 0 : index
    %get3A_17 = arith.constant 0 : index
    %get3A_18 = vector.load %arg5[%get3A_16, %get3A_17] : memref<1x128xf32, #tpu.memory_space<vmem>>, vector<1x128xf32>
    %add3A_19 = vector.broadcast %get3A_18 : vector<1x128xf32> to vector<512x128xf32>
    %add3A_20 = arith.addf %add3A, %add3A_19 : vector<512x128xf32>
    %max3A = arith.constant 0.000000e+00 : f32
    %max3A_21 = vector.broadcast %max3A : f32 to vector<512x128xf32>
    %max3A_22 = arith.maximumf %add3A_20, %max3A_21 : vector<512x128xf32>
    %get3A_23 = arith.constant 0 : index
    %get3A_24 = arith.constant 0 : index
    %get3A_25 = vector.load %arg4[%get3A_23, %get3A_24] : memref<128x128xf32, #tpu.memory_space<vmem>>, vector<128x128xf32>
    %dot_general3A = arith.constant dense<0.000000e+00> : vector<512x128xf32>
    %dot_general3A_26 = tpu.matmul %max3A_22, %get3A_25, %dot_general3A {dimension_numbers = #tpu.dot_dimension_numbers<[1], [0], [0], [1], [0, 0, 1, 1], [], []>, transpose_lhs_hint = false} : vector<512x128xf32>, vector<128x128xf32>, vector<512x128xf32> -> vector<512x128xf32>
    %swap3A = arith.constant 0 : index
    %swap3A_27 = arith.constant 0 : index
    %swap3A_28 = vector.load %arg7[%swap3A, %swap3A_27] : memref<512x128xf32, #tpu.memory_space<vmem>>, vector<512x128xf32>
    tpu.vector_store %arg7[%swap3A, %swap3A_27], %dot_general3A_26 {strides = array<i32>} : memref<512x128xf32, #tpu.memory_space<vmem>>, vector<512x128xf32>,
    %mul3A_29 = vector.broadcast %get3A_1 : vector<512x1xf32> to vector<512x128xf32>
    %mul3A_30 = arith.mulf %mul3A_29, %dot_general3A_26 : vector<512x128xf32>
    %swap3A_31 = arith.constant 0 : index
    %swap3A_32 = arith.constant 0 : index
    %swap3A_33 = vector.load %arg6[%swap3A_31, %swap3A_32] : memref<512x128xf32, #tpu.memory_space<vmem>>, vector<512x128xf32>
    tpu.vector_store %arg6[%swap3A_31, %swap3A_32], %mul3A_30 {strides = array<i32>} : memref<512x128xf32, #tpu.memory_space<vmem>>, vector<512x128xf32>,
    return
  }
  func.func @transform_0(%arg0: i32) -> (i32, i32, i32) {
    %c1_i32 = arith.constant 1 : i32
    %c0_i32 = arith.constant 0 : i32
    %c0_i32_0 = arith.constant 0 : i32
    return %c1_i32, %arg0, %c0_i32 : i32, i32, i32
  }
  func.func @transform_1(%arg0: i32) -> (i32, i32) {
    %c0_i32 = arith.constant 0 : i32
    %c0_i32_0 = arith.constant 0 : i32
    return %arg0, %c0_i32 : i32, i32
  }
  func.func @transform_2(%arg0: i32) -> (i32, i32) {
    %c0_i32 = arith.constant 0 : i32
    %c0_i32_0 = arith.constant 0 : i32
    return %arg0, %c0_i32 : i32, i32
  }
  func.func @transform_3(%arg0: i32) -> (i32, i32) {
    %c0_i32 = arith.constant 0 : i32
    %c0_i32_0 = arith.constant 0 : i32
    %c0_i32_1 = arith.constant 0 : i32
    return %c0_i32, %c0_i32_0 : i32, i32
  }
  func.func @transform_4(%arg0: i32) -> (i32, i32) {
    %c0_i32 = arith.constant 0 : i32
    %c0_i32_0 = arith.constant 0 : i32
    %c0_i32_1 = arith.constant 0 : i32
    return %c0_i32, %c0_i32_0 : i32, i32
  }
  func.func @transform_5(%arg0: i32) -> (i32, i32) {
    %c0_i32 = arith.constant 0 : i32
    %c0_i32_0 = arith.constant 0 : i32
    return %arg0, %c0_i32 : i32, i32
  }
  func.func @transform_6(%arg0: i32) -> (i32, i32) {
    %c0_i32 = arith.constant 0 : i32
    %c0_i32_0 = arith.constant 0 : i32
    return %arg0, %c0_i32 : i32, i32
  }
}

module attributes {stable_mosaic.version = 14 : i64} {
  func.func @_tcd_body(%arg0: i32, %arg1: memref<2x512x128xf32, #tpu.memory_space<vmem>>, %arg2: memref<512x128xf32, #tpu.memory_space<vmem>>, %arg3: memref<512x128xf32, #tpu.memory_space<vmem>>, %arg4: memref<512x128xf32, #tpu.memory_space<vmem>>, %arg5: memref<1x512x128xf32, #tpu.memory_space<vmem>>, %arg6: memref<512x128xf32, #tpu.memory_space<vmem>>, %arg7: memref<128x128xf32, #tpu.memory_space<vmem>>, %arg8: memref<128x128xf32, #tpu.memory_space<vmem>>, %arg9: memref<128x128xf32, #tpu.memory_space<vmem>>, %arg10: memref<1x128xf32, #tpu.memory_space<vmem>>, %arg11: memref<1x128xf32, #tpu.memory_space<vmem>>, %arg12: memref<1x128xf32, #tpu.memory_space<vmem>>, %arg13: memref<1x128xf32, #tpu.memory_space<vmem>>, %arg14: memref<128x128xf32, #tpu.memory_space<vmem>>, %arg15: memref<1x128xf32, #tpu.memory_space<vmem>>, %arg16: memref<512x128xf32, #tpu.memory_space<vmem>>) attributes {dimension_semantics = [#tpu.dimension_semantics<arbitrary>], iteration_bounds = array<i64: 20>, scalar_prefetch = 0 : i64, scratch_operands = 0 : i64, tpu.core_type = #tpu.core_type<tc>, window_params = [{transform_indices = @transform_0, window_bounds = array<i64: 2, 512, 128>}, {transform_indices = @transform_1, window_bounds = array<i64: 512, 128>}, {transform_indices = @transform_2, window_bounds = array<i64: 512, 128>}, {transform_indices = @transform_3, window_bounds = array<i64: 512, 128>}, {transform_indices = @transform_4, window_bounds = array<i64: 1, 512, 128>}, {transform_indices = @transform_5, window_bounds = array<i64: 512, 128>}, {pipeline_mode = #tpu.pipeline_mode<synchronous>, transform_indices = @transform_6, window_bounds = array<i64: 128, 128>}, {pipeline_mode = #tpu.pipeline_mode<synchronous>, transform_indices = @transform_7, window_bounds = array<i64: 128, 128>}, {pipeline_mode = #tpu.pipeline_mode<synchronous>, transform_indices = @transform_8, window_bounds = array<i64: 128, 128>}, {pipeline_mode = #tpu.pipeline_mode<synchronous>, transform_indices = @transform_9, window_bounds = array<i64: 1, 128>}, {pipeline_mode = #tpu.pipeline_mode<synchronous>, transform_indices = @transform_10, window_bounds = array<i64: 1, 128>}, {pipeline_mode = #tpu.pipeline_mode<synchronous>, transform_indices = @transform_11, window_bounds = array<i64: 1, 128>}, {pipeline_mode = #tpu.pipeline_mode<synchronous>, transform_indices = @transform_12, window_bounds = array<i64: 1, 128>}, {pipeline_mode = #tpu.pipeline_mode<synchronous>, transform_indices = @transform_13, window_bounds = array<i64: 128, 128>}, {pipeline_mode = #tpu.pipeline_mode<synchronous>, transform_indices = @transform_14, window_bounds = array<i64: 1, 128>}, {transform_indices = @transform_15, window_bounds = array<i64: 512, 128>}]} {
    %get3A = arith.constant 0 : index
    %get3A_0 = arith.constant 0 : index
    %get3A_1 = vector.load %arg6[%get3A, %get3A_0] : memref<512x128xf32, #tpu.memory_space<vmem>>, vector<512x1xf32>
    %get3A_2 = arith.constant 0 : index
    %get3A_3 = arith.constant 1 : index
    %get3A_4 = vector.load %arg6[%get3A_2, %get3A_3] : memref<512x128xf32, #tpu.memory_space<vmem>>, vector<512x1xf32>
    %get3A_5 = arith.constant 0 : index
    %get3A_6 = arith.constant 2 : index
    %get3A_7 = vector.load %arg6[%get3A_5, %get3A_6] : memref<512x128xf32, #tpu.memory_space<vmem>>, vector<512x1xf32>
    %get3A_8 = arith.constant 0 : index
    %get3A_9 = arith.constant 3 : index
    %get3A_10 = vector.load %arg6[%get3A_8, %get3A_9] : memref<512x128xf32, #tpu.memory_space<vmem>>, vector<512x1xf32>
    %get3A_11 = arith.constant 0 : index
    %get3A_12 = arith.constant 0 : index
    %get3A_13 = arith.constant 0 : index
    %get3A_14 = vector.load %arg1[%get3A_11, %get3A_12, %get3A_13] : memref<2x512x128xf32, #tpu.memory_space<vmem>>, vector<1x512x128xf32>
    %get3A_15 = vector.shape_cast %get3A_14 : vector<1x512x128xf32> to vector<512x128xf32>
    %get3A_16 = arith.constant 1 : index
    %get3A_17 = arith.constant 0 : index
    %get3A_18 = arith.constant 0 : index
    %get3A_19 = vector.load %arg1[%get3A_16, %get3A_17, %get3A_18] : memref<2x512x128xf32, #tpu.memory_space<vmem>>, vector<1x512x128xf32>
    %get3A_20 = vector.shape_cast %get3A_19 : vector<1x512x128xf32> to vector<512x128xf32>
    %add3A = arith.addf %get3A_15, %get3A_20 : vector<512x128xf32>
    %mul3A = vector.broadcast %get3A_4 : vector<512x1xf32> to vector<512x128xf32>
    %mul3A_21 = arith.mulf %mul3A, %add3A : vector<512x128xf32>
    %get3A_22 = arith.constant 0 : index
    %get3A_23 = arith.constant 0 : index
    %get3A_24 = vector.load %arg2[%get3A_22, %get3A_23] : memref<512x128xf32, #tpu.memory_space<vmem>>, vector<512x128xf32>
    %mul3A_25 = vector.broadcast %get3A_7 : vector<512x1xf32> to vector<512x128xf32>
    %mul3A_26 = arith.mulf %mul3A_25, %get3A_24 : vector<512x128xf32>
    %add3A_27 = arith.addf %mul3A_21, %mul3A_26 : vector<512x128xf32>
    %get3A_28 = arith.constant 0 : index
    %get3A_29 = arith.constant 0 : index
    %get3A_30 = vector.load %arg11[%get3A_28, %get3A_29] : memref<1x128xf32, #tpu.memory_space<vmem>>, vector<1x128xf32>
    %add3A_31 = vector.broadcast %get3A_30 : vector<1x128xf32> to vector<512x128xf32>
    %add3A_32 = arith.addf %add3A_27, %add3A_31 : vector<512x128xf32>
    %get3A_33 = arith.constant 0 : index
    %get3A_34 = arith.constant 0 : index
    %get3A_35 = arith.constant 0 : index
    %get3A_36 = vector.load %arg5[%get3A_33, %get3A_34, %get3A_35] : memref<1x512x128xf32, #tpu.memory_space<vmem>>, vector<1x512x128xf32>
    %get3A_37 = vector.shape_cast %get3A_36 : vector<1x512x128xf32> to vector<512x128xf32>
    %mul3A_38 = vector.broadcast %get3A_10 : vector<512x1xf32> to vector<512x128xf32>
    %mul3A_39 = arith.mulf %get3A_37, %mul3A_38 : vector<512x128xf32>
    %get3A_40 = arith.constant 0 : index
    %get3A_41 = arith.constant 0 : index
    %get3A_42 = vector.load %arg4[%get3A_40, %get3A_41] : memref<512x128xf32, #tpu.memory_space<vmem>>, vector<512x128xf32>
    %get3A_43 = arith.constant 0 : index
    %get3A_44 = arith.constant 0 : index
    %get3A_45 = vector.load %arg7[%get3A_43, %get3A_44] : memref<128x128xf32, #tpu.memory_space<vmem>>, vector<128x128xf32>
    %dot_general3A = arith.constant dense<0.000000e+00> : vector<512x128xf32>
    %dot_general3A_46 = tpu.matmul %get3A_42, %get3A_45, %dot_general3A {dimension_numbers = #tpu.dot_dimension_numbers<[1], [0], [0], [1], [0, 0, 1, 1], [], []>, transpose_lhs_hint = false} : vector<512x128xf32>, vector<128x128xf32>, vector<512x128xf32> -> vector<512x128xf32>
    %get3A_47 = arith.constant 0 : index
    %get3A_48 = arith.constant 0 : index
    %get3A_49 = vector.load %arg3[%get3A_47, %get3A_48] : memref<512x128xf32, #tpu.memory_space<vmem>>, vector<512x128xf32>
    %get3A_50 = arith.constant 0 : index
    %get3A_51 = arith.constant 0 : index
    %get3A_52 = vector.load %arg8[%get3A_50, %get3A_51] : memref<128x128xf32, #tpu.memory_space<vmem>>, vector<128x128xf32>
    %dot_general3A_53 = arith.constant dense<0.000000e+00> : vector<512x128xf32>
    %dot_general3A_54 = tpu.matmul %get3A_49, %get3A_52, %dot_general3A_53 {dimension_numbers = #tpu.dot_dimension_numbers<[1], [0], [0], [1], [0, 0, 1, 1], [], []>, transpose_lhs_hint = false} : vector<512x128xf32>, vector<128x128xf32>, vector<512x128xf32> -> vector<512x128xf32>
    %add3A_55 = arith.addf %dot_general3A_46, %dot_general3A_54 : vector<512x128xf32>
    %get3A_56 = arith.constant 0 : index
    %get3A_57 = arith.constant 0 : index
    %get3A_58 = vector.load %arg9[%get3A_56, %get3A_57] : memref<128x128xf32, #tpu.memory_space<vmem>>, vector<128x128xf32>
    %dot_general3A_59 = arith.constant dense<0.000000e+00> : vector<512x128xf32>
    %dot_general3A_60 = tpu.matmul %mul3A_39, %get3A_58, %dot_general3A_59 {dimension_numbers = #tpu.dot_dimension_numbers<[1], [0], [0], [1], [0, 0, 1, 1], [], []>, transpose_lhs_hint = false} : vector<512x128xf32>, vector<128x128xf32>, vector<512x128xf32> -> vector<512x128xf32>
    %add3A_61 = arith.addf %add3A_55, %dot_general3A_60 : vector<512x128xf32>
    %get3A_62 = arith.constant 0 : index
    %get3A_63 = arith.constant 0 : index
    %get3A_64 = vector.load %arg10[%get3A_62, %get3A_63] : memref<1x128xf32, #tpu.memory_space<vmem>>, vector<1x128xf32>
    %add3A_65 = vector.broadcast %get3A_64 : vector<1x128xf32> to vector<512x128xf32>
    %add3A_66 = arith.addf %add3A_61, %add3A_65 : vector<512x128xf32>
    %max3A = arith.constant 0.000000e+00 : f32
    %max3A_67 = vector.broadcast %max3A : f32 to vector<512x128xf32>
    %max3A_68 = arith.maximumf %add3A_66, %max3A_67 : vector<512x128xf32>
    %sub3A = arith.constant 1.000000e+00 : f32
    %sub3A_69 = vector.broadcast %sub3A : f32 to vector<512x1xf32>
    %sub3A_70 = arith.subf %sub3A_69, %get3A_1 : vector<512x1xf32>
    %mul3A_71 = vector.broadcast %sub3A_70 : vector<512x1xf32> to vector<512x128xf32>
    %mul3A_72 = arith.mulf %mul3A_71, %add3A_32 : vector<512x128xf32>
    %mul3A_73 = vector.broadcast %get3A_1 : vector<512x1xf32> to vector<512x128xf32>
    %mul3A_74 = arith.mulf %mul3A_73, %max3A_68 : vector<512x128xf32>
    %add3A_75 = arith.addf %mul3A_72, %mul3A_74 : vector<512x128xf32>
    %sqrt3A = arith.constant 1.000010e+00 : f32
    %sqrt3A_76 = math.sqrt %sqrt3A : f32
    %div3A = vector.broadcast %sqrt3A_76 : f32 to vector<512x128xf32>
    %div3A_77 = arith.divf %add3A_75, %div3A : vector<512x128xf32>
    %get3A_78 = arith.constant 0 : index
    %get3A_79 = arith.constant 0 : index
    %get3A_80 = vector.load %arg12[%get3A_78, %get3A_79] : memref<1x128xf32, #tpu.memory_space<vmem>>, vector<1x128xf32>
    %mul3A_81 = vector.broadcast %get3A_80 : vector<1x128xf32> to vector<512x128xf32>
    %mul3A_82 = arith.mulf %div3A_77, %mul3A_81 : vector<512x128xf32>
    %get3A_83 = arith.constant 0 : index
    %get3A_84 = arith.constant 0 : index
    %get3A_85 = vector.load %arg13[%get3A_83, %get3A_84] : memref<1x128xf32, #tpu.memory_space<vmem>>, vector<1x128xf32>
    %add3A_86 = vector.broadcast %get3A_85 : vector<1x128xf32> to vector<512x128xf32>
    %add3A_87 = arith.addf %mul3A_82, %add3A_86 : vector<512x128xf32>
    %get3A_88 = arith.constant 0 : index
    %get3A_89 = arith.constant 0 : index
    %get3A_90 = vector.load %arg14[%get3A_88, %get3A_89] : memref<128x128xf32, #tpu.memory_space<vmem>>, vector<128x128xf32>
    %dot_general3A_91 = arith.constant dense<0.000000e+00> : vector<512x128xf32>
    %dot_general3A_92 = tpu.matmul %add3A_87, %get3A_90, %dot_general3A_91 {dimension_numbers = #tpu.dot_dimension_numbers<[1], [0], [0], [1], [0, 0, 1, 1], [], []>, transpose_lhs_hint = false} : vector<512x128xf32>, vector<128x128xf32>, vector<512x128xf32> -> vector<512x128xf32>
    %get3A_93 = arith.constant 0 : index
    %get3A_94 = arith.constant 0 : index
    %get3A_95 = vector.load %arg15[%get3A_93, %get3A_94] : memref<1x128xf32, #tpu.memory_space<vmem>>, vector<1x128xf32>
    %add3A_96 = vector.broadcast %get3A_95 : vector<1x128xf32> to vector<512x128xf32>
    %add3A_97 = arith.addf %dot_general3A_92, %add3A_96 : vector<512x128xf32>
    %swap3A = arith.constant 0 : index
    %swap3A_98 = arith.constant 0 : index
    %swap3A_99 = vector.load %arg16[%swap3A, %swap3A_98] : memref<512x128xf32, #tpu.memory_space<vmem>>, vector<512x128xf32>
    tpu.vector_store %arg16[%swap3A, %swap3A_98], %add3A_97 {strides = array<i32>} : memref<512x128xf32, #tpu.memory_space<vmem>>, vector<512x128xf32>,
    return
  }
  func.func @transform_0(%arg0: i32) -> (i32, i32, i32) {
    %c0_i32 = arith.constant 0 : i32
    %c0_i32_0 = arith.constant 0 : i32
    %c0_i32_1 = arith.constant 0 : i32
    return %c0_i32, %arg0, %c0_i32_0 : i32, i32, i32
  }
  func.func @transform_1(%arg0: i32) -> (i32, i32) {
    %c0_i32 = arith.constant 0 : i32
    %c0_i32_0 = arith.constant 0 : i32
    return %arg0, %c0_i32 : i32, i32
  }
  func.func @transform_2(%arg0: i32) -> (i32, i32) {
    %c0_i32 = arith.constant 0 : i32
    %c0_i32_0 = arith.constant 0 : i32
    return %arg0, %c0_i32 : i32, i32
  }
  func.func @transform_3(%arg0: i32) -> (i32, i32) {
    %c0_i32 = arith.constant 0 : i32
    %c0_i32_0 = arith.constant 0 : i32
    return %arg0, %c0_i32 : i32, i32
  }
  func.func @transform_4(%arg0: i32) -> (i32, i32, i32) {
    %c0_i32 = arith.constant 0 : i32
    %c0_i32_0 = arith.constant 0 : i32
    %c0_i32_1 = arith.constant 0 : i32
    return %c0_i32, %arg0, %c0_i32_0 : i32, i32, i32
  }
  func.func @transform_5(%arg0: i32) -> (i32, i32) {
    %c0_i32 = arith.constant 0 : i32
    %c0_i32_0 = arith.constant 0 : i32
    return %arg0, %c0_i32 : i32, i32
  }
  func.func @transform_6(%arg0: i32) -> (i32, i32) {
    %c0_i32 = arith.constant 0 : i32
    %c0_i32_0 = arith.constant 0 : i32
    %c0_i32_1 = arith.constant 0 : i32
    return %c0_i32, %c0_i32_0 : i32, i32
  }
  func.func @transform_7(%arg0: i32) -> (i32, i32) {
    %c0_i32 = arith.constant 0 : i32
    %c0_i32_0 = arith.constant 0 : i32
    %c0_i32_1 = arith.constant 0 : i32
    return %c0_i32, %c0_i32_0 : i32, i32
  }
  func.func @transform_8(%arg0: i32) -> (i32, i32) {
    %c0_i32 = arith.constant 0 : i32
    %c0_i32_0 = arith.constant 0 : i32
    %c0_i32_1 = arith.constant 0 : i32
    return %c0_i32, %c0_i32_0 : i32, i32
  }
  func.func @transform_9(%arg0: i32) -> (i32, i32) {
    %c0_i32 = arith.constant 0 : i32
    %c0_i32_0 = arith.constant 0 : i32
    %c0_i32_1 = arith.constant 0 : i32
    return %c0_i32, %c0_i32_0 : i32, i32
  }
  func.func @transform_10(%arg0: i32) -> (i32, i32) {
    %c0_i32 = arith.constant 0 : i32
    %c0_i32_0 = arith.constant 0 : i32
    %c0_i32_1 = arith.constant 0 : i32
    return %c0_i32, %c0_i32_0 : i32, i32
  }
  func.func @transform_11(%arg0: i32) -> (i32, i32) {
    %c0_i32 = arith.constant 0 : i32
    %c0_i32_0 = arith.constant 0 : i32
    %c0_i32_1 = arith.constant 0 : i32
    return %c0_i32, %c0_i32_0 : i32, i32
  }
  func.func @transform_12(%arg0: i32) -> (i32, i32) {
    %c0_i32 = arith.constant 0 : i32
    %c0_i32_0 = arith.constant 0 : i32
    %c0_i32_1 = arith.constant 0 : i32
    return %c0_i32, %c0_i32_0 : i32, i32
  }
  func.func @transform_13(%arg0: i32) -> (i32, i32) {
    %c0_i32 = arith.constant 0 : i32
    %c0_i32_0 = arith.constant 0 : i32
    %c0_i32_1 = arith.constant 0 : i32
    return %c0_i32, %c0_i32_0 : i32, i32
  }
  func.func @transform_14(%arg0: i32) -> (i32, i32) {
    %c0_i32 = arith.constant 0 : i32
    %c0_i32_0 = arith.constant 0 : i32
    %c0_i32_1 = arith.constant 0 : i32
    return %c0_i32, %c0_i32_0 : i32, i32
  }
  func.func @transform_15(%arg0: i32) -> (i32, i32) {
    %c0_i32 = arith.constant 0 : i32
    %c0_i32_0 = arith.constant 0 : i32
    return %arg0, %c0_i32 : i32, i32
  }
}

</mosaic_0001>

<sc_bundles>
// kernel: kernel.10.cloned.1.call-start
scs
__scs_entry_jumppad:
0x0: {  	(pc) =	sbr.rel $0x88, $3  }
0x1: {  	(tag) =	ssettag $0x0;
	lr =	simm.s32 $0x1  }
0x2: {  	[smem:$0x3F8F] =	sst lr;
	_ =	strace $0xD0000000  }
0x3: {  	_ = 	snop  }
0x4: {  	_ = 	snop  }
0x5: {  	_ = 	snop  }
0x6: {  	_ = 	snop  }
0x7: {  	_ = 	snop  }
__scs_overlays_trampoline_lowered:
0x8: {  	[smem:$0x3F9E] =	sst s0  }
0x9: {  	[smem:$0x3F9F] =	sst s1  }
0xa: {  	[smem:$0x3FA0] =	sst s2  }
0xb: {  	[smem:$0x3FA1] =	sst s3  }
0xc: {  	[smem:$0x3FA2] =	sst s4  }
0xd: {  	[smem:$0x3FA3] =	sst s5  }
0xe: {  	[smem:$0x3FA4] =	sst s6  }
0xf: {  	[smem:$0x3FA5] =	sst s7  }
0x10: {  	[smem:$0x3FA6] =	sst s8  }
0x11: {  	[smem:$0x3FA7] =	sst s9;
	s0 =	simm.s32 @!p0 $0x0  }
0x12: {  	s1 =	sld [smem:$0x3F8D];
	s0 =	simm.s32 @p0 $0x1  }
0x13: {  	[smem:$0x3FA8] =	sst s0;
	s0 =	simm.s32 @!p1 $0x0  }
0x14: {  	s2 =	sld [smem:$0x3F8C];
	s0 =	simm.s32 @p1 $0x1  }
0x15: {  	[smem:$0x3FA9] =	sst s0;
	s0 =	simm.s32 @!p2 $0x0  }
0x16: {  	s3 =	sld [smem:$0x3FDB];
	s0 =	simm.s32 @p2 $0x1  }
0x17: {  	s4 =	simm.s32 $0x1BF5;
	[smem:$0x3FAB] =	sst s0  }
0x18: {  	s0 =	sld [smem:$0x3F8E];
	_ =	swait.ge [sflag:s4], $0x0  }
0x19: {  	s7 =	sld [smem:$0x3F8F]  }
0x1a: {  	s8 =	sadd.s32 $0xFFFFE003, lr  }
0x1b: {  	s9 =	sadd.s32 $0xFFFFFEF7, lr;
	s5 =	simm.s32 $0xFFFFFFFF;
	p2 =	slt.u32 s8, $0xFFFFF086  }
0x1c: {  	p1 =	slt.u32 s9, $0xF7A;
	s5 =	simm.s32 @!p2 $0x0  }
0x1d: {  	s5 =	simm.s32 @p1 $0x1;
	p0 =	seq.s32 s7, s2  }
0x1e: {  	s7 =	smul.u32 @!p0 $0xF7A, s2;
	p2 =	seq.s32 @!p0 s5, $0x0  }
0x1f: {  	s9 =	smul.u32 $0xF7A, s1;
	s8 =	simm.s32 @!p0 $0x1BF5;
	p2 =	por !p2, p0  }
0x20: {  	[sflag:s8] =	ssyncset.s32 @!p0 $0xFFFFF086;
	s6 =	sadd.s32 @!p0 s3, s7;
	s7 =	simm.s32 @!p0 $0x108  }
0x21: {  	s3 =	sadd.s32 s3, s9;
	s6 =	sadd.s32 @!p0 $0x88, s6;
	s7 =	simm.s32 @p2 $0x1082  }
0x22: {  	[simem:s7], [sflag:s8] =	dma.local @!p0 [hbm:s6], $0xF7A  }
0x23: {  	s9 =	sor.u32 $0xD0000000, s2;
	s6 =	simm.s32 $0x108;
	_ =	swait.ge @!p0 [sflag:s8], $0x0  }
0x24: {  	s3 =	sadd.s32 $0x88, s3;
	s6 =	simm.s32 @!p1 $0x1082;
	[sflag:s4] =	ssyncset.s32 $0xFFFFF086  }
0x25: {  	[simem:s6], [sflag:s4] =	dma.local [hbm:s3], $0xF7A  }
0x26: {  	[smem:$0x3F8F] =	sst s1;
	(tag) =	ssettag s2;
	_ =	strace s9  }
0x27: {  	s1 =	sld [smem:$0x3F9F]  }
0x28: {  	s2 =	sld [smem:$0x3FA0]  }
0x29: {  	s4 =	sld [smem:$0x3FA2]  }
0x2a: {  	p0 =	seq.s32 s5, $0x0;
	s5 =	sld [smem:$0x3FA3]  }
0x2b: {  	s6 =	sld [smem:$0x3FA4]  }
0x2c: {  	s7 =	sld [smem:$0x3FA5]  }
0x2d: {  	s3 =	simm.s32 $0x108;
	s8 =	sld [smem:$0x3FA6]  }
0x2e: {  	s3 =	simm.s32 @!p0 $0x1082;
	s9 =	sld [smem:$0x3FA7]  }
0x2f: {  	lr =	sadd.s32 s0, s3;
	s0 =	sld [smem:$0x3F9E]  }
0x30: {  	s3 =	sld [smem:$0x3FA1]  }
0x31: {  	[smem:$0x3FAA] =	sst s10  }
0x32: {  	s10 =	sld [smem:$0x3FA8];
	_ =	sdelay $0x3  }
0x33: {  	p0 =	seq.s32 s10, $0x1;
	s10 =	sld [smem:$0x3FAA];
	_ =	sdelay $0x3  }
0x34: {  	[smem:$0x3FAA] =	sst s10  }
0x35: {  	s10 =	sld [smem:$0x3FA9];
	_ =	sdelay $0x3  }
0x36: {  	p1 =	seq.s32 s10, $0x1;
	s10 =	sld [smem:$0x3FAA];
	_ =	sdelay $0x3  }
0x37: {  	[smem:$0x3FAA] =	sst s10  }
0x38: {  	s10 =	sld [smem:$0x3FAB]  }
0x39: {  	_ = 	snop;
	(pc) =	sbr.ind lr, $3  }
0x3a: {  	_ = 	snop  }
0x3b: {  	_ = 	snop  }
0x3c: {  	p2 =	seq.s32 s10, $0x1;
	s10 =	sld [smem:$0x3FAA]  }
0x3d: {  	_ =	shalt  }
0x3e: {  	_ =	shalt  }
0x3f: {  	_ =	shalt  }
0x40: {  	_ =	shalt  }
0x41: {  	_ =	shalt  }
0x42: {  	_ =	shalt  }
0x43: {  	_ =	shalt  }
0x44: {  	_ =	shalt  }
0x45: {  	_ =	shalt  }
0x46: {  	_ =	shalt  }
0x47: {  	_ =	shalt  }
0x48: {  	_ =	shalt  }
0x49: {  	_ =	shalt  }
0x4a: {  	_ =	shalt  }
0x4b: {  	_ =	shalt  }
0x4c: {  	_ =	shalt  }
0x4d: {  	_ =	shalt  }
0x4e: {  	_ =	shalt  }
0x4f: {  	_ =	shalt  }
0x50: {  	_ =	shalt  }
0x51: {  	_ =	shalt  }
0x52: {  	_ =	shalt  }
0x53: {  	_ =	shalt  }
0x54: {  	_ =	shalt  }
0x55: {  	_ =	shalt  }
0x56: {  	_ =	shalt  }
0x57: {  	_ =	shalt  }
0x58: {  	_ =	shalt  }
0x59: {  	_ =	shalt  }
0x5a: {  	_ =	shalt  }
0x5b: {  	_ =	shalt  }
0x5c: {  	_ =	shalt  }
0x5d: {  	_ =	shalt  }
0x5e: {  	_ =	shalt  }
0x5f: {  	_ =	shalt  }
0x60: {  	_ =	shalt  }
0x61: {  	_ =	shalt  }
0x62: {  	_ =	shalt  }
0x63: {  	_ =	shalt  }
0x64: {  	_ =	shalt  }
0x65: {  	_ =	shalt  }
0x66: {  	_ =	shalt  }
0x67: {  	_ =	shalt  }
0x68: {  	_ =	shalt  }
0x69: {  	_ =	shalt  }
0x6a: {  	_ =	shalt  }
0x6b: {  	_ =	shalt  }
0x6c: {  	_ =	shalt  }
0x6d: {  	_ =	shalt  }
0x6e: {  	_ =	shalt  }
0x6f: {  	_ =	shalt  }
0x70: {  	_ =	shalt  }
0x71: {  	_ =	shalt  }
0x72: {  	_ =	shalt  }
0x73: {  	_ =	shalt  }
0x74: {  	_ =	shalt  }
0x75: {  	_ =	shalt  }
0x76: {  	_ =	shalt  }
0x77: {  	_ =	shalt  }
0x78: {  	_ =	shalt  }
0x79: {  	_ =	shalt  }
0x7a: {  	_ =	shalt  }
0x7b: {  	_ =	shalt  }
0x7c: {  	_ =	shalt  }
0x7d: {  	_ =	shalt  }
0x7e: {  	_ =	shalt  }
0x7f: {  	_ =	shalt  }
0x80: {  	_ =	shalt  }
0x81: {  	_ =	shalt  }
0x82: {  	_ =	shalt  }
0x83: {  	_ =	shalt  }
0x84: {  	_ =	shalt  }
0x85: {  	_ =	shalt  }
0x86: {  	_ =	shalt  }
0x87: {  	_ =	shalt  }
.Lfunc_end0:
.L_simem_size_0:
called_computation_lowered:
.L_overlay_start_0:
0x88: {  	s2 =	sld [smem:$0x3FD9]  }
0x89: {  	s3 =	sld [smem:$0x3FFE];
	_ =	sdelay $0x1  }
0x8a: {  	s1 =	srdreg.scid  }
0x8b: {  	s0 =	sand.u32 $0x1, s1  }
0x8c: {  	s17 =	sshll.u32 s0, $0xA;
	s2 =	sadd.s32 s3, s2  }
0x8d: {  	s2 =	sadd.s32 s2, s17  }
0x8e: {  	[smem:$0x3FB6] =	sst s2  }
0x8f: {  	_ = 	snop  }
0x90: {  	s18 =	sld [smem:$0x3FD0];
	(tm) =	ssettm $0x1  }
0x91: {  	s19 =	sld [smem:$0x3FFB];
	_ =	sdelay $0x3  }
0x92: {  	_ =	strace s19  }
0x93: {  	s2 =	sld [smem:$0x3FFC];
	_ =	sdelay $0x3  }
0x94: {  	_ =	strace s2  }
0x95: {  	s2 =	sld [smem:$0x3FFD];
	_ =	sdelay $0x3  }
0x96: {  	_ =	strace s2  }
0x97: {  	_ =	strace $0x8FFFFFFF  }
0x98: {  	s20 =	sld [smem:$0x3FDB];
	_ =	sdelay $0x1  }
0x99: {  	s4 =	simm.s32 $_scs_section_size  }
0x9a: {  	s5 =	simm.s32 $_size__tile_overlayer_lowered;
	s6 =	simm.s32 $_tile_overlayer_lowered  }
0x9b: {  	s7 =	simm.s32 $0x1BFF;
	s21 =	sshll.u32 s6, $0x1;
	s4 =	sadd.s32 s4, s20  }
0x9c: {  	s22 =	simm.s32 $0x0;
	s5 =	sshll.u32 s5, $0x1;
	s6 =	sadd.s32 s21, s4  }
0x9d: {  	[timem:s22], [sflag:s7] =	dma.local [hbm:s6], s5  }
0x9e: {  	_ =	swait.ge [sflag:s7], s5  }
0x9f: {  	s5 =	ssub.s32 $0x0, s5;
	[sflag:s7] =	ssyncset.done $0x0  }
0xa0: {  	[sflag:s7] =	ssyncadd.s32 s5;
	_ =	sdelay $0x1  }
0xa1: {  	s23 =	simm.s32 $0x1B8B  }
0xa2: {  	_ =	swait.ge [sflag:s23], $0x1  }
0xa3: {  	[sflag:s23] =	ssyncset.done $0x0  }
0xa4: {  	[sflag:s23] =	ssyncadd.s32 $0xFFFFFFFF  }
0xa5: {  	s5 =	sld [smem:$0x0]  }
0xa6: {  	s6 =	sand.u32 $0xFFFFFFFE, s1  }
0xa7: {  	p0 =	sne.s32 s1, s6  }
0xa8: {  	s6 =	sshll.u32 @p0 s6, $0xE  }
0xa9: {  	s6 =	sadd.s32 @p0 $0x11B8D, s6;
	s7 =	sshll.u32 @p0 s5, $0x11  }
0xaa: {  	s6 =	sor.u32 @p0 s7, s6  }
0xab: {  	[sflag:s6] =	ssyncadd.remote.s32 @p0 $0x1;
	_ =	sdelay $0x1  }
0xac: {  	s6 =	simm.s32 @p0 $0x1B8D  }
0xad: {  	_ =	swait.eq @p0 [sflag:s6], $0x1  }
0xae: {  	[sflag:s6] =	ssyncadd.s32 @p0 $0xFFFFFFFF  }
0xaf: {  	s7 =	sshll.u32 @!p0 s1, $0xE  }
0xb0: {  	s7 =	sor.u32 @!p0 $0x4000, s7;
	s6 =	simm.s32 @!p0 $0x1B8D  }
0xb1: {  	s5 =	sshll.u32 @!p0 s5, $0x11;
	s7 =	sadd.s32 @!p0 $0x11B8D, s7;
	_ =	swait.eq @!p0 [sflag:s6], $0x1  }
0xb2: {  	s5 =	sor.u32 @!p0 s5, s7;
	[sflag:s6] =	ssyncadd.s32 @!p0 $0xFFFFFFFF  }
0xb3: {  	s25 =	simm.s32 $0x1B8E;
	s24 =	sld [smem:$0x3FFE];
	[sflag:s5] =	ssyncadd.remote.s32 @!p0 $0x1  }
0xb4: {  	s26 =	simm.s32 $execute0_lowered;
	[smem:$0x3FD2] =	sst s25  }
0xb5: {  	s6 =	sshll.u32 s26, $0x1;
	_ =	strace $0x80000049;
	[dreg:$0x1] =	wrdreg $0xFFFFFFFF  }
0xb6: {  	s28 =	simm.s32 $_size_execute0_lowered;
	s4 =	sadd.s32 s4, s6;
	[dreg:$0x0] =	wrdreg $0x0  }
0xb7: {  	s6 =	sshll.u32 s28, $0x1;
	[dreg:$0x2] =	wrdreg s4  }
0xb8: {  	[dreg:$0x3] =	wrdreg s6  }
0xb9: {  	[dreg:$0x4] =	wrdreg $0xC0  }
0xba: {  	_ =	task [dreg:s22], $0x5FFFF  }
0xbb: {  	[dreg:$0x1] =	wrdreg $0xFFFFFFFF  }
0xbc: {  	[dreg:$0x0] =	wrdreg $0x60  }
0xbd: {  	[dreg:$0x2] =	wrdreg s24  }
0xbe: {  	[dreg:$0x3] =	wrdreg s18  }
0xbf: {  	[dreg:$0x4] =	wrdreg $0x41000  }
0xc0: {  	[dreg:$0x5] =	wrdreg $0x9  }
0xc1: {  	_ =	task.clear_ibuf [dreg:s22], $0x6FFFF;
	_ =	strace $0x90000049  }
0xc2: {  	s29 =	simm.s32 $0x9;
	_ =	strace $0x8000004B  }
0xc3: {  	_ =	swait.ge [sflag:s29], $0x1  }
0xc4: {  	[sflag:s29] =	ssyncadd.s32 $0xFFFFFFFF  }
0xc5: {  	_ =	strace $0x9000004B  }
0xc6: {  	_ =	sfence  }
0xc7: {  	s30 =	sld [smem:$0x0];
	_ =	sdelay $0x2  }
0xc8: {  	s31 =	sshll.u32 s1, $0xD;
	s1 =	sshrl.u32 s1, $0x2  }
0xc9: {  	s4 =	sand.u32 $0x4000, s31;
	s1 =	sadd.s32 s1, s30  }
0xca: {  	s0 =	sor.u32 s4, s0;
	s1 =	sshll.u32 s1, $0x11  }
0xcb: {  	s0 =	sor.u32 s1, s0  }
0xcc: {  	s0 =	sadd.s32 $0x8F2B, s0  }
0xcd: {  	[sflag:s0] =	ssyncadd.remote.s32 $0x1  }
0xce: {  	_ =	sfence.sel $0xFFFF  }
0xcf: {  	[dreg:$0x0] =	wrdreg $0xFFFFFFFF;
	(pc) =	sbr.abs _section_cstart, $3  }
0xd0: {  	[dreg:$0x1] =	wrdreg $0xFFFFFFFF  }
0xd1: {  	_ =	task.clear_ibuf [dreg:s22], $0x2FFFF;
	_ =	strace $0x9FFFFFFF  }
0xd2: {  	(tm) =	ssettm $0x7FFFFFFF  }
0xd3: {  	_ =	shalt  }
tec
execute0_lowered:
.L_overlay_start_1:
0x0: {  	(tag) =	ssettag $0x1  }
0x1: {  	s5 =	rddreg [dreg:$0x0]  }
0x2: {  	s2 =	rddreg [dreg:$0x1]  }
0x3: {  	s3 =	rddreg [dreg:$0x2]  }
0x4: {  	s0 =	rddreg [dreg:$0x3];
	s1 =	stileid.u32  }
0x5: {  	s6 =	srdreg.scid;
	s4 =	simm.s32 $0x0;
	s7 =	smul.u32 $0x14000, s1  }
0x6: {  	s16 =	simm.s32 $0x2;
	s17 =	simm.s32 $0x80;
	s12 =	smul.u32 $0x50000, s1  }
0x7: {  	s18 =	simm.s32 $0x0;
	s8 =	sand.u32 $0x1, s6;
	s26 =	smul.u32 $0x5000, s1  }
0x8: {  	[smem:$0x7FF] =	sst s4;
	s10 =	sadd.s32 $0xEC00, s5;
	s30 =	smul.u32 $0xA00, s1  }
0x9: {  	s11 =	sadd.s32 $0x4C00, s5;
	s28 =	sshll.u32 s1, $0x6;
	s6 =	smul.u32 $0x140000, s8  }
0xa: {  	_ =	strace $0x8000004A;
	s23 =	ssub.s32 $0x2, s8;
	p0 =	seq.s32 s8, $0x1  }
0xb: {  	s9 =	sshrl.u32 s7, $0x3;
	s24 =	sshrl.u32 s23, $0x1;
	s25 =	sshrl.u32 s12, $0x2  }
0xc: {  	s29 =	sshrl.u32 s26, $0x3;
	s31 =	sadd.s32 s30, s10;
	s12 =	sadd.s32 s30, s11  }
0xd: {  	s6 =	sadd.s32 s7, s6;
	s9 =	sadd.s32 s9, s5;
	s14 =	ssub.s32 s23, s24  }
.Ltmp0:
0xe: {  	s15 =	sadd.s32 s25, s3;
	s7 =	sadd.s32 s10, s29;
	(pc) =	sbr.rel .LBB2_1-.Ltmp0, $4  }
0xf: {  	s8 =	sadd.s32 s11, s29;
	s11 =	sadd.s32 $0x10, s31;
	s12 =	sadd.s32 $0x10, s12  }
0x10: {  	s6 =	sshrl.u32 s6, $0x3;
	s10 =	smax.u32 s14, $0x1;
	s14 =	simm.s32 $0x3  }
0x11: {  	s13 =	sadd.s32 s6, s5;
	s5 =	sadd.s32 $0x68C00, s9;
	s6 =	sor.u32 $0x1C03, s28  }
0x12: {  	s9 =	sadd.s32 $0xE0C00, s13;
	s13 =	sshrl.u32 s15, $0x3;
	s15 =	simm.s32 $0x100  }
.LBB2_7:
0x13: {  	[sflag:s21] =	ssyncset.done $0x0  }
0x14: {  	s20 =	simm.s32 @p1 $0x0;
	s22 =	simm.s32 @p1 $0x2;
	[sflag:s21] =	ssyncadd.s32 $0xFFFFC000  }
0x15: {  	[tilespmem:s20], [sflag:$0x1] =	stream.linear.gather @p1 [hbm4b:s19+s20], $0x80, $0x38;
	[tilespmem:$0x18100] =	vst v63  }
0x16: {  	_ =	swait.ge @p1 [sflag:s22], $0x80  }
0x17: {  	[sflag:s22] =	ssyncset.done @p1 $0x0  }
0x18: {  	s21 =	simm.s32 @p1 $0x100;
	s20 =	simm.s32 @p1 $0x80;
	[sflag:s22] =	ssyncadd.s32 @p1 $0xFFFFFF80  }
0x19: {  	[spmem:s3] =	stream.indirect.scatter.add.f32 @p1 [tilespmem:s21], [sflag:$0x3], $0x80, s20, s20, $0xb8;
	[tilespmem:$0x18100] =	vst v63  }
0x1a: {  	s22 =	simm.s32 @!p1 $0x1;
	s20 =	simm.s32 @!p1 $0x0;
	s21 =	simm.s32 @!p1 $0x80  }
0x1b: {  	[tilespmem:s21], [sflag:$0x2] =	stream.linear.gather @!p1 [hbm4b:s19+s20], $0x80, $0x38;
	[tilespmem:$0x18100] =	vst v63  }
0x1c: {  	_ =	swait.ge @!p1 [sflag:s22], $0x80  }
0x1d: {  	s19 =	simm.s32 @!p1 $0x4;
	[sflag:s22] =	ssyncset.done @!p1 $0x0  }
0x1e: {  	s23 =	simm.s32 @!p1 $0x100;
	s19 =	simm.s32 @p1 $0x3;
	[sflag:s22] =	ssyncadd.s32 @!p1 $0xFFFFFF80  }
0x1f: {  	[spmem:s3] =	stream.indirect.scatter.add.f32 @!p1 [tilespmem:s23], [sflag:$0x4], $0x80, s20, s21, $0xb8;
	[tilespmem:$0x18100] =	vst v63  }
0x20: {  	_ =	swait.ge [sflag:s19], $0x4000  }
0x21: {  	[sflag:s19] =	ssyncset.done $0x0  }
0x22: {  	[sflag:s19] =	ssyncadd.s32 $0xFFFFC000  }
.LBB2_8:
0x23: {  	_ =	swait.ge [sflag:s16], $0x80  }
0x24: {  	[sflag:s16] =	ssyncset.done $0x0  }
0x25: {  	[sflag:s16] =	ssyncadd.s32 $0xFFFFFF80  }
0x26: {  	[spmem:s3] =	stream.indirect.scatter.add.f32 [tilespmem:s15], [sflag:$0x3], $0x80, s17, s17, $0xb8;
	[tilespmem:$0x18100] =	vst v63  }
0x27: {  	_ =	swait.ge [sflag:s14], $0x4000  }
0x28: {  	s18 =	sadd.s32 $0x1, s18;
	[sflag:s14] =	ssyncset.done $0x0  }
0x29: {  	p1 =	sne.s32 s18, s10;
	[sflag:s14] =	ssyncadd.s32 $0xFFFFC000  }
.Ltmp1:
0x2a: {  	[bflag:$0x0] =	sbarrier.arrive $0xFFFF;
	(pc) =	sbr.rel @!p1 .LBB2_9-.Ltmp1, $4  }
0x2b: {  	[hbm:s9], [sflag:s6] =	dma.local [spmem:s13], $0x2800  }
0x2c: {  	_ =	swait.ge [sflag:s14], $0x2800  }
0x2d: {  	[sflag:s14] =	ssyncset.done $0x0  }
0x2e: {  	[sflag:s14] =	ssyncadd.s32 $0xFFFFD800  }
.LBB2_1:
0x2f: {  	[spmem:s13], [sflag:s6] =	dma.local [hbm:s5], $0x2800  }
0x30: {  	_ =	swait.ge [sflag:s14], $0x2800  }
0x31: {  	[sflag:s14] =	ssyncset.done $0x0  }
0x32: {  	[sflag:s14] =	ssyncadd.s32 $0xFFFFD800  }
0x33: {  	[tilespmem:s15], [sflag:$0x3] =	stream.linear.gather [hbm4b:s2+s4], $0x4000, $0x38;
	[tilespmem:$0x18100] =	vst v63  }
.Ltmp2:
0x34: {  	_ =	swait.ge [sflag:s14], $0x4000;
	(pc) =	sbr.rel @!p0 .LBB2_2-.Ltmp2, $4  }
0x35: {  	[sflag:s14] =	ssyncset.done $0x0  }
0x36: {  	[sflag:s14] =	ssyncadd.s32 $0xFFFFC000  }
0x37: {  	[bflag:$0x0] =	sbarrier.arrive $0xFFFF  }
0x38: {  	s19 =	simm.s32 $0x0  }
0x39: {  	[tilespmem:s19], [sflag:$0x1] =	stream.linear.gather [hbm4b:s8+s19], $0x80, $0x38;
	[tilespmem:$0x18100] =	vst v63  }
0x3a: {  	s30 =	sand.u32 $0x1, s19  }
0x3b: {  	p1 =	seq.s32 s30, $0x1  }
0x3c: {  	s19 =	simm.s32 @p1 $0x0;
	s20 =	simm.s32 @p1 $0x2  }
0x3d: {  	[tilespmem:s19], [sflag:$0x1] =	stream.linear.gather @p1 [hbm4b:s12+s19], $0x80, $0x38;
	[tilespmem:$0x18100] =	vst v63  }
0x3e: {  	_ =	swait.ge @p1 [sflag:s20], $0x80  }
0x3f: {  	[sflag:s20] =	ssyncset.done @p1 $0x0  }
0x40: {  	s21 =	simm.s32 @p1 $0x100;
	s19 =	simm.s32 @p1 $0x80;
	[sflag:s20] =	ssyncadd.s32 @p1 $0xFFFFFF80  }
0x41: {  	[spmem:s3] =	stream.indirect.scatter.add.f32 @p1 [tilespmem:s21], [sflag:$0x3], $0x80, s19, s19, $0xb8;
	[tilespmem:$0x18100] =	vst v63  }
0x42: {  	s22 =	simm.s32 @!p1 $0x1;
	s20 =	simm.s32 @!p1 $0x80;
	s19 =	simm.s32 @!p1 $0x0  }
0x43: {  	[tilespmem:s20], [sflag:$0x2] =	stream.linear.gather @!p1 [hbm4b:s12+s19], $0x80, $0x38;
	[tilespmem:$0x18100] =	vst v63  }
0x44: {  	_ =	swait.ge @!p1 [sflag:s22], $0x80  }
0x45: {  	s23 =	simm.s32 $0x1;
	[sflag:s22] =	ssyncset.done @!p1 $0x0  }
0x46: {  	s24 =	simm.s32 @!p1 $0x100;
	s21 =	simm.s32 @!p1 $0x4;
	[sflag:s22] =	ssyncadd.s32 @!p1 $0xFFFFFF80  }
0x47: {  	[spmem:s3] =	stream.indirect.scatter.add.f32 @!p1 [tilespmem:s24], [sflag:$0x4], $0x80, s19, s20, $0xb8;
	[tilespmem:$0x18100] =	vst v63  }
0x48: {  	s31 =	sand.u32 $0x1, s23;
	s21 =	simm.s32 @p1 $0x3;
	s20 =	simm.s32 $0x2  }
0x49: {  	p1 =	seq.s32 s31, $0x1;
	s19 =	sadd.s32 $0x10, s12;
	_ =	swait.ge [sflag:s21], $0x4000  }
.LBB2_6:
0x4a: {  	s22 =	simm.s32 @p1 $0x0;
	s23 =	simm.s32 @p1 $0x2;
	[sflag:s21] =	ssyncset.done $0x0  }
0x4b: {  	s24 =	smov.u32 s20;
	s20 =	sadd.s32 $0x1, s20;
	[sflag:s21] =	ssyncadd.s32 $0xFFFFC000  }
0x4c: {  	[tilespmem:s22], [sflag:$0x1] =	stream.linear.gather @p1 [hbm4b:s19+s22], $0x80, $0x38;
	[tilespmem:$0x18100] =	vst v63  }
0x4d: {  	p2 =	sne.s32 s20, $0x9F;
	_ =	swait.ge @p1 [sflag:s23], $0x80  }
0x4e: {  	s21 =	simm.s32 @p1 $0x80;
	s22 =	simm.s32 @p1 $0x100;
	[sflag:s23] =	ssyncset.done @p1 $0x0  }
0x4f: {  	[sflag:s23] =	ssyncadd.s32 @p1 $0xFFFFFF80  }
0x50: {  	[spmem:s3] =	stream.indirect.scatter.add.f32 @p1 [tilespmem:s22], [sflag:$0x3], $0x80, s21, s21, $0xb8;
	[tilespmem:$0x18100] =	vst v63  }
0x51: {  	s25 =	simm.s32 @!p1 $0x1;
	s23 =	simm.s32 @!p1 $0x80;
	s22 =	simm.s32 @!p1 $0x0  }
0x52: {  	[tilespmem:s23], [sflag:$0x2] =	stream.linear.gather @!p1 [hbm4b:s19+s22], $0x80, $0x38;
	[tilespmem:$0x18100] =	vst v63  }
.Ltmp3:
0x53: {  	_ =	swait.ge @!p1 [sflag:s25], $0x80;
	(pc) =	sbr.rel @p2 .LBB2_6-.Ltmp3, $4  }
0x54: {  	s26 =	simm.s32 @!p1 $0x100;
	s21 =	simm.s32 @!p1 $0x4;
	[sflag:s25] =	ssyncset.done @!p1 $0x0  }
0x55: {  	s24 =	sand.u32 $0x1, s24;
	s21 =	simm.s32 @p1 $0x3;
	[sflag:s25] =	ssyncadd.s32 @!p1 $0xFFFFFF80  }
0x56: {  	[spmem:s3] =	stream.indirect.scatter.add.f32 @!p1 [tilespmem:s26], [sflag:$0x4], $0x80, s22, s23, $0xb8;
	[tilespmem:$0x18100] =	vst v63  }
0x57: {  	s19 =	sadd.s32 $0x10, s19;
	p1 =	seq.s32 s24, $0x1;
	_ =	swait.ge [sflag:s21], $0x4000  }
.Ltmp4:
0x58: {  	_ = 	snop;
	(pc) =	sbr.rel .LBB2_7-.Ltmp4, $1  }
0x59: {  	_ =	sdelay $0x3  }
.LBB2_2:
0x5a: {  	[tilespmem:s19], [sflag:$0x1] =	stream.linear.gather [hbm4b:s7+s19], $0x80, $0x38;
	[tilespmem:$0x18100] =	vst v63  }
0x5b: {  	s30 =	sand.u32 $0x1, s19  }
0x5c: {  	p1 =	seq.s32 s30, $0x1  }
0x5d: {  	s19 =	simm.s32 @p1 $0x0;
	s20 =	simm.s32 @p1 $0x2  }
0x5e: {  	[tilespmem:s19], [sflag:$0x1] =	stream.linear.gather @p1 [hbm4b:s11+s19], $0x80, $0x38;
	[tilespmem:$0x18100] =	vst v63  }
0x5f: {  	_ =	swait.ge @p1 [sflag:s20], $0x80  }
0x60: {  	[sflag:s20] =	ssyncset.done @p1 $0x0  }
0x61: {  	s21 =	simm.s32 @p1 $0x100;
	s19 =	simm.s32 @p1 $0x80;
	[sflag:s20] =	ssyncadd.s32 @p1 $0xFFFFFF80  }
0x62: {  	[spmem:s3] =	stream.indirect.scatter.add.f32 @p1 [tilespmem:s21], [sflag:$0x3], $0x80, s19, s19, $0xb8;
	[tilespmem:$0x18100] =	vst v63  }
0x63: {  	s22 =	simm.s32 @!p1 $0x1;
	s20 =	simm.s32 @!p1 $0x80;
	s19 =	simm.s32 @!p1 $0x0  }
0x64: {  	[tilespmem:s20], [sflag:$0x2] =	stream.linear.gather @!p1 [hbm4b:s11+s19], $0x80, $0x38;
	[tilespmem:$0x18100] =	vst v63  }
0x65: {  	_ =	swait.ge @!p1 [sflag:s22], $0x80  }
0x66: {  	s23 =	simm.s32 $0x1;
	[sflag:s22] =	ssyncset.done @!p1 $0x0  }
0x67: {  	s24 =	simm.s32 @!p1 $0x100;
	s21 =	simm.s32 @!p1 $0x4;
	[sflag:s22] =	ssyncadd.s32 @!p1 $0xFFFFFF80  }
0x68: {  	[spmem:s3] =	stream.indirect.scatter.add.f32 @!p1 [tilespmem:s24], [sflag:$0x4], $0x80, s19, s20, $0xb8;
	[tilespmem:$0x18100] =	vst v63  }
0x69: {  	s31 =	sand.u32 $0x1, s23;
	s21 =	simm.s32 @p1 $0x3;
	s20 =	simm.s32 $0x2  }
0x6a: {  	p1 =	seq.s32 s31, $0x1;
	s19 =	sadd.s32 $0x10, s11;
	_ =	swait.ge [sflag:s21], $0x4000  }
.LBB2_3:
0x6b: {  	s22 =	simm.s32 @p1 $0x0;
	s23 =	simm.s32 @p1 $0x2;
	[sflag:s21] =	ssyncset.done $0x0  }
0x6c: {  	s24 =	smov.u32 s20;
	s20 =	sadd.s32 $0x1, s20;
	[sflag:s21] =	ssyncadd.s32 $0xFFFFC000  }
0x6d: {  	[tilespmem:s22], [sflag:$0x1] =	stream.linear.gather @p1 [hbm4b:s19+s22], $0x80, $0x38;
	[tilespmem:$0x18100] =	vst v63  }
0x6e: {  	p2 =	seq.s32 s20, $0x9F;
	_ =	swait.ge @p1 [sflag:s23], $0x80  }
0x6f: {  	s21 =	simm.s32 @p1 $0x80;
	s22 =	simm.s32 @p1 $0x100;
	[sflag:s23] =	ssyncset.done @p1 $0x0  }
0x70: {  	[sflag:s23] =	ssyncadd.s32 @p1 $0xFFFFFF80  }
0x71: {  	[spmem:s3] =	stream.indirect.scatter.add.f32 @p1 [tilespmem:s22], [sflag:$0x3], $0x80, s21, s21, $0xb8;
	[tilespmem:$0x18100] =	vst v63  }
0x72: {  	s25 =	simm.s32 @!p1 $0x1;
	s23 =	simm.s32 @!p1 $0x80;
	s22 =	simm.s32 @!p1 $0x0  }
0x73: {  	[tilespmem:s23], [sflag:$0x2] =	stream.linear.gather @!p1 [hbm4b:s19+s22], $0x80, $0x38;
	[tilespmem:$0x18100] =	vst v63  }
.Ltmp5:
0x74: {  	_ =	swait.ge @!p1 [sflag:s25], $0x80;
	(pc) =	sbr.rel @!p2 .LBB2_3-.Ltmp5, $4  }
0x75: {  	s26 =	simm.s32 @!p1 $0x100;
	s21 =	simm.s32 @!p1 $0x4;
	[sflag:s25] =	ssyncset.done @!p1 $0x0  }
0x76: {  	s24 =	sand.u32 $0x1, s24;
	s21 =	simm.s32 @p1 $0x3;
	[sflag:s25] =	ssyncadd.s32 @!p1 $0xFFFFFF80  }
0x77: {  	[spmem:s3] =	stream.indirect.scatter.add.f32 @!p1 [tilespmem:s26], [sflag:$0x4], $0x80, s22, s23, $0xb8;
	[tilespmem:$0x18100] =	vst v63  }
0x78: {  	s19 =	sadd.s32 $0x10, s19;
	p1 =	seq.s32 s24, $0x1;
	_ =	swait.ge [sflag:s21], $0x4000  }
0x79: {  	[sflag:s21] =	ssyncset.done $0x0  }
0x7a: {  	s20 =	simm.s32 @p1 $0x0;
	s22 =	simm.s32 @p1 $0x2;
	[sflag:s21] =	ssyncadd.s32 $0xFFFFC000  }
0x7b: {  	[tilespmem:s20], [sflag:$0x1] =	stream.linear.gather @p1 [hbm4b:s19+s20], $0x80, $0x38;
	[tilespmem:$0x18100] =	vst v63  }
0x7c: {  	_ =	swait.ge @p1 [sflag:s22], $0x80  }
0x7d: {  	[sflag:s22] =	ssyncset.done @p1 $0x0  }
0x7e: {  	s21 =	simm.s32 @p1 $0x100;
	s20 =	simm.s32 @p1 $0x80;
	[sflag:s22] =	ssyncadd.s32 @p1 $0xFFFFFF80  }
0x7f: {  	[spmem:s3] =	stream.indirect.scatter.add.f32 @p1 [tilespmem:s21], [sflag:$0x3], $0x80, s20, s20, $0xb8;
	[tilespmem:$0x18100] =	vst v63  }
0x80: {  	s22 =	simm.s32 @!p1 $0x1;
	s20 =	simm.s32 @!p1 $0x0;
	s21 =	simm.s32 @!p1 $0x80  }
0x81: {  	[tilespmem:s21], [sflag:$0x2] =	stream.linear.gather @!p1 [hbm4b:s19+s20], $0x80, $0x38;
	[tilespmem:$0x18100] =	vst v63  }
0x82: {  	_ =	swait.ge @!p1 [sflag:s22], $0x80  }
0x83: {  	s23 =	simm.s32 @!p1 $0x100;
	s19 =	simm.s32 @!p1 $0x4;
	[sflag:s22] =	ssyncset.done @!p1 $0x0  }
.Ltmp6:
0x84: {  	s19 =	simm.s32 @p1 $0x3;
	[sflag:s22] =	ssyncadd.s32 @!p1 $0xFFFFFF80;
	(pc) =	sbr.rel .LBB2_8-.Ltmp6, $4  }
0x85: {  	[spmem:s3] =	stream.indirect.scatter.add.f32 @!p1 [tilespmem:s23], [sflag:$0x4], $0x80, s20, s21, $0xb8;
	[tilespmem:$0x18100] =	vst v63  }
0x86: {  	_ =	swait.ge [sflag:s19], $0x4000  }
0x87: {  	[sflag:s19] =	ssyncset.done $0x0  }
0x88: {  	[sflag:s19] =	ssyncadd.s32 $0xFFFFC000  }
.LBB2_9:
0x89: {  	_ =	sfence.sel $0x180000  }
0x8a: {  	[bflag:$0x0] =	sbarrier.arrive $0xFFFF  }
0x8b: {  	p0 =	sne.s32 s1, $0x0;
	_ =	strace $0x9000004A  }
0x8c: {  	s0 =	sadd.s32 @!p0 $0x100000, s0;
	[bflag:$0x2] =	sbarrier.arrive $0xFFFF  }
0x8d: {  	[sflag:s0] =	ssyncadd.tile.s32 @!p0 $0x1;
	_ =	shalt  }
.Lfunc_end2:
_tile_overlayer_lowered:
.L_overlay_start_2:
0x8e: {  	(tag) =	ssettag $0x2  }
0x8f: {  	s0 =	rddreg [dreg:$0x0];
	s2 =	stileid.u32  }
0x90: {  	s1 =	rddreg [dreg:$0x1];
	p0 =	sne.s32 s2, $0x0  }
0x91: {  	s3 =	rddreg [dreg:$0x2];
	[bflag:$0x3] =	sbarrier.arrive $0xFFFF;
	s2 =	simm.s32 @!p0 $0x1C03  }
0x92: {  	[timem:s3], [sflag:s2] =	dma.local @!p0 [hbm:s0], s1  }
0x93: {  	s0 =	simm.s32 @!p0 $0x3  }
0x94: {  	_ =	swait.ge @!p0 [sflag:s0], s1  }
0x95: {  	s1 =	ssub.s32 @!p0 $0x0, s1;
	[sflag:s0] =	ssyncset.done @!p0 $0x0  }
0x96: {  	[sflag:s0] =	ssyncadd.s32 @!p0 s1  }
0x97: {  	[bflag:$0x3] =	sbarrier.arrive $0xFFFF  }
0x98: {  	_ =	shalt  }

// kernel: kernel.13.cloned.1.call-start
scs
__scs_entry_jumppad:
0x0: {  	(pc) =	sbr.rel $0x88, $3  }
0x1: {  	(tag) =	ssettag $0x0;
	lr =	simm.s32 $0x1  }
0x2: {  	[smem:$0x3F8F] =	sst lr;
	_ =	strace $0xD0000000  }
0x3: {  	_ = 	snop  }
0x4: {  	_ = 	snop  }
0x5: {  	_ = 	snop  }
0x6: {  	_ = 	snop  }
0x7: {  	_ = 	snop  }
__scs_overlays_trampoline_lowered:
0x8: {  	[smem:$0x3F9E] =	sst s0  }
0x9: {  	[smem:$0x3F9F] =	sst s1  }
0xa: {  	[smem:$0x3FA0] =	sst s2  }
0xb: {  	[smem:$0x3FA1] =	sst s3  }
0xc: {  	[smem:$0x3FA2] =	sst s4  }
0xd: {  	[smem:$0x3FA3] =	sst s5  }
0xe: {  	[smem:$0x3FA4] =	sst s6  }
0xf: {  	[smem:$0x3FA5] =	sst s7  }
0x10: {  	[smem:$0x3FA6] =	sst s8  }
0x11: {  	[smem:$0x3FA7] =	sst s9;
	s0 =	simm.s32 @!p0 $0x0  }
0x12: {  	s1 =	sld [smem:$0x3F8D];
	s0 =	simm.s32 @p0 $0x1  }
0x13: {  	[smem:$0x3FA8] =	sst s0;
	s0 =	simm.s32 @!p1 $0x0  }
0x14: {  	s2 =	sld [smem:$0x3F8C];
	s0 =	simm.s32 @p1 $0x1  }
0x15: {  	[smem:$0x3FA9] =	sst s0;
	s0 =	simm.s32 @!p2 $0x0  }
0x16: {  	s3 =	sld [smem:$0x3FDB];
	s0 =	simm.s32 @p2 $0x1  }
0x17: {  	s4 =	simm.s32 $0x1BF5;
	[smem:$0x3FAB] =	sst s0  }
0x18: {  	s0 =	sld [smem:$0x3F8E];
	_ =	swait.ge [sflag:s4], $0x0  }
0x19: {  	s7 =	sld [smem:$0x3F8F]  }
0x1a: {  	s8 =	sadd.s32 $0xFFFFE003, lr  }
0x1b: {  	s9 =	sadd.s32 $0xFFFFFEF7, lr;
	s5 =	simm.s32 $0xFFFFFFFF;
	p2 =	slt.u32 s8, $0xFFFFF086  }
0x1c: {  	p1 =	slt.u32 s9, $0xF7A;
	s5 =	simm.s32 @!p2 $0x0  }
0x1d: {  	s5 =	simm.s32 @p1 $0x1;
	p0 =	seq.s32 s7, s2  }
0x1e: {  	s7 =	smul.u32 @!p0 $0xF7A, s2;
	p2 =	seq.s32 @!p0 s5, $0x0  }
0x1f: {  	s9 =	smul.u32 $0xF7A, s1;
	s8 =	simm.s32 @!p0 $0x1BF5;
	p2 =	por !p2, p0  }
0x20: {  	[sflag:s8] =	ssyncset.s32 @!p0 $0xFFFFF086;
	s6 =	sadd.s32 @!p0 s3, s7;
	s7 =	simm.s32 @!p0 $0x108  }
0x21: {  	s3 =	sadd.s32 s3, s9;
	s6 =	sadd.s32 @!p0 $0x88, s6;
	s7 =	simm.s32 @p2 $0x1082  }
0x22: {  	[simem:s7], [sflag:s8] =	dma.local @!p0 [hbm:s6], $0xF7A  }
0x23: {  	s9 =	sor.u32 $0xD0000000, s2;
	s6 =	simm.s32 $0x108;
	_ =	swait.ge @!p0 [sflag:s8], $0x0  }
0x24: {  	s3 =	sadd.s32 $0x88, s3;
	s6 =	simm.s32 @!p1 $0x1082;
	[sflag:s4] =	ssyncset.s32 $0xFFFFF086  }
0x25: {  	[simem:s6], [sflag:s4] =	dma.local [hbm:s3], $0xF7A  }
0x26: {  	[smem:$0x3F8F] =	sst s1;
	(tag) =	ssettag s2;
	_ =	strace s9  }
0x27: {  	s1 =	sld [smem:$0x3F9F]  }
0x28: {  	s2 =	sld [smem:$0x3FA0]  }
0x29: {  	s4 =	sld [smem:$0x3FA2]  }
0x2a: {  	p0 =	seq.s32 s5, $0x0;
	s5 =	sld [smem:$0x3FA3]  }
0x2b: {  	s6 =	sld [smem:$0x3FA4]  }
0x2c: {  	s7 =	sld [smem:$0x3FA5]  }
0x2d: {  	s3 =	simm.s32 $0x108;
	s8 =	sld [smem:$0x3FA6]  }
0x2e: {  	s3 =	simm.s32 @!p0 $0x1082;
	s9 =	sld [smem:$0x3FA7]  }
0x2f: {  	lr =	sadd.s32 s0, s3;
	s0 =	sld [smem:$0x3F9E]  }
0x30: {  	s3 =	sld [smem:$0x3FA1]  }
0x31: {  	[smem:$0x3FAA] =	sst s10  }
0x32: {  	s10 =	sld [smem:$0x3FA8];
	_ =	sdelay $0x3  }
0x33: {  	p0 =	seq.s32 s10, $0x1;
	s10 =	sld [smem:$0x3FAA];
	_ =	sdelay $0x3  }
0x34: {  	[smem:$0x3FAA] =	sst s10  }
0x35: {  	s10 =	sld [smem:$0x3FA9];
	_ =	sdelay $0x3  }
0x36: {  	p1 =	seq.s32 s10, $0x1;
	s10 =	sld [smem:$0x3FAA];
	_ =	sdelay $0x3  }
0x37: {  	[smem:$0x3FAA] =	sst s10  }
0x38: {  	s10 =	sld [smem:$0x3FAB]  }
0x39: {  	_ = 	snop;
	(pc) =	sbr.ind lr, $3  }
0x3a: {  	_ = 	snop  }
0x3b: {  	_ = 	snop  }
0x3c: {  	p2 =	seq.s32 s10, $0x1;
	s10 =	sld [smem:$0x3FAA]  }
0x3d: {  	_ =	shalt  }
0x3e: {  	_ =	shalt  }
0x3f: {  	_ =	shalt  }
0x40: {  	_ =	shalt  }
0x41: {  	_ =	shalt  }
0x42: {  	_ =	shalt  }
0x43: {  	_ =	shalt  }
0x44: {  	_ =	shalt  }
0x45: {  	_ =	shalt  }
0x46: {  	_ =	shalt  }
0x47: {  	_ =	shalt  }
0x48: {  	_ =	shalt  }
0x49: {  	_ =	shalt  }
0x4a: {  	_ =	shalt  }
0x4b: {  	_ =	shalt  }
0x4c: {  	_ =	shalt  }
0x4d: {  	_ =	shalt  }
0x4e: {  	_ =	shalt  }
0x4f: {  	_ =	shalt  }
0x50: {  	_ =	shalt  }
0x51: {  	_ =	shalt  }
0x52: {  	_ =	shalt  }
0x53: {  	_ =	shalt  }
0x54: {  	_ =	shalt  }
0x55: {  	_ =	shalt  }
0x56: {  	_ =	shalt  }
0x57: {  	_ =	shalt  }
0x58: {  	_ =	shalt  }
0x59: {  	_ =	shalt  }
0x5a: {  	_ =	shalt  }
0x5b: {  	_ =	shalt  }
0x5c: {  	_ =	shalt  }
0x5d: {  	_ =	shalt  }
0x5e: {  	_ =	shalt  }
0x5f: {  	_ =	shalt  }
0x60: {  	_ =	shalt  }
0x61: {  	_ =	shalt  }
0x62: {  	_ =	shalt  }
0x63: {  	_ =	shalt  }
0x64: {  	_ =	shalt  }
0x65: {  	_ =	shalt  }
0x66: {  	_ =	shalt  }
0x67: {  	_ =	shalt  }
0x68: {  	_ =	shalt  }
0x69: {  	_ =	shalt  }
0x6a: {  	_ =	shalt  }
0x6b: {  	_ =	shalt  }
0x6c: {  	_ =	shalt  }
0x6d: {  	_ =	shalt  }
0x6e: {  	_ =	shalt  }
0x6f: {  	_ =	shalt  }
0x70: {  	_ =	shalt  }
0x71: {  	_ =	shalt  }
0x72: {  	_ =	shalt  }
0x73: {  	_ =	shalt  }
0x74: {  	_ =	shalt  }
0x75: {  	_ =	shalt  }
0x76: {  	_ =	shalt  }
0x77: {  	_ =	shalt  }
0x78: {  	_ =	shalt  }
0x79: {  	_ =	shalt  }
0x7a: {  	_ =	shalt  }
0x7b: {  	_ =	shalt  }
0x7c: {  	_ =	shalt  }
0x7d: {  	_ =	shalt  }
0x7e: {  	_ =	shalt  }
0x7f: {  	_ =	shalt  }
0x80: {  	_ =	shalt  }
0x81: {  	_ =	shalt  }
0x82: {  	_ =	shalt  }
0x83: {  	_ =	shalt  }
0x84: {  	_ =	shalt  }
0x85: {  	_ =	shalt  }
0x86: {  	_ =	shalt  }
0x87: {  	_ =	shalt  }
.Lfunc_end0:
.L_simem_size_0:
called_computation.1_lowered:
.L_overlay_start_0:
0x88: {  	s2 =	sld [smem:$0x3FD9]  }
0x89: {  	s3 =	sld [smem:$0x3FFE];
	_ =	sdelay $0x1  }
0x8a: {  	s1 =	srdreg.scid  }
0x8b: {  	s0 =	sand.u32 $0x1, s1  }
0x8c: {  	s16 =	sshll.u32 s0, $0xA;
	s2 =	sadd.s32 s3, s2  }
0x8d: {  	s2 =	sadd.s32 s2, s16  }
0x8e: {  	[smem:$0x3FB6] =	sst s2  }
0x8f: {  	_ = 	snop  }
0x90: {  	(tm) =	ssettm $0x1  }
0x91: {  	s17 =	sld [smem:$0x3FFB];
	_ =	sdelay $0x3  }
0x92: {  	_ =	strace s17  }
0x93: {  	s2 =	sld [smem:$0x3FFC];
	_ =	sdelay $0x3  }
0x94: {  	_ =	strace s2  }
0x95: {  	s2 =	sld [smem:$0x3FFD];
	_ =	sdelay $0x3  }
0x96: {  	_ =	strace s2  }
0x97: {  	_ =	strace $0x8FFFFFFF  }
0x98: {  	s18 =	sld [smem:$0x3FDB];
	_ =	sdelay $0x1  }
0x99: {  	s19 =	simm.s32 $_scs_section_size  }
0x9a: {  	s4 =	simm.s32 $_size__tile_overlayer_lowered;
	s5 =	simm.s32 $_tile_overlayer_lowered  }
0x9b: {  	s22 =	simm.s32 $0x1BFF;
	s21 =	sshll.u32 s5, $0x1;
	s2 =	sadd.s32 s19, s18  }
0x9c: {  	s6 =	simm.s32 $0x0;
	s20 =	sshll.u32 s4, $0x1;
	s4 =	sadd.s32 s21, s2  }
0x9d: {  	[timem:s6], [sflag:s22] =	dma.local [hbm:s4], s20  }
0x9e: {  	_ =	swait.ge [sflag:s22], s20  }
0x9f: {  	s3 =	ssub.s32 $0x0, s20;
	[sflag:s22] =	ssyncset.done $0x0  }
0xa0: {  	[sflag:s22] =	ssyncadd.s32 s3;
	_ =	sdelay $0x1  }
0xa1: {  	s23 =	simm.s32 $0x1B8B  }
0xa2: {  	_ =	swait.ge [sflag:s23], $0x1  }
0xa3: {  	[sflag:s23] =	ssyncset.done $0x0  }
0xa4: {  	s25 =	simm.s32 $0x1B8E;
	s24 =	sld [smem:$0x3FFE];
	[sflag:s23] =	ssyncadd.s32 $0xFFFFFFFF  }
0xa5: {  	s26 =	simm.s32 $execute0_lowered;
	[smem:$0x3FD2] =	sst s25  }
0xa6: {  	s4 =	sshll.u32 s26, $0x1;
	_ =	strace $0x80000046;
	[dreg:$0x1] =	wrdreg $0xFFFFFFFF  }
0xa7: {  	s28 =	simm.s32 $_size_execute0_lowered;
	s2 =	sadd.s32 s2, s4;
	[dreg:$0x0] =	wrdreg $0x0  }
0xa8: {  	s4 =	sshll.u32 s28, $0x1;
	[dreg:$0x2] =	wrdreg s2  }
0xa9: {  	[dreg:$0x3] =	wrdreg s4  }
0xaa: {  	[dreg:$0x4] =	wrdreg $0xC0  }
0xab: {  	_ =	task [dreg:s6], $0x5FFFF  }
0xac: {  	[dreg:$0x1] =	wrdreg $0xFFFFFFFF  }
0xad: {  	[dreg:$0x0] =	wrdreg $0x60  }
0xae: {  	[dreg:$0x2] =	wrdreg s24  }
0xaf: {  	[dreg:$0x3] =	wrdreg $0x82000  }
0xb0: {  	[dreg:$0x4] =	wrdreg $0xA  }
0xb1: {  	_ =	task.clear_ibuf [dreg:s6], $0x5FFFF;
	_ =	strace $0x90000046  }
0xb2: {  	s29 =	simm.s32 $0xA;
	_ =	strace $0x80000048  }
0xb3: {  	_ =	swait.ge [sflag:s29], $0x1  }
0xb4: {  	[sflag:s29] =	ssyncadd.s32 $0xFFFFFFFF  }
0xb5: {  	_ =	strace $0x90000048  }
0xb6: {  	_ =	sfence  }
0xb7: {  	s30 =	sld [smem:$0x0];
	_ =	sdelay $0x2  }
0xb8: {  	s31 =	sshll.u32 s1, $0xD;
	s1 =	sshrl.u32 s1, $0x2  }
0xb9: {  	s3 =	sand.u32 $0x4000, s31;
	s1 =	sadd.s32 s1, s30  }
0xba: {  	s0 =	sor.u32 s3, s0;
	s1 =	sshll.u32 s1, $0x11  }
0xbb: {  	s0 =	sor.u32 s1, s0  }
0xbc: {  	s0 =	sadd.s32 $0x8F2B, s0  }
0xbd: {  	[sflag:s0] =	ssyncadd.remote.s32 $0x1  }
0xbe: {  	_ =	sfence.sel $0xFFFF  }
0xbf: {  	[dreg:$0x0] =	wrdreg $0xFFFFFFFF;
	(pc) =	sbr.abs _section_cstart, $3  }
0xc0: {  	[dreg:$0x1] =	wrdreg $0xFFFFFFFF  }
0xc1: {  	_ =	task.clear_ibuf [dreg:s6], $0x2FFFF;
	_ =	strace $0x9FFFFFFF  }
0xc2: {  	(tm) =	ssettm $0x7FFFFFFF  }
0xc3: {  	_ =	shalt  }
tec
execute0_lowered:
.L_overlay_start_1:
0x0: {  	(tag) =	ssettag $0x1  }
0x1: {  	s5 =	rddreg [dreg:$0x0]  }
0x2: {  	s2 =	rddreg [dreg:$0x1]  }
0x3: {  	s0 =	rddreg [dreg:$0x2];
	s3 =	simm.s32 $0x0  }
0x4: {  	s1 =	stileid.u32;
	s4 =	srdreg.scid;
	s16 =	simm.s32 $0x80  }
0x5: {  	s17 =	simm.s32 $0x200;
	s18 =	simm.s32 $0x2;
	s19 =	simm.s32 $0x180  }
0x6: {  	s20 =	simm.s32 $0x4200;
	s21 =	simm.s32 $0x0;
	[smem:$0x7FF] =	sst s3  }
0x7: {  	s6 =	smul.u32 $0x14000, s1;
	s7 =	sand.u32 $0x1, s4;
	s4 =	sadd.s32 $0x40C00, s5  }
0x8: {  	s11 =	sadd.s32 $0xEC00, s5;
	s12 =	sadd.s32 $0x4C00, s5;
	s24 =	smul.u32 $0x50000, s1  }
0x9: {  	s10 =	sshll.u32 s1, $0x1;
	s26 =	smul.u32 $0x5000, s1;
	s28 =	sshll.u32 s1, $0x6  }
0xa: {  	_ =	strace $0x80000047;
	s8 =	smul.u32 $0x140000, s7;
	s10 =	sor.u32 s7, s10  }
0xb: {  	s25 =	ssub.s32 $0x2, s7;
	s7 =	smul.u32 $0x2800, s7;
	s9 =	sshrl.u32 s6, $0x3  }
0xc: {  	s10 =	smul.u32 $0x2800, s10;
	s14 =	sshrl.u32 s25, $0x1;
	s6 =	sadd.s32 s6, s8  }
0xd: {  	s9 =	sadd.s32 s9, s5;
	s8 =	sshrl.u32 s24, $0x2;
	s14 =	ssub.s32 s25, s14  }
0xe: {  	s30 =	sadd.s32 s7, s26;
	s6 =	sshrl.u32 s6, $0x3;
	s15 =	sadd.s32 s8, s2  }
0xf: {  	s29 =	sshrl.u32 s10, $0x3;
	s10 =	sor.u32 $0x80, s30;
	s13 =	sadd.s32 s6, s5  }
0x10: {  	s5 =	sadd.s32 $0x68C00, s9;
	s6 =	sor.u32 $0x1C03, s28;
	s7 =	sadd.s32 s12, s29  }
0x11: {  	s8 =	sadd.s32 s11, s29;
	s31 =	sshrl.u32 s10, $0x3;
	s10 =	smax.u32 s14, $0x1  }
0x12: {  	s14 =	simm.s32 $0x3;
	s9 =	sadd.s32 $0x90C00, s13;
	s11 =	sadd.s32 s31, s11  }
0x13: {  	s12 =	sadd.s32 s31, s12;
	s13 =	sshrl.u32 s15, $0x3;
	s15 =	simm.s32 $0x100  }
.LBB2_1:
0x14: {  	[spmem:s13], [sflag:s6] =	dma.local [hbm:s5], $0x2800  }
0x15: {  	_ =	swait.ge [sflag:s14], $0x2800  }
0x16: {  	[sflag:s14] =	ssyncset.done $0x0  }
0x17: {  	[sflag:s14] =	ssyncadd.s32 $0xFFFFD800  }
0x18: {  	[bflag:$0x0] =	sbarrier.arrive $0xFFFF  }
0x19: {  	[tilespmem:s3], [sflag:$0x3] =	stream.linear.gather [hbm4b:s7+s3], $0x80, $0x38;
	[tilespmem:$0x1C200] =	vst v63  }
0x1a: {  	_ =	swait.ge [sflag:s14], $0x80  }
0x1b: {  	[sflag:s14] =	ssyncset.done $0x0  }
0x1c: {  	[sflag:s14] =	ssyncadd.s32 $0xFFFFFF80  }
0x1d: {  	[tilespmem:s15], [sflag:$0x3] =	stream.linear.gather [hbm4b:s8+s3], $0x80, $0x38;
	[tilespmem:$0x1C200] =	vst v63  }
0x1e: {  	_ =	swait.ge [sflag:s14], $0x80  }
0x1f: {  	s22 =	sand.u32 $0x1, s3;
	[sflag:s14] =	ssyncset.done $0x0  }
0x20: {  	p0 =	seq.s32 s22, $0x1;
	[sflag:s14] =	ssyncadd.s32 $0xFFFFFF80  }
0x21: {  	[tilespmem:s17], [sflag:$0x1] =	stream.indirect.gather [hbm4b:s4+s16], $0x80, s3, s16, $0xb8;
	[tilespmem:$0x1C200] =	vst v63  }
0x22: {  	s22 =	simm.s32 @p0 $0x0;
	s23 =	simm.s32 @p0 $0x4  }
0x23: {  	[tilespmem:s22], [sflag:$0x4] =	stream.linear.gather @p0 [hbm4b:s12+s22], $0x80, $0x38;
	[tilespmem:$0x1C200] =	vst v63  }
0x24: {  	_ =	swait.ge @p0 [sflag:s23], $0x80  }
0x25: {  	[sflag:s23] =	ssyncset.done @p0 $0x0  }
0x26: {  	s24 =	simm.s32 @p0 $0x100;
	[sflag:s23] =	ssyncadd.s32 @p0 $0xFFFFFF80  }
0x27: {  	[tilespmem:s24], [sflag:$0x4] =	stream.linear.gather @p0 [hbm4b:s11+s22], $0x80, $0x38;
	[tilespmem:$0x1C200] =	vst v63  }
0x28: {  	_ =	swait.ge @p0 [sflag:s23], $0x80  }
0x29: {  	s25 =	simm.s32 @p0 $0x200;
	[sflag:s23] =	ssyncset.done @p0 $0x0  }
0x2a: {  	s24 =	simm.s32 @p0 $0x2;
	[sflag:s23] =	ssyncadd.s32 @p0 $0xFFFFFF80;
	s23 =	simm.s32 @p0 $0x80  }
0x2b: {  	[tilespmem:s25], [sflag:$0x1] =	stream.indirect.gather @p0 [hbm4b:s4+s23], $0x80, s22, s23, $0xb8;
	[tilespmem:$0x1C200] =	vst v63  }
0x2c: {  	_ =	swait.ge @p0 [sflag:s24], $0x4000  }
0x2d: {  	[sflag:s24] =	ssyncset.done @p0 $0x0  }
0x2e: {  	s22 =	simm.s32 @p0 $0x180;
	[sflag:s24] =	ssyncadd.s32 @p0 $0xFFFFC000;
	s24 =	simm.s32 @p0 $0x4200  }
0x2f: {  	[spmem:s2] =	stream.indirect.scatter.add.f32 @p0 [tilespmem:s24], [sflag:$0x3], $0x80, s22, s23, $0xb8;
	[tilespmem:$0x1C200] =	vst v63  }
0x30: {  	s25 =	simm.s32 @!p0 $0x4;
	s22 =	simm.s32 @!p0 $0x0;
	s23 =	simm.s32 @!p0 $0x80  }
0x31: {  	[tilespmem:s23], [sflag:$0x4] =	stream.linear.gather @!p0 [hbm4b:s12+s22], $0x80, $0x38;
	[tilespmem:$0x1C200] =	vst v63  }
0x32: {  	_ =	swait.ge @!p0 [sflag:s25], $0x80  }
0x33: {  	[sflag:s25] =	ssyncset.done @!p0 $0x0  }
0x34: {  	s24 =	simm.s32 @!p0 $0x180;
	[sflag:s25] =	ssyncadd.s32 @!p0 $0xFFFFFF80  }
0x35: {  	[tilespmem:s24], [sflag:$0x4] =	stream.linear.gather @!p0 [hbm4b:s11+s22], $0x80, $0x38;
	[tilespmem:$0x1C200] =	vst v63  }
0x36: {  	_ =	swait.ge @!p0 [sflag:s25], $0x80  }
0x37: {  	[sflag:s25] =	ssyncset.done @!p0 $0x0  }
0x38: {  	s26 =	simm.s32 @!p0 $0x1;
	s22 =	simm.s32 @!p0 $0x4200;
	[sflag:s25] =	ssyncadd.s32 @!p0 $0xFFFFFF80  }
0x39: {  	[tilespmem:s22], [sflag:$0x2] =	stream.indirect.gather @!p0 [hbm4b:s4+s23], $0x80, s23, s23, $0xb8;
	[tilespmem:$0x1C200] =	vst v63  }
0x3a: {  	s31 =	simm.s32 $0x1;
	_ =	swait.ge @!p0 [sflag:s26], $0x4000  }
0x3b: {  	s28 =	simm.s32 @!p0 $0x200;
	s24 =	simm.s32 $0x2;
	[sflag:s26] =	ssyncset.done @!p0 $0x0  }
0x3c: {  	s25 =	simm.s32 @p0 $0x3;
	[sflag:s26] =	ssyncadd.s32 @!p0 $0xFFFFC000;
	s26 =	simm.s32 @!p0 $0x100  }
0x3d: {  	[spmem:s2] =	stream.indirect.scatter.add.f32 @!p0 [tilespmem:s28], [sflag:$0x4], $0x80, s26, s23, $0xb8;
	[tilespmem:$0x1C200] =	vst v63  }
0x3e: {  	s22 =	sand.u32 $0x1, s31;
	s23 =	sadd.s32 $0x10, s12;
	_ =	swait.ge [sflag:s25], $0x4000  }
0x3f: {  	p0 =	seq.s32 s22, $0x1;
	s22 =	sadd.s32 $0x10, s11;
	[sflag:s25] =	ssyncset.done $0x0  }
.LBB2_2:
0x40: {  	s28 =	simm.s32 @p0 $0x0;
	s29 =	simm.s32 @p0 $0x4;
	[sflag:s25] =	ssyncadd.s32 $0xFFFFC000  }
0x41: {  	[tilespmem:s28], [sflag:$0x4] =	stream.linear.gather @p0 [hbm4b:s23+s28], $0x80, $0x38;
	[tilespmem:$0x1C200] =	vst v63  }
0x42: {  	s26 =	smov.u32 s24;
	s24 =	sadd.s32 $0x1, s24;
	_ =	swait.ge @p0 [sflag:s29], $0x80  }
0x43: {  	p1 =	sne.s32 s24, $0x4F;
	[sflag:s29] =	ssyncset.done @p0 $0x0  }
0x44: {  	s25 =	simm.s32 @p0 $0x100;
	[sflag:s29] =	ssyncadd.s32 @p0 $0xFFFFFF80  }
0x45: {  	[tilespmem:s25], [sflag:$0x4] =	stream.linear.gather @p0 [hbm4b:s22+s28], $0x80, $0x38;
	[tilespmem:$0x1C200] =	vst v63  }
0x46: {  	_ =	swait.ge @p0 [sflag:s29], $0x80  }
0x47: {  	s25 =	simm.s32 @p0 $0x2;
	[sflag:s29] =	ssyncset.done @p0 $0x0  }
0x48: {  	s30 =	simm.s32 @p0 $0x200;
	[sflag:s29] =	ssyncadd.s32 @p0 $0xFFFFFF80;
	s29 =	simm.s32 @p0 $0x80  }
0x49: {  	[tilespmem:s30], [sflag:$0x1] =	stream.indirect.gather @p0 [hbm4b:s4+s29], $0x80, s28, s29, $0xb8;
	[tilespmem:$0x1C200] =	vst v63  }
0x4a: {  	_ =	swait.ge @p0 [sflag:s25], $0x4000  }
0x4b: {  	[sflag:s25] =	ssyncset.done @p0 $0x0  }
0x4c: {  	s28 =	simm.s32 @p0 $0x4200;
	[sflag:s25] =	ssyncadd.s32 @p0 $0xFFFFC000;
	s25 =	simm.s32 @p0 $0x180  }
0x4d: {  	[spmem:s2] =	stream.indirect.scatter.add.f32 @p0 [tilespmem:s28], [sflag:$0x3], $0x80, s25, s29, $0xb8;
	[tilespmem:$0x1C200] =	vst v63  }
0x4e: {  	s28 =	simm.s32 @!p0 $0x0;
	s29 =	simm.s32 @!p0 $0x80;
	s25 =	simm.s32 @!p0 $0x4  }
0x4f: {  	[tilespmem:s29], [sflag:$0x4] =	stream.linear.gather @!p0 [hbm4b:s23+s28], $0x80, $0x38;
	[tilespmem:$0x1C200] =	vst v63  }
0x50: {  	_ =	swait.ge @!p0 [sflag:s25], $0x80  }
0x51: {  	[sflag:s25] =	ssyncset.done @!p0 $0x0  }
0x52: {  	s30 =	simm.s32 @!p0 $0x180;
	[sflag:s25] =	ssyncadd.s32 @!p0 $0xFFFFFF80  }
0x53: {  	[tilespmem:s30], [sflag:$0x4] =	stream.linear.gather @!p0 [hbm4b:s22+s28], $0x80, $0x38;
	[tilespmem:$0x1C200] =	vst v63  }
0x54: {  	_ =	swait.ge @!p0 [sflag:s25], $0x80  }
0x55: {  	[sflag:s25] =	ssyncset.done @!p0 $0x0  }
0x56: {  	s28 =	simm.s32 @!p0 $0x4200;
	s30 =	simm.s32 @!p0 $0x1;
	[sflag:s25] =	ssyncadd.s32 @!p0 $0xFFFFFF80  }
0x57: {  	[tilespmem:s28], [sflag:$0x2] =	stream.indirect.gather @!p0 [hbm4b:s4+s29], $0x80, s29, s29, $0xb8;
	[tilespmem:$0x1C200] =	vst v63  }
0x58: {  	_ =	swait.ge @!p0 [sflag:s30], $0x4000  }
.Ltmp0:
0x59: {  	s28 =	simm.s32 @!p0 $0x200;
	[sflag:s30] =	ssyncset.done @!p0 $0x0;
	(pc) =	sbr.rel @p1 .LBB2_2-.Ltmp0, $4  }
0x5a: {  	s25 =	simm.s32 @p0 $0x3;
	[sflag:s30] =	ssyncadd.s32 @!p0 $0xFFFFC000;
	s30 =	simm.s32 @!p0 $0x100  }
0x5b: {  	[spmem:s2] =	stream.indirect.scatter.add.f32 @!p0 [tilespmem:s28], [sflag:$0x4], $0x80, s30, s29, $0xb8;
	[tilespmem:$0x1C200] =	vst v63  }
0x5c: {  	s26 =	sand.u32 $0x1, s26;
	s23 =	sadd.s32 $0x10, s23;
	_ =	swait.ge [sflag:s25], $0x4000  }
0x5d: {  	s22 =	sadd.s32 $0x10, s22;
	p0 =	seq.s32 s26, $0x1;
	[sflag:s25] =	ssyncset.done $0x0  }
0x5e: {  	s24 =	simm.s32 @p0 $0x0;
	s26 =	simm.s32 @p0 $0x4;
	[sflag:s25] =	ssyncadd.s32 $0xFFFFC000  }
0x5f: {  	[tilespmem:s24], [sflag:$0x4] =	stream.linear.gather @p0 [hbm4b:s23+s24], $0x80, $0x38;
	[tilespmem:$0x1C200] =	vst v63  }
0x60: {  	_ =	swait.ge @p0 [sflag:s26], $0x80  }
0x61: {  	[sflag:s26] =	ssyncset.done @p0 $0x0  }
0x62: {  	s25 =	simm.s32 @p0 $0x100;
	[sflag:s26] =	ssyncadd.s32 @p0 $0xFFFFFF80  }
0x63: {  	[tilespmem:s25], [sflag:$0x4] =	stream.linear.gather @p0 [hbm4b:s22+s24], $0x80, $0x38;
	[tilespmem:$0x1C200] =	vst v63  }
0x64: {  	_ =	swait.ge @p0 [sflag:s26], $0x80  }
0x65: {  	s28 =	simm.s32 @p0 $0x200;
	[sflag:s26] =	ssyncset.done @p0 $0x0  }
0x66: {  	s25 =	simm.s32 @p0 $0x2;
	[sflag:s26] =	ssyncadd.s32 @p0 $0xFFFFFF80;
	s26 =	simm.s32 @p0 $0x80  }
0x67: {  	[tilespmem:s28], [sflag:$0x1] =	stream.indirect.gather @p0 [hbm4b:s4+s26], $0x80, s24, s26, $0xb8;
	[tilespmem:$0x1C200] =	vst v63  }
0x68: {  	_ =	swait.ge @p0 [sflag:s25], $0x4000  }
0x69: {  	[sflag:s25] =	ssyncset.done @p0 $0x0  }
0x6a: {  	s24 =	simm.s32 @p0 $0x180;
	[sflag:s25] =	ssyncadd.s32 @p0 $0xFFFFC000;
	s25 =	simm.s32 @p0 $0x4200  }
0x6b: {  	[spmem:s2] =	stream.indirect.scatter.add.f32 @p0 [tilespmem:s25], [sflag:$0x3], $0x80, s24, s26, $0xb8;
	[tilespmem:$0x1C200] =	vst v63  }
0x6c: {  	s24 =	simm.s32 @!p0 $0x0;
	s25 =	simm.s32 @!p0 $0x80;
	s26 =	simm.s32 @!p0 $0x4  }
0x6d: {  	[tilespmem:s25], [sflag:$0x4] =	stream.linear.gather @!p0 [hbm4b:s23+s24], $0x80, $0x38;
	[tilespmem:$0x1C200] =	vst v63  }
0x6e: {  	_ =	swait.ge @!p0 [sflag:s26], $0x80  }
0x6f: {  	[sflag:s26] =	ssyncset.done @!p0 $0x0  }
0x70: {  	s23 =	simm.s32 @!p0 $0x180;
	[sflag:s26] =	ssyncadd.s32 @!p0 $0xFFFFFF80  }
0x71: {  	[tilespmem:s23], [sflag:$0x4] =	stream.linear.gather @!p0 [hbm4b:s22+s24], $0x80, $0x38;
	[tilespmem:$0x1C200] =	vst v63  }
0x72: {  	_ =	swait.ge @!p0 [sflag:s26], $0x80  }
0x73: {  	[sflag:s26] =	ssyncset.done @!p0 $0x0  }
0x74: {  	s22 =	simm.s32 @!p0 $0x4200;
	s23 =	simm.s32 @!p0 $0x1;
	[sflag:s26] =	ssyncadd.s32 @!p0 $0xFFFFFF80  }
0x75: {  	[tilespmem:s22], [sflag:$0x2] =	stream.indirect.gather @!p0 [hbm4b:s4+s25], $0x80, s25, s25, $0xb8;
	[tilespmem:$0x1C200] =	vst v63  }
0x76: {  	_ =	swait.ge @!p0 [sflag:s23], $0x4000  }
0x77: {  	s26 =	simm.s32 @p0 $0x3;
	[sflag:s23] =	ssyncset.done @!p0 $0x0  }
0x78: {  	s22 =	simm.s32 @!p0 $0x200;
	[sflag:s23] =	ssyncadd.s32 @!p0 $0xFFFFC000;
	s23 =	simm.s32 @!p0 $0x100  }
0x79: {  	[spmem:s2] =	stream.indirect.scatter.add.f32 @!p0 [tilespmem:s22], [sflag:$0x4], $0x80, s23, s25, $0xb8;
	[tilespmem:$0x1C200] =	vst v63  }
0x7a: {  	_ =	swait.ge [sflag:s26], $0x4000  }
0x7b: {  	[sflag:s26] =	ssyncset.done $0x0  }
0x7c: {  	[sflag:s26] =	ssyncadd.s32 $0xFFFFC000  }
0x7d: {  	_ =	swait.ge [sflag:s18], $0x4000  }
0x7e: {  	[sflag:s18] =	ssyncset.done $0x0  }
0x7f: {  	[sflag:s18] =	ssyncadd.s32 $0xFFFFC000  }
0x80: {  	[spmem:s2] =	stream.indirect.scatter.add.f32 [tilespmem:s20], [sflag:$0x3], $0x80, s19, s16, $0xb8;
	[tilespmem:$0x1C200] =	vst v63  }
0x81: {  	_ =	swait.ge [sflag:s14], $0x4000  }
0x82: {  	s21 =	sadd.s32 $0x1, s21;
	[sflag:s14] =	ssyncset.done $0x0  }
0x83: {  	p0 =	sne.s32 s21, s10;
	[sflag:s14] =	ssyncadd.s32 $0xFFFFC000  }
.Ltmp1:
0x84: {  	[bflag:$0x0] =	sbarrier.arrive $0xFFFF;
	(pc) =	sbr.rel @p0 .LBB2_1-.Ltmp1, $4  }
0x85: {  	[hbm:s9], [sflag:s6] =	dma.local [spmem:s13], $0x2800  }
0x86: {  	_ =	swait.ge [sflag:s14], $0x2800  }
0x87: {  	[sflag:s14] =	ssyncset.done $0x0  }
0x88: {  	[sflag:s14] =	ssyncadd.s32 $0xFFFFD800  }
0x89: {  	_ =	sfence.sel $0x180000  }
0x8a: {  	[bflag:$0x0] =	sbarrier.arrive $0xFFFF  }
0x8b: {  	p0 =	sne.s32 s1, $0x0;
	_ =	strace $0x90000047  }
0x8c: {  	s0 =	sadd.s32 @!p0 $0x100000, s0;
	[bflag:$0x2] =	sbarrier.arrive $0xFFFF  }
0x8d: {  	[sflag:s0] =	ssyncadd.tile.s32 @!p0 $0x1;
	_ =	shalt  }
.Lfunc_end2:
_tile_overlayer_lowered:
.L_overlay_start_2:
0x8e: {  	(tag) =	ssettag $0x2  }
0x8f: {  	s0 =	rddreg [dreg:$0x0];
	s2 =	stileid.u32  }
0x90: {  	s1 =	rddreg [dreg:$0x1];
	p0 =	sne.s32 s2, $0x0  }
0x91: {  	s3 =	rddreg [dreg:$0x2];
	[bflag:$0x3] =	sbarrier.arrive $0xFFFF;
	s2 =	simm.s32 @!p0 $0x1C03  }
0x92: {  	[timem:s3], [sflag:s2] =	dma.local @!p0 [hbm:s0], s1  }
0x93: {  	s0 =	simm.s32 @!p0 $0x3  }
0x94: {  	_ =	swait.ge @!p0 [sflag:s0], s1  }
0x95: {  	s1 =	ssub.s32 @!p0 $0x0, s1;
	[sflag:s0] =	ssyncset.done @!p0 $0x0  }
0x96: {  	[sflag:s0] =	ssyncadd.s32 @!p0 s1  }
0x97: {  	[bflag:$0x3] =	sbarrier.arrive $0xFFFF  }
0x98: {  	_ =	shalt  }

// kernel: kernel.16.cloned.1.call-start
scs
__scs_entry_jumppad:
0x0: {  	(pc) =	sbr.rel $0x88, $3  }
0x1: {  	(tag) =	ssettag $0x0;
	lr =	simm.s32 $0x1  }
0x2: {  	[smem:$0x3F8F] =	sst lr;
	_ =	strace $0xD0000000  }
0x3: {  	_ = 	snop  }
0x4: {  	_ = 	snop  }
0x5: {  	_ = 	snop  }
0x6: {  	_ = 	snop  }
0x7: {  	_ = 	snop  }
__scs_overlays_trampoline_lowered:
0x8: {  	[smem:$0x3F9E] =	sst s0  }
0x9: {  	[smem:$0x3F9F] =	sst s1  }
0xa: {  	[smem:$0x3FA0] =	sst s2  }
0xb: {  	[smem:$0x3FA1] =	sst s3  }
0xc: {  	[smem:$0x3FA2] =	sst s4  }
0xd: {  	[smem:$0x3FA3] =	sst s5  }
0xe: {  	[smem:$0x3FA4] =	sst s6  }
0xf: {  	[smem:$0x3FA5] =	sst s7  }
0x10: {  	[smem:$0x3FA6] =	sst s8  }
0x11: {  	[smem:$0x3FA7] =	sst s9;
	s0 =	simm.s32 @!p0 $0x0  }
0x12: {  	s1 =	sld [smem:$0x3F8D];
	s0 =	simm.s32 @p0 $0x1  }
0x13: {  	[smem:$0x3FA8] =	sst s0;
	s0 =	simm.s32 @!p1 $0x0  }
0x14: {  	s2 =	sld [smem:$0x3F8C];
	s0 =	simm.s32 @p1 $0x1  }
0x15: {  	[smem:$0x3FA9] =	sst s0;
	s0 =	simm.s32 @!p2 $0x0  }
0x16: {  	s3 =	sld [smem:$0x3FDB];
	s0 =	simm.s32 @p2 $0x1  }
0x17: {  	s4 =	simm.s32 $0x1BF5;
	[smem:$0x3FAB] =	sst s0  }
0x18: {  	s0 =	sld [smem:$0x3F8E];
	_ =	swait.ge [sflag:s4], $0x0  }
0x19: {  	s7 =	sld [smem:$0x3F8F]  }
0x1a: {  	s8 =	sadd.s32 $0xFFFFE003, lr  }
0x1b: {  	s9 =	sadd.s32 $0xFFFFFEF7, lr;
	s5 =	simm.s32 $0xFFFFFFFF;
	p2 =	slt.u32 s8, $0xFFFFF086  }
0x1c: {  	p1 =	slt.u32 s9, $0xF7A;
	s5 =	simm.s32 @!p2 $0x0  }
0x1d: {  	s5 =	simm.s32 @p1 $0x1;
	p0 =	seq.s32 s7, s2  }
0x1e: {  	s7 =	smul.u32 @!p0 $0xF7A, s2;
	p2 =	seq.s32 @!p0 s5, $0x0  }
0x1f: {  	s9 =	smul.u32 $0xF7A, s1;
	s8 =	simm.s32 @!p0 $0x1BF5;
	p2 =	por !p2, p0  }
0x20: {  	[sflag:s8] =	ssyncset.s32 @!p0 $0xFFFFF086;
	s6 =	sadd.s32 @!p0 s3, s7;
	s7 =	simm.s32 @!p0 $0x108  }
0x21: {  	s3 =	sadd.s32 s3, s9;
	s6 =	sadd.s32 @!p0 $0x88, s6;
	s7 =	simm.s32 @p2 $0x1082  }
0x22: {  	[simem:s7], [sflag:s8] =	dma.local @!p0 [hbm:s6], $0xF7A  }
0x23: {  	s9 =	sor.u32 $0xD0000000, s2;
	s6 =	simm.s32 $0x108;
	_ =	swait.ge @!p0 [sflag:s8], $0x0  }
0x24: {  	s3 =	sadd.s32 $0x88, s3;
	s6 =	simm.s32 @!p1 $0x1082;
	[sflag:s4] =	ssyncset.s32 $0xFFFFF086  }
0x25: {  	[simem:s6], [sflag:s4] =	dma.local [hbm:s3], $0xF7A  }
0x26: {  	[smem:$0x3F8F] =	sst s1;
	(tag) =	ssettag s2;
	_ =	strace s9  }
0x27: {  	s1 =	sld [smem:$0x3F9F]  }
0x28: {  	s2 =	sld [smem:$0x3FA0]  }
0x29: {  	s4 =	sld [smem:$0x3FA2]  }
0x2a: {  	p0 =	seq.s32 s5, $0x0;
	s5 =	sld [smem:$0x3FA3]  }
0x2b: {  	s6 =	sld [smem:$0x3FA4]  }
0x2c: {  	s7 =	sld [smem:$0x3FA5]  }
0x2d: {  	s3 =	simm.s32 $0x108;
	s8 =	sld [smem:$0x3FA6]  }
0x2e: {  	s3 =	simm.s32 @!p0 $0x1082;
	s9 =	sld [smem:$0x3FA7]  }
0x2f: {  	lr =	sadd.s32 s0, s3;
	s0 =	sld [smem:$0x3F9E]  }
0x30: {  	s3 =	sld [smem:$0x3FA1]  }
0x31: {  	[smem:$0x3FAA] =	sst s10  }
0x32: {  	s10 =	sld [smem:$0x3FA8];
	_ =	sdelay $0x3  }
0x33: {  	p0 =	seq.s32 s10, $0x1;
	s10 =	sld [smem:$0x3FAA];
	_ =	sdelay $0x3  }
0x34: {  	[smem:$0x3FAA] =	sst s10  }
0x35: {  	s10 =	sld [smem:$0x3FA9];
	_ =	sdelay $0x3  }
0x36: {  	p1 =	seq.s32 s10, $0x1;
	s10 =	sld [smem:$0x3FAA];
	_ =	sdelay $0x3  }
0x37: {  	[smem:$0x3FAA] =	sst s10  }
0x38: {  	s10 =	sld [smem:$0x3FAB]  }
0x39: {  	_ = 	snop;
	(pc) =	sbr.ind lr, $3  }
0x3a: {  	_ = 	snop  }
0x3b: {  	_ = 	snop  }
0x3c: {  	p2 =	seq.s32 s10, $0x1;
	s10 =	sld [smem:$0x3FAA]  }
0x3d: {  	_ =	shalt  }
0x3e: {  	_ =	shalt  }
0x3f: {  	_ =	shalt  }
0x40: {  	_ =	shalt  }
0x41: {  	_ =	shalt  }
0x42: {  	_ =	shalt  }
0x43: {  	_ =	shalt  }
0x44: {  	_ =	shalt  }
0x45: {  	_ =	shalt  }
0x46: {  	_ =	shalt  }
0x47: {  	_ =	shalt  }
0x48: {  	_ =	shalt  }
0x49: {  	_ =	shalt  }
0x4a: {  	_ =	shalt  }
0x4b: {  	_ =	shalt  }
0x4c: {  	_ =	shalt  }
0x4d: {  	_ =	shalt  }
0x4e: {  	_ =	shalt  }
0x4f: {  	_ =	shalt  }
0x50: {  	_ =	shalt  }
0x51: {  	_ =	shalt  }
0x52: {  	_ =	shalt  }
0x53: {  	_ =	shalt  }
0x54: {  	_ =	shalt  }
0x55: {  	_ =	shalt  }
0x56: {  	_ =	shalt  }
0x57: {  	_ =	shalt  }
0x58: {  	_ =	shalt  }
0x59: {  	_ =	shalt  }
0x5a: {  	_ =	shalt  }
0x5b: {  	_ =	shalt  }
0x5c: {  	_ =	shalt  }
0x5d: {  	_ =	shalt  }
0x5e: {  	_ =	shalt  }
0x5f: {  	_ =	shalt  }
0x60: {  	_ =	shalt  }
0x61: {  	_ =	shalt  }
0x62: {  	_ =	shalt  }
0x63: {  	_ =	shalt  }
0x64: {  	_ =	shalt  }
0x65: {  	_ =	shalt  }
0x66: {  	_ =	shalt  }
0x67: {  	_ =	shalt  }
0x68: {  	_ =	shalt  }
0x69: {  	_ =	shalt  }
0x6a: {  	_ =	shalt  }
0x6b: {  	_ =	shalt  }
0x6c: {  	_ =	shalt  }
0x6d: {  	_ =	shalt  }
0x6e: {  	_ =	shalt  }
0x6f: {  	_ =	shalt  }
0x70: {  	_ =	shalt  }
0x71: {  	_ =	shalt  }
0x72: {  	_ =	shalt  }
0x73: {  	_ =	shalt  }
0x74: {  	_ =	shalt  }
0x75: {  	_ =	shalt  }
0x76: {  	_ =	shalt  }
0x77: {  	_ =	shalt  }
0x78: {  	_ =	shalt  }
0x79: {  	_ =	shalt  }
0x7a: {  	_ =	shalt  }
0x7b: {  	_ =	shalt  }
0x7c: {  	_ =	shalt  }
0x7d: {  	_ =	shalt  }
0x7e: {  	_ =	shalt  }
0x7f: {  	_ =	shalt  }
0x80: {  	_ =	shalt  }
0x81: {  	_ =	shalt  }
0x82: {  	_ =	shalt  }
0x83: {  	_ =	shalt  }
0x84: {  	_ =	shalt  }
0x85: {  	_ =	shalt  }
0x86: {  	_ =	shalt  }
0x87: {  	_ =	shalt  }
.Lfunc_end0:
.L_simem_size_0:
called_computation.2_lowered:
.L_overlay_start_0:
0x88: {  	s2 =	sld [smem:$0x3FD9]  }
0x89: {  	s3 =	sld [smem:$0x3FFE];
	_ =	sdelay $0x1  }
0x8a: {  	s1 =	srdreg.scid  }
0x8b: {  	s0 =	sand.u32 $0x1, s1  }
0x8c: {  	s16 =	sshll.u32 s0, $0xA;
	s2 =	sadd.s32 s3, s2  }
0x8d: {  	s2 =	sadd.s32 s2, s16  }
0x8e: {  	[smem:$0x3FB6] =	sst s2  }
0x8f: {  	_ = 	snop  }
0x90: {  	(tm) =	ssettm $0x1  }
0x91: {  	s17 =	sld [smem:$0x3FFB];
	_ =	sdelay $0x3  }
0x92: {  	_ =	strace s17  }
0x93: {  	s2 =	sld [smem:$0x3FFC];
	_ =	sdelay $0x3  }
0x94: {  	_ =	strace s2  }
0x95: {  	s2 =	sld [smem:$0x3FFD];
	_ =	sdelay $0x3  }
0x96: {  	_ =	strace s2  }
0x97: {  	_ =	strace $0x8FFFFFFF  }
0x98: {  	s18 =	sld [smem:$0x3FDB];
	_ =	sdelay $0x1  }
0x99: {  	s19 =	simm.s32 $_scs_section_size  }
0x9a: {  	s4 =	simm.s32 $_size__tile_overlayer_lowered;
	s5 =	simm.s32 $_tile_overlayer_lowered  }
0x9b: {  	s22 =	simm.s32 $0x1BFF;
	s21 =	sshll.u32 s5, $0x1;
	s2 =	sadd.s32 s19, s18  }
0x9c: {  	s6 =	simm.s32 $0x0;
	s20 =	sshll.u32 s4, $0x1;
	s4 =	sadd.s32 s21, s2  }
0x9d: {  	[timem:s6], [sflag:s22] =	dma.local [hbm:s4], s20  }
0x9e: {  	_ =	swait.ge [sflag:s22], s20  }
0x9f: {  	s3 =	ssub.s32 $0x0, s20;
	[sflag:s22] =	ssyncset.done $0x0  }
0xa0: {  	[sflag:s22] =	ssyncadd.s32 s3;
	_ =	sdelay $0x1  }
0xa1: {  	s23 =	simm.s32 $0x1B8B  }
0xa2: {  	_ =	swait.ge [sflag:s23], $0x1  }
0xa3: {  	[sflag:s23] =	ssyncset.done $0x0  }
0xa4: {  	s25 =	simm.s32 $0x1B8E;
	s24 =	sld [smem:$0x3FFE];
	[sflag:s23] =	ssyncadd.s32 $0xFFFFFFFF  }
0xa5: {  	s26 =	simm.s32 $execute0_lowered;
	[smem:$0x3FD2] =	sst s25  }
0xa6: {  	s4 =	sshll.u32 s26, $0x1;
	_ =	strace $0x8000004C;
	[dreg:$0x1] =	wrdreg $0xFFFFFFFF  }
0xa7: {  	s28 =	simm.s32 $_size_execute0_lowered;
	s2 =	sadd.s32 s2, s4;
	[dreg:$0x0] =	wrdreg $0x0  }
0xa8: {  	s4 =	sshll.u32 s28, $0x1;
	[dreg:$0x2] =	wrdreg s2  }
0xa9: {  	[dreg:$0x3] =	wrdreg s4  }
0xaa: {  	[dreg:$0x4] =	wrdreg $0xC0  }
0xab: {  	_ =	task [dreg:s6], $0x5FFFF  }
0xac: {  	[dreg:$0x1] =	wrdreg $0xFFFFFFFF  }
0xad: {  	[dreg:$0x0] =	wrdreg $0x60  }
0xae: {  	[dreg:$0x2] =	wrdreg s24  }
0xaf: {  	[dreg:$0x3] =	wrdreg $0x82000  }
0xb0: {  	[dreg:$0x4] =	wrdreg $0x9  }
0xb1: {  	_ =	task.clear_ibuf [dreg:s6], $0x5FFFF;
	_ =	strace $0x9000004C  }
0xb2: {  	s29 =	simm.s32 $0x9;
	_ =	strace $0x8000004E  }
0xb3: {  	_ =	swait.ge [sflag:s29], $0x1  }
0xb4: {  	[sflag:s29] =	ssyncadd.s32 $0xFFFFFFFF  }
0xb5: {  	_ =	strace $0x9000004E  }
0xb6: {  	_ =	sfence  }
0xb7: {  	s30 =	sld [smem:$0x0];
	_ =	sdelay $0x2  }
0xb8: {  	s31 =	sshll.u32 s1, $0xD;
	s1 =	sshrl.u32 s1, $0x2  }
0xb9: {  	s3 =	sand.u32 $0x4000, s31;
	s1 =	sadd.s32 s1, s30  }
0xba: {  	s0 =	sor.u32 s3, s0;
	s1 =	sshll.u32 s1, $0x11  }
0xbb: {  	s0 =	sor.u32 s1, s0  }
0xbc: {  	s0 =	sadd.s32 $0x8F2B, s0  }
0xbd: {  	[sflag:s0] =	ssyncadd.remote.s32 $0x1  }
0xbe: {  	_ =	sfence.sel $0xFFFF  }
0xbf: {  	[dreg:$0x0] =	wrdreg $0xFFFFFFFF;
	(pc) =	sbr.abs _section_cstart, $3  }
0xc0: {  	[dreg:$0x1] =	wrdreg $0xFFFFFFFF  }
0xc1: {  	_ =	task.clear_ibuf [dreg:s6], $0x2FFFF;
	_ =	strace $0x9FFFFFFF  }
0xc2: {  	(tm) =	ssettm $0x7FFFFFFF  }
0xc3: {  	_ =	shalt  }
tec
execute0_lowered:
.L_overlay_start_1:
0x0: {  	(tag) =	ssettag $0x1  }
0x1: {  	s6 =	rddreg [dreg:$0x0]  }
0x2: {  	s2 =	rddreg [dreg:$0x1]  }
0x3: {  	s0 =	rddreg [dreg:$0x2]  }
0x4: {  	s1 =	stileid.u32;
	s4 =	srdreg.scid  }
0x5: {  	s3 =	simm.s32 $0x0;
	s17 =	simm.s32 $0x80;
	s18 =	simm.s32 $0x200  }
0x6: {  	s19 =	simm.s32 $0x2;
	s20 =	simm.s32 $0x180;
	s7 =	smul.u32 $0x14000, s1  }
0x7: {  	s21 =	simm.s32 $0x4200;
	s8 =	sand.u32 $0x1, s4;
	s10 =	smul.u32 $0x50000, s1  }
0x8: {  	[smem:$0x7FF] =	sst s3;
	s4 =	sadd.s32 $0x40C00, s6;
	s14 =	smul.u32 $0x5000, s1  }
0x9: {  	s5 =	sadd.s32 $0x90C00, s6;
	s11 =	sadd.s32 $0xEC00, s6;
	s30 =	smul.u32 $0xA00, s1  }
0xa: {  	s13 =	sadd.s32 $0x4C00, s6;
	s28 =	sshll.u32 s1, $0x6;
	s9 =	smul.u32 $0x140000, s8  }
0xb: {  	_ =	strace $0x8000004D;
	s25 =	ssub.s32 $0x2, s8;
	p0 =	seq.s32 s8, $0x1  }
0xc: {  	s26 =	sshrl.u32 s25, $0x1;
	s10 =	sshrl.u32 s10, $0x2;
	s29 =	sshrl.u32 s14, $0x3  }
0xd: {  	s31 =	sadd.s32 s30, s11;
	s9 =	sadd.s32 s7, s9;
	s7 =	sshrl.u32 s7, $0x3  }
0xe: {  	s15 =	ssub.s32 s25, s26;
	s16 =	sadd.s32 s10, s2;
	s8 =	sadd.s32 s13, s29  }
.Ltmp0:
0xf: {  	s13 =	sadd.s32 s30, s13;
	s9 =	sshrl.u32 s9, $0x3;
	(pc) =	sbr.rel .LBB2_1-.Ltmp0, $4  }
0x10: {  	s7 =	sadd.s32 s7, s6;
	s13 =	sadd.s32 $0x10, s13;
	s14 =	sshrl.u32 s16, $0x3  }
0x11: {  	s16 =	simm.s32 $0x100;
	s12 =	sadd.s32 s9, s6;
	s6 =	sadd.s32 $0x68C00, s7  }
0x12: {  	s7 =	sor.u32 $0x1C03, s28;
	s9 =	sadd.s32 s11, s29;
	s11 =	smax.u32 s15, $0x1  }
0x13: {  	s15 =	simm.s32 $0x3;
	s10 =	sadd.s32 $0xE0C00, s12;
	s12 =	sadd.s32 $0x10, s31  }
.LBB2_7:
0x14: {  	s24 =	simm.s32 @p1 $0x0;
	s26 =	simm.s32 @p1 $0x4;
	[sflag:s25] =	ssyncadd.s32 $0xFFFFC000  }
0x15: {  	[tilespmem:s24], [sflag:$0x4] =	stream.linear.gather @p1 [hbm4b:s23+s24], $0x80, $0x38;
	[tilespmem:$0x1C200] =	vst v63  }
0x16: {  	_ =	swait.ge @p1 [sflag:s26], $0x80  }
0x17: {  	[sflag:s26] =	ssyncset.done @p1 $0x0  }
0x18: {  	s25 =	simm.s32 @p1 $0x100;
	[sflag:s26] =	ssyncadd.s32 @p1 $0xFFFFFF80  }
0x19: {  	[tilespmem:s25], [sflag:$0x4] =	stream.linear.gather @p1 [hbm4b:s22+s24], $0x80, $0x38;
	[tilespmem:$0x1C200] =	vst v63  }
0x1a: {  	_ =	swait.ge @p1 [sflag:s26], $0x80  }
0x1b: {  	s28 =	simm.s32 @p1 $0x200;
	[sflag:s26] =	ssyncset.done @p1 $0x0  }
0x1c: {  	s25 =	simm.s32 @p1 $0x2;
	[sflag:s26] =	ssyncadd.s32 @p1 $0xFFFFFF80;
	s26 =	simm.s32 @p1 $0x80  }
0x1d: {  	[tilespmem:s28], [sflag:$0x1] =	stream.indirect.gather @p1 [hbm4b:s5+s26], $0x80, s24, s26, $0xb8;
	[tilespmem:$0x1C200] =	vst v63  }
0x1e: {  	_ =	swait.ge @p1 [sflag:s25], $0x4000  }
0x1f: {  	[sflag:s25] =	ssyncset.done @p1 $0x0  }
0x20: {  	s24 =	simm.s32 @p1 $0x180;
	[sflag:s25] =	ssyncadd.s32 @p1 $0xFFFFC000;
	s25 =	simm.s32 @p1 $0x4200  }
0x21: {  	[spmem:s2] =	stream.indirect.scatter.add.f32 @p1 [tilespmem:s25], [sflag:$0x3], $0x80, s24, s26, $0xb8;
	[tilespmem:$0x1C200] =	vst v63  }
0x22: {  	s24 =	simm.s32 @!p1 $0x0;
	s25 =	simm.s32 @!p1 $0x80;
	s26 =	simm.s32 @!p1 $0x4  }
0x23: {  	[tilespmem:s25], [sflag:$0x4] =	stream.linear.gather @!p1 [hbm4b:s23+s24], $0x80, $0x38;
	[tilespmem:$0x1C200] =	vst v63  }
0x24: {  	_ =	swait.ge @!p1 [sflag:s26], $0x80  }
0x25: {  	[sflag:s26] =	ssyncset.done @!p1 $0x0  }
0x26: {  	s23 =	simm.s32 @!p1 $0x180;
	[sflag:s26] =	ssyncadd.s32 @!p1 $0xFFFFFF80  }
0x27: {  	[tilespmem:s23], [sflag:$0x4] =	stream.linear.gather @!p1 [hbm4b:s22+s24], $0x80, $0x38;
	[tilespmem:$0x1C200] =	vst v63  }
0x28: {  	_ =	swait.ge @!p1 [sflag:s26], $0x80  }
0x29: {  	[sflag:s26] =	ssyncset.done @!p1 $0x0  }
0x2a: {  	s22 =	simm.s32 @!p1 $0x4200;
	s23 =	simm.s32 @!p1 $0x1;
	[sflag:s26] =	ssyncadd.s32 @!p1 $0xFFFFFF80  }
0x2b: {  	[tilespmem:s22], [sflag:$0x2] =	stream.indirect.gather @!p1 [hbm4b:s5+s25], $0x80, s25, s25, $0xb8;
	[tilespmem:$0x1C200] =	vst v63  }
0x2c: {  	_ =	swait.ge @!p1 [sflag:s23], $0x4000  }
0x2d: {  	s26 =	simm.s32 @p1 $0x3;
	[sflag:s23] =	ssyncset.done @!p1 $0x0  }
0x2e: {  	s22 =	simm.s32 @!p1 $0x200;
	[sflag:s23] =	ssyncadd.s32 @!p1 $0xFFFFC000;
	s23 =	simm.s32 @!p1 $0x100  }
0x2f: {  	[spmem:s2] =	stream.indirect.scatter.add.f32 @!p1 [tilespmem:s22], [sflag:$0x4], $0x80, s23, s25, $0xb8;
	[tilespmem:$0x1C200] =	vst v63  }
0x30: {  	_ =	swait.ge [sflag:s26], $0x4000  }
0x31: {  	[sflag:s26] =	ssyncset.done $0x0  }
0x32: {  	[sflag:s26] =	ssyncadd.s32 $0xFFFFC000  }
.LBB2_8:
0x33: {  	_ =	swait.ge [sflag:s19], $0x4000  }
0x34: {  	[sflag:s19] =	ssyncset.done $0x0  }
0x35: {  	[sflag:s19] =	ssyncadd.s32 $0xFFFFC000  }
0x36: {  	[spmem:s2] =	stream.indirect.scatter.add.f32 [tilespmem:s21], [sflag:$0x3], $0x80, s20, s17, $0xb8;
	[tilespmem:$0x1C200] =	vst v63  }
0x37: {  	_ =	swait.ge [sflag:s15], $0x4000  }
0x38: {  	s3 =	sadd.s32 $0x1, s3;
	[sflag:s15] =	ssyncset.done $0x0  }
0x39: {  	p1 =	sne.s32 s3, s11;
	[sflag:s15] =	ssyncadd.s32 $0xFFFFC000  }
.Ltmp1:
0x3a: {  	[bflag:$0x0] =	sbarrier.arrive $0xFFFF;
	(pc) =	sbr.rel @!p1 .LBB2_9-.Ltmp1, $4  }
0x3b: {  	[hbm:s10], [sflag:s7] =	dma.local [spmem:s14], $0x2800  }
0x3c: {  	_ =	swait.ge [sflag:s15], $0x2800  }
0x3d: {  	[sflag:s15] =	ssyncset.done $0x0  }
0x3e: {  	[sflag:s15] =	ssyncadd.s32 $0xFFFFD800  }
.LBB2_1:
0x3f: {  	[spmem:s14], [sflag:s7] =	dma.local [hbm:s6], $0x2800  }
.Ltmp2:
0x40: {  	_ =	swait.ge [sflag:s15], $0x2800;
	(pc) =	sbr.rel @!p0 .LBB2_2-.Ltmp2, $4  }
0x41: {  	[sflag:s15] =	ssyncset.done $0x0  }
0x42: {  	[sflag:s15] =	ssyncadd.s32 $0xFFFFD800  }
0x43: {  	[bflag:$0x0] =	sbarrier.arrive $0xFFFF  }
0x44: {  	s22 =	simm.s32 $0x0  }
0x45: {  	[tilespmem:s22], [sflag:$0x3] =	stream.linear.gather [hbm4b:s9+s22], $0x80, $0x38;
	[tilespmem:$0x1C200] =	vst v63  }
0x46: {  	_ =	swait.ge [sflag:s15], $0x80  }
0x47: {  	[sflag:s15] =	ssyncset.done $0x0  }
0x48: {  	[sflag:s15] =	ssyncadd.s32 $0xFFFFFF80  }
0x49: {  	[tilespmem:s16], [sflag:$0x3] =	stream.linear.gather [hbm4b:s8+s22], $0x80, $0x38;
	[tilespmem:$0x1C200] =	vst v63  }
0x4a: {  	_ =	swait.ge [sflag:s15], $0x80  }
0x4b: {  	s30 =	sand.u32 $0x1, s22;
	[sflag:s15] =	ssyncset.done $0x0  }
0x4c: {  	p1 =	seq.s32 s30, $0x1;
	[sflag:s15] =	ssyncadd.s32 $0xFFFFFF80  }
0x4d: {  	[tilespmem:s18], [sflag:$0x1] =	stream.indirect.gather [hbm4b:s5+s17], $0x80, s22, s17, $0xb8;
	[tilespmem:$0x1C200] =	vst v63  }
0x4e: {  	s23 =	simm.s32 @p1 $0x4;
	s22 =	simm.s32 @p1 $0x0  }
0x4f: {  	[tilespmem:s22], [sflag:$0x4] =	stream.linear.gather @p1 [hbm4b:s12+s22], $0x80, $0x38;
	[tilespmem:$0x1C200] =	vst v63  }
0x50: {  	_ =	swait.ge @p1 [sflag:s23], $0x80  }
0x51: {  	[sflag:s23] =	ssyncset.done @p1 $0x0  }
0x52: {  	s24 =	simm.s32 @p1 $0x100;
	[sflag:s23] =	ssyncadd.s32 @p1 $0xFFFFFF80  }
0x53: {  	[tilespmem:s24], [sflag:$0x4] =	stream.linear.gather @p1 [hbm4b:s13+s22], $0x80, $0x38;
	[tilespmem:$0x1C200] =	vst v63  }
0x54: {  	_ =	swait.ge @p1 [sflag:s23], $0x80  }
0x55: {  	s25 =	simm.s32 @p1 $0x200;
	[sflag:s23] =	ssyncset.done @p1 $0x0  }
0x56: {  	s24 =	simm.s32 @p1 $0x2;
	[sflag:s23] =	ssyncadd.s32 @p1 $0xFFFFFF80;
	s23 =	simm.s32 @p1 $0x80  }
0x57: {  	[tilespmem:s25], [sflag:$0x1] =	stream.indirect.gather @p1 [hbm4b:s5+s23], $0x80, s22, s23, $0xb8;
	[tilespmem:$0x1C200] =	vst v63  }
0x58: {  	_ =	swait.ge @p1 [sflag:s24], $0x4000  }
0x59: {  	[sflag:s24] =	ssyncset.done @p1 $0x0  }
0x5a: {  	s22 =	simm.s32 @p1 $0x180;
	[sflag:s24] =	ssyncadd.s32 @p1 $0xFFFFC000;
	s24 =	simm.s32 @p1 $0x4200  }
0x5b: {  	[spmem:s2] =	stream.indirect.scatter.add.f32 @p1 [tilespmem:s24], [sflag:$0x3], $0x80, s22, s23, $0xb8;
	[tilespmem:$0x1C200] =	vst v63  }
0x5c: {  	s25 =	simm.s32 @!p1 $0x4;
	s22 =	simm.s32 @!p1 $0x0;
	s23 =	simm.s32 @!p1 $0x80  }
0x5d: {  	[tilespmem:s23], [sflag:$0x4] =	stream.linear.gather @!p1 [hbm4b:s12+s22], $0x80, $0x38;
	[tilespmem:$0x1C200] =	vst v63  }
0x5e: {  	_ =	swait.ge @!p1 [sflag:s25], $0x80  }
0x5f: {  	[sflag:s25] =	ssyncset.done @!p1 $0x0  }
0x60: {  	s24 =	simm.s32 @!p1 $0x180;
	[sflag:s25] =	ssyncadd.s32 @!p1 $0xFFFFFF80  }
0x61: {  	[tilespmem:s24], [sflag:$0x4] =	stream.linear.gather @!p1 [hbm4b:s13+s22], $0x80, $0x38;
	[tilespmem:$0x1C200] =	vst v63  }
0x62: {  	_ =	swait.ge @!p1 [sflag:s25], $0x80  }
0x63: {  	[sflag:s25] =	ssyncset.done @!p1 $0x0  }
0x64: {  	s26 =	simm.s32 @!p1 $0x1;
	s22 =	simm.s32 @!p1 $0x4200;
	[sflag:s25] =	ssyncadd.s32 @!p1 $0xFFFFFF80  }
0x65: {  	[tilespmem:s22], [sflag:$0x2] =	stream.indirect.gather @!p1 [hbm4b:s5+s23], $0x80, s23, s23, $0xb8;
	[tilespmem:$0x1C200] =	vst v63  }
0x66: {  	s31 =	simm.s32 $0x1;
	_ =	swait.ge @!p1 [sflag:s26], $0x4000  }
0x67: {  	s28 =	simm.s32 @!p1 $0x200;
	s24 =	simm.s32 $0x2;
	[sflag:s26] =	ssyncset.done @!p1 $0x0  }
0x68: {  	s25 =	simm.s32 @p1 $0x3;
	[sflag:s26] =	ssyncadd.s32 @!p1 $0xFFFFC000;
	s26 =	simm.s32 @!p1 $0x100  }
0x69: {  	[spmem:s2] =	stream.indirect.scatter.add.f32 @!p1 [tilespmem:s28], [sflag:$0x4], $0x80, s26, s23, $0xb8;
	[tilespmem:$0x1C200] =	vst v63  }
0x6a: {  	s22 =	sand.u32 $0x1, s31;
	s23 =	sadd.s32 $0x10, s12;
	_ =	swait.ge [sflag:s25], $0x4000  }
0x6b: {  	p1 =	seq.s32 s22, $0x1;
	s22 =	sadd.s32 $0x10, s13;
	[sflag:s25] =	ssyncset.done $0x0  }
.LBB2_6:
0x6c: {  	s28 =	simm.s32 @p1 $0x0;
	s29 =	simm.s32 @p1 $0x4;
	[sflag:s25] =	ssyncadd.s32 $0xFFFFC000  }
0x6d: {  	[tilespmem:s28], [sflag:$0x4] =	stream.linear.gather @p1 [hbm4b:s23+s28], $0x80, $0x38;
	[tilespmem:$0x1C200] =	vst v63  }
0x6e: {  	s26 =	smov.u32 s24;
	s24 =	sadd.s32 $0x1, s24;
	_ =	swait.ge @p1 [sflag:s29], $0x80  }
0x6f: {  	p2 =	sne.s32 s24, $0x9F;
	[sflag:s29] =	ssyncset.done @p1 $0x0  }
0x70: {  	s25 =	simm.s32 @p1 $0x100;
	[sflag:s29] =	ssyncadd.s32 @p1 $0xFFFFFF80  }
0x71: {  	[tilespmem:s25], [sflag:$0x4] =	stream.linear.gather @p1 [hbm4b:s22+s28], $0x80, $0x38;
	[tilespmem:$0x1C200] =	vst v63  }
0x72: {  	_ =	swait.ge @p1 [sflag:s29], $0x80  }
0x73: {  	s25 =	simm.s32 @p1 $0x2;
	[sflag:s29] =	ssyncset.done @p1 $0x0  }
0x74: {  	s30 =	simm.s32 @p1 $0x200;
	[sflag:s29] =	ssyncadd.s32 @p1 $0xFFFFFF80;
	s29 =	simm.s32 @p1 $0x80  }
0x75: {  	[tilespmem:s30], [sflag:$0x1] =	stream.indirect.gather @p1 [hbm4b:s5+s29], $0x80, s28, s29, $0xb8;
	[tilespmem:$0x1C200] =	vst v63  }
0x76: {  	_ =	swait.ge @p1 [sflag:s25], $0x4000  }
0x77: {  	[sflag:s25] =	ssyncset.done @p1 $0x0  }
0x78: {  	s28 =	simm.s32 @p1 $0x4200;
	[sflag:s25] =	ssyncadd.s32 @p1 $0xFFFFC000;
	s25 =	simm.s32 @p1 $0x180  }
0x79: {  	[spmem:s2] =	stream.indirect.scatter.add.f32 @p1 [tilespmem:s28], [sflag:$0x3], $0x80, s25, s29, $0xb8;
	[tilespmem:$0x1C200] =	vst v63  }
0x7a: {  	s28 =	simm.s32 @!p1 $0x0;
	s29 =	simm.s32 @!p1 $0x80;
	s25 =	simm.s32 @!p1 $0x4  }
0x7b: {  	[tilespmem:s29], [sflag:$0x4] =	stream.linear.gather @!p1 [hbm4b:s23+s28], $0x80, $0x38;
	[tilespmem:$0x1C200] =	vst v63  }
0x7c: {  	_ =	swait.ge @!p1 [sflag:s25], $0x80  }
0x7d: {  	[sflag:s25] =	ssyncset.done @!p1 $0x0  }
0x7e: {  	s30 =	simm.s32 @!p1 $0x180;
	[sflag:s25] =	ssyncadd.s32 @!p1 $0xFFFFFF80  }
0x7f: {  	[tilespmem:s30], [sflag:$0x4] =	stream.linear.gather @!p1 [hbm4b:s22+s28], $0x80, $0x38;
	[tilespmem:$0x1C200] =	vst v63  }
0x80: {  	_ =	swait.ge @!p1 [sflag:s25], $0x80  }
0x81: {  	[sflag:s25] =	ssyncset.done @!p1 $0x0  }
0x82: {  	s28 =	simm.s32 @!p1 $0x4200;
	s30 =	simm.s32 @!p1 $0x1;
	[sflag:s25] =	ssyncadd.s32 @!p1 $0xFFFFFF80  }
0x83: {  	[tilespmem:s28], [sflag:$0x2] =	stream.indirect.gather @!p1 [hbm4b:s5+s29], $0x80, s29, s29, $0xb8;
	[tilespmem:$0x1C200] =	vst v63  }
0x84: {  	_ =	swait.ge @!p1 [sflag:s30], $0x4000  }
.Ltmp3:
0x85: {  	s28 =	simm.s32 @!p1 $0x200;
	[sflag:s30] =	ssyncset.done @!p1 $0x0;
	(pc) =	sbr.rel @p2 .LBB2_6-.Ltmp3, $4  }
0x86: {  	s25 =	simm.s32 @p1 $0x3;
	[sflag:s30] =	ssyncadd.s32 @!p1 $0xFFFFC000;
	s30 =	simm.s32 @!p1 $0x100  }
0x87: {  	[spmem:s2] =	stream.indirect.scatter.add.f32 @!p1 [tilespmem:s28], [sflag:$0x4], $0x80, s30, s29, $0xb8;
	[tilespmem:$0x1C200] =	vst v63  }
0x88: {  	s26 =	sand.u32 $0x1, s26;
	s23 =	sadd.s32 $0x10, s23;
	_ =	swait.ge [sflag:s25], $0x4000  }
0x89: {  	s22 =	sadd.s32 $0x10, s22;
	p1 =	seq.s32 s26, $0x1;
	[sflag:s25] =	ssyncset.done $0x0  }
.Ltmp4:
0x8a: {  	_ = 	snop;
	(pc) =	sbr.rel .LBB2_7-.Ltmp4, $1  }
0x8b: {  	_ =	sdelay $0x3  }
.LBB2_2:
0x8c: {  	[tilespmem:s22], [sflag:$0x3] =	stream.linear.gather [hbm4b:s8+s22], $0x80, $0x38;
	[tilespmem:$0x1C200] =	vst v63  }
0x8d: {  	_ =	swait.ge [sflag:s15], $0x80  }
0x8e: {  	[sflag:s15] =	ssyncset.done $0x0  }
0x8f: {  	[sflag:s15] =	ssyncadd.s32 $0xFFFFFF80  }
0x90: {  	[tilespmem:s16], [sflag:$0x3] =	stream.linear.gather [hbm4b:s9+s22], $0x80, $0x38;
	[tilespmem:$0x1C200] =	vst v63  }
0x91: {  	_ =	swait.ge [sflag:s15], $0x80  }
0x92: {  	s30 =	sand.u32 $0x1, s22;
	[sflag:s15] =	ssyncset.done $0x0  }
0x93: {  	p1 =	seq.s32 s30, $0x1;
	[sflag:s15] =	ssyncadd.s32 $0xFFFFFF80  }
0x94: {  	[tilespmem:s18], [sflag:$0x1] =	stream.indirect.gather [hbm4b:s4+s17], $0x80, s22, s17, $0xb8;
	[tilespmem:$0x1C200] =	vst v63  }
0x95: {  	s23 =	simm.s32 @p1 $0x4;
	s22 =	simm.s32 @p1 $0x0  }
0x96: {  	[tilespmem:s22], [sflag:$0x4] =	stream.linear.gather @p1 [hbm4b:s13+s22], $0x80, $0x38;
	[tilespmem:$0x1C200] =	vst v63  }
0x97: {  	_ =	swait.ge @p1 [sflag:s23], $0x80  }
0x98: {  	[sflag:s23] =	ssyncset.done @p1 $0x0  }
0x99: {  	s24 =	simm.s32 @p1 $0x100;
	[sflag:s23] =	ssyncadd.s32 @p1 $0xFFFFFF80  }
0x9a: {  	[tilespmem:s24], [sflag:$0x4] =	stream.linear.gather @p1 [hbm4b:s12+s22], $0x80, $0x38;
	[tilespmem:$0x1C200] =	vst v63  }
0x9b: {  	_ =	swait.ge @p1 [sflag:s23], $0x80  }
0x9c: {  	s25 =	simm.s32 @p1 $0x200;
	[sflag:s23] =	ssyncset.done @p1 $0x0  }
0x9d: {  	s24 =	simm.s32 @p1 $0x2;
	[sflag:s23] =	ssyncadd.s32 @p1 $0xFFFFFF80;
	s23 =	simm.s32 @p1 $0x80  }
0x9e: {  	[tilespmem:s25], [sflag:$0x1] =	stream.indirect.gather @p1 [hbm4b:s4+s23], $0x80, s22, s23, $0xb8;
	[tilespmem:$0x1C200] =	vst v63  }
0x9f: {  	_ =	swait.ge @p1 [sflag:s24], $0x4000  }
0xa0: {  	[sflag:s24] =	ssyncset.done @p1 $0x0  }
0xa1: {  	s22 =	simm.s32 @p1 $0x180;
	[sflag:s24] =	ssyncadd.s32 @p1 $0xFFFFC000;
	s24 =	simm.s32 @p1 $0x4200  }
0xa2: {  	[spmem:s2] =	stream.indirect.scatter.add.f32 @p1 [tilespmem:s24], [sflag:$0x3], $0x80, s22, s23, $0xb8;
	[tilespmem:$0x1C200] =	vst v63  }
0xa3: {  	s25 =	simm.s32 @!p1 $0x4;
	s22 =	simm.s32 @!p1 $0x0;
	s23 =	simm.s32 @!p1 $0x80  }
0xa4: {  	[tilespmem:s23], [sflag:$0x4] =	stream.linear.gather @!p1 [hbm4b:s13+s22], $0x80, $0x38;
	[tilespmem:$0x1C200] =	vst v63  }
0xa5: {  	_ =	swait.ge @!p1 [sflag:s25], $0x80  }
0xa6: {  	[sflag:s25] =	ssyncset.done @!p1 $0x0  }
0xa7: {  	s24 =	simm.s32 @!p1 $0x180;
	[sflag:s25] =	ssyncadd.s32 @!p1 $0xFFFFFF80  }
0xa8: {  	[tilespmem:s24], [sflag:$0x4] =	stream.linear.gather @!p1 [hbm4b:s12+s22], $0x80, $0x38;
	[tilespmem:$0x1C200] =	vst v63  }
0xa9: {  	_ =	swait.ge @!p1 [sflag:s25], $0x80  }
0xaa: {  	[sflag:s25] =	ssyncset.done @!p1 $0x0  }
0xab: {  	s26 =	simm.s32 @!p1 $0x1;
	s22 =	simm.s32 @!p1 $0x4200;
	[sflag:s25] =	ssyncadd.s32 @!p1 $0xFFFFFF80  }
0xac: {  	[tilespmem:s22], [sflag:$0x2] =	stream.indirect.gather @!p1 [hbm4b:s4+s23], $0x80, s23, s23, $0xb8;
	[tilespmem:$0x1C200] =	vst v63  }
0xad: {  	s31 =	simm.s32 $0x1;
	_ =	swait.ge @!p1 [sflag:s26], $0x4000  }
0xae: {  	s28 =	simm.s32 @!p1 $0x200;
	s24 =	simm.s32 $0x2;
	[sflag:s26] =	ssyncset.done @!p1 $0x0  }
0xaf: {  	s25 =	simm.s32 @p1 $0x3;
	[sflag:s26] =	ssyncadd.s32 @!p1 $0xFFFFC000;
	s26 =	simm.s32 @!p1 $0x100  }
0xb0: {  	[spmem:s2] =	stream.indirect.scatter.add.f32 @!p1 [tilespmem:s28], [sflag:$0x4], $0x80, s26, s23, $0xb8;
	[tilespmem:$0x1C200] =	vst v63  }
0xb1: {  	s22 =	sand.u32 $0x1, s31;
	s23 =	sadd.s32 $0x10, s13;
	_ =	swait.ge [sflag:s25], $0x4000  }
0xb2: {  	p1 =	seq.s32 s22, $0x1;
	s22 =	sadd.s32 $0x10, s12;
	[sflag:s25] =	ssyncset.done $0x0  }
.LBB2_3:
0xb3: {  	s28 =	simm.s32 @p1 $0x0;
	s29 =	simm.s32 @p1 $0x4;
	[sflag:s25] =	ssyncadd.s32 $0xFFFFC000  }
0xb4: {  	[tilespmem:s28], [sflag:$0x4] =	stream.linear.gather @p1 [hbm4b:s23+s28], $0x80, $0x38;
	[tilespmem:$0x1C200] =	vst v63  }
0xb5: {  	s26 =	smov.u32 s24;
	s24 =	sadd.s32 $0x1, s24;
	_ =	swait.ge @p1 [sflag:s29], $0x80  }
0xb6: {  	p2 =	seq.s32 s24, $0x9F;
	[sflag:s29] =	ssyncset.done @p1 $0x0  }
0xb7: {  	s25 =	simm.s32 @p1 $0x100;
	[sflag:s29] =	ssyncadd.s32 @p1 $0xFFFFFF80  }
0xb8: {  	[tilespmem:s25], [sflag:$0x4] =	stream.linear.gather @p1 [hbm4b:s22+s28], $0x80, $0x38;
	[tilespmem:$0x1C200] =	vst v63  }
0xb9: {  	_ =	swait.ge @p1 [sflag:s29], $0x80  }
0xba: {  	s25 =	simm.s32 @p1 $0x2;
	[sflag:s29] =	ssyncset.done @p1 $0x0  }
0xbb: {  	s30 =	simm.s32 @p1 $0x200;
	[sflag:s29] =	ssyncadd.s32 @p1 $0xFFFFFF80;
	s29 =	simm.s32 @p1 $0x80  }
0xbc: {  	[tilespmem:s30], [sflag:$0x1] =	stream.indirect.gather @p1 [hbm4b:s4+s29], $0x80, s28, s29, $0xb8;
	[tilespmem:$0x1C200] =	vst v63  }
0xbd: {  	_ =	swait.ge @p1 [sflag:s25], $0x4000  }
0xbe: {  	[sflag:s25] =	ssyncset.done @p1 $0x0  }
0xbf: {  	s28 =	simm.s32 @p1 $0x4200;
	[sflag:s25] =	ssyncadd.s32 @p1 $0xFFFFC000;
	s25 =	simm.s32 @p1 $0x180  }
0xc0: {  	[spmem:s2] =	stream.indirect.scatter.add.f32 @p1 [tilespmem:s28], [sflag:$0x3], $0x80, s25, s29, $0xb8;
	[tilespmem:$0x1C200] =	vst v63  }
0xc1: {  	s28 =	simm.s32 @!p1 $0x0;
	s29 =	simm.s32 @!p1 $0x80;
	s25 =	simm.s32 @!p1 $0x4  }
0xc2: {  	[tilespmem:s29], [sflag:$0x4] =	stream.linear.gather @!p1 [hbm4b:s23+s28], $0x80, $0x38;
	[tilespmem:$0x1C200] =	vst v63  }
0xc3: {  	_ =	swait.ge @!p1 [sflag:s25], $0x80  }
0xc4: {  	[sflag:s25] =	ssyncset.done @!p1 $0x0  }
0xc5: {  	s30 =	simm.s32 @!p1 $0x180;
	[sflag:s25] =	ssyncadd.s32 @!p1 $0xFFFFFF80  }
0xc6: {  	[tilespmem:s30], [sflag:$0x4] =	stream.linear.gather @!p1 [hbm4b:s22+s28], $0x80, $0x38;
	[tilespmem:$0x1C200] =	vst v63  }
0xc7: {  	_ =	swait.ge @!p1 [sflag:s25], $0x80  }
0xc8: {  	[sflag:s25] =	ssyncset.done @!p1 $0x0  }
0xc9: {  	s28 =	simm.s32 @!p1 $0x4200;
	s30 =	simm.s32 @!p1 $0x1;
	[sflag:s25] =	ssyncadd.s32 @!p1 $0xFFFFFF80  }
0xca: {  	[tilespmem:s28], [sflag:$0x2] =	stream.indirect.gather @!p1 [hbm4b:s4+s29], $0x80, s29, s29, $0xb8;
	[tilespmem:$0x1C200] =	vst v63  }
0xcb: {  	_ =	swait.ge @!p1 [sflag:s30], $0x4000  }
.Ltmp5:
0xcc: {  	s28 =	simm.s32 @!p1 $0x200;
	[sflag:s30] =	ssyncset.done @!p1 $0x0;
	(pc) =	sbr.rel @!p2 .LBB2_3-.Ltmp5, $4  }
0xcd: {  	s25 =	simm.s32 @p1 $0x3;
	[sflag:s30] =	ssyncadd.s32 @!p1 $0xFFFFC000;
	s30 =	simm.s32 @!p1 $0x100  }
0xce: {  	[spmem:s2] =	stream.indirect.scatter.add.f32 @!p1 [tilespmem:s28], [sflag:$0x4], $0x80, s30, s29, $0xb8;
	[tilespmem:$0x1C200] =	vst v63  }
0xcf: {  	s26 =	sand.u32 $0x1, s26;
	s23 =	sadd.s32 $0x10, s23;
	_ =	swait.ge [sflag:s25], $0x4000  }
0xd0: {  	s22 =	sadd.s32 $0x10, s22;
	p1 =	seq.s32 s26, $0x1;
	[sflag:s25] =	ssyncset.done $0x0  }
0xd1: {  	s24 =	simm.s32 @p1 $0x0;
	s26 =	simm.s32 @p1 $0x4;
	[sflag:s25] =	ssyncadd.s32 $0xFFFFC000  }
0xd2: {  	[tilespmem:s24], [sflag:$0x4] =	stream.linear.gather @p1 [hbm4b:s23+s24], $0x80, $0x38;
	[tilespmem:$0x1C200] =	vst v63  }
0xd3: {  	_ =	swait.ge @p1 [sflag:s26], $0x80  }
0xd4: {  	[sflag:s26] =	ssyncset.done @p1 $0x0  }
0xd5: {  	s25 =	simm.s32 @p1 $0x100;
	[sflag:s26] =	ssyncadd.s32 @p1 $0xFFFFFF80  }
0xd6: {  	[tilespmem:s25], [sflag:$0x4] =	stream.linear.gather @p1 [hbm4b:s22+s24], $0x80, $0x38;
	[tilespmem:$0x1C200] =	vst v63  }
0xd7: {  	_ =	swait.ge @p1 [sflag:s26], $0x80  }
0xd8: {  	s28 =	simm.s32 @p1 $0x200;
	[sflag:s26] =	ssyncset.done @p1 $0x0  }
0xd9: {  	s25 =	simm.s32 @p1 $0x2;
	[sflag:s26] =	ssyncadd.s32 @p1 $0xFFFFFF80;
	s26 =	simm.s32 @p1 $0x80  }
0xda: {  	[tilespmem:s28], [sflag:$0x1] =	stream.indirect.gather @p1 [hbm4b:s4+s26], $0x80, s24, s26, $0xb8;
	[tilespmem:$0x1C200] =	vst v63  }
0xdb: {  	_ =	swait.ge @p1 [sflag:s25], $0x4000  }
0xdc: {  	[sflag:s25] =	ssyncset.done @p1 $0x0  }
0xdd: {  	s24 =	simm.s32 @p1 $0x180;
	[sflag:s25] =	ssyncadd.s32 @p1 $0xFFFFC000;
	s25 =	simm.s32 @p1 $0x4200  }
0xde: {  	[spmem:s2] =	stream.indirect.scatter.add.f32 @p1 [tilespmem:s25], [sflag:$0x3], $0x80, s24, s26, $0xb8;
	[tilespmem:$0x1C200] =	vst v63  }
0xdf: {  	s24 =	simm.s32 @!p1 $0x0;
	s25 =	simm.s32 @!p1 $0x80;
	s26 =	simm.s32 @!p1 $0x4  }
0xe0: {  	[tilespmem:s25], [sflag:$0x4] =	stream.linear.gather @!p1 [hbm4b:s23+s24], $0x80, $0x38;
	[tilespmem:$0x1C200] =	vst v63  }
0xe1: {  	_ =	swait.ge @!p1 [sflag:s26], $0x80  }
0xe2: {  	[sflag:s26] =	ssyncset.done @!p1 $0x0  }
0xe3: {  	s23 =	simm.s32 @!p1 $0x180;
	[sflag:s26] =	ssyncadd.s32 @!p1 $0xFFFFFF80  }
0xe4: {  	[tilespmem:s23], [sflag:$0x4] =	stream.linear.gather @!p1 [hbm4b:s22+s24], $0x80, $0x38;
	[tilespmem:$0x1C200] =	vst v63  }
0xe5: {  	_ =	swait.ge @!p1 [sflag:s26], $0x80  }
0xe6: {  	[sflag:s26] =	ssyncset.done @!p1 $0x0  }
0xe7: {  	s22 =	simm.s32 @!p1 $0x4200;
	s23 =	simm.s32 @!p1 $0x1;
	[sflag:s26] =	ssyncadd.s32 @!p1 $0xFFFFFF80  }
0xe8: {  	[tilespmem:s22], [sflag:$0x2] =	stream.indirect.gather @!p1 [hbm4b:s4+s25], $0x80, s25, s25, $0xb8;
	[tilespmem:$0x1C200] =	vst v63  }
0xe9: {  	_ =	swait.ge @!p1 [sflag:s23], $0x4000  }
0xea: {  	s26 =	simm.s32 @p1 $0x3;
	s22 =	simm.s32 @!p1 $0x200;
	[sflag:s23] =	ssyncset.done @!p1 $0x0  }
.Ltmp6:
0xeb: {  	[sflag:s23] =	ssyncadd.s32 @!p1 $0xFFFFC000;
	s23 =	simm.s32 @!p1 $0x100;
	(pc) =	sbr.rel .LBB2_8-.Ltmp6, $4  }
0xec: {  	[spmem:s2] =	stream.indirect.scatter.add.f32 @!p1 [tilespmem:s22], [sflag:$0x4], $0x80, s23, s25, $0xb8;
	[tilespmem:$0x1C200] =	vst v63  }
0xed: {  	_ =	swait.ge [sflag:s26], $0x4000  }
0xee: {  	[sflag:s26] =	ssyncset.done $0x0  }
0xef: {  	[sflag:s26] =	ssyncadd.s32 $0xFFFFC000  }
.LBB2_9:
0xf0: {  	_ =	sfence.sel $0x180000  }
0xf1: {  	[bflag:$0x0] =	sbarrier.arrive $0xFFFF  }
0xf2: {  	p0 =	sne.s32 s1, $0x0;
	_ =	strace $0x9000004D  }
0xf3: {  	s0 =	sadd.s32 @!p0 $0x100000, s0;
	[bflag:$0x2] =	sbarrier.arrive $0xFFFF  }
0xf4: {  	[sflag:s0] =	ssyncadd.tile.s32 @!p0 $0x1;
	_ =	shalt  }
.Lfunc_end2:
_tile_overlayer_lowered:
.L_overlay_start_2:
0xf5: {  	(tag) =	ssettag $0x2  }
0xf6: {  	s0 =	rddreg [dreg:$0x0];
	s2 =	stileid.u32  }
0xf7: {  	s1 =	rddreg [dreg:$0x1];
	p0 =	sne.s32 s2, $0x0  }
0xf8: {  	s3 =	rddreg [dreg:$0x2];
	[bflag:$0x3] =	sbarrier.arrive $0xFFFF;
	s2 =	simm.s32 @!p0 $0x1C03  }
0xf9: {  	[timem:s3], [sflag:s2] =	dma.local @!p0 [hbm:s0], s1  }
0xfa: {  	s0 =	simm.s32 @!p0 $0x3  }
0xfb: {  	_ =	swait.ge @!p0 [sflag:s0], s1  }
0xfc: {  	s1 =	ssub.s32 @!p0 $0x0, s1;
	[sflag:s0] =	ssyncset.done @!p0 $0x0  }
0xfd: {  	[sflag:s0] =	ssyncadd.s32 @!p0 s1  }
0xfe: {  	[bflag:$0x3] =	sbarrier.arrive $0xFFFF  }
0xff: {  	_ =	shalt  }

// kernel: kernel.19.cloned.1.call-start
scs
__scs_entry_jumppad:
0x0: {  	(pc) =	sbr.rel $0x88, $3  }
0x1: {  	(tag) =	ssettag $0x0;
	lr =	simm.s32 $0x1  }
0x2: {  	[smem:$0x3F8F] =	sst lr;
	_ =	strace $0xD0000000  }
0x3: {  	_ = 	snop  }
0x4: {  	_ = 	snop  }
0x5: {  	_ = 	snop  }
0x6: {  	_ = 	snop  }
0x7: {  	_ = 	snop  }
__scs_overlays_trampoline_lowered:
0x8: {  	[smem:$0x3F9E] =	sst s0  }
0x9: {  	[smem:$0x3F9F] =	sst s1  }
0xa: {  	[smem:$0x3FA0] =	sst s2  }
0xb: {  	[smem:$0x3FA1] =	sst s3  }
0xc: {  	[smem:$0x3FA2] =	sst s4  }
0xd: {  	[smem:$0x3FA3] =	sst s5  }
0xe: {  	[smem:$0x3FA4] =	sst s6  }
0xf: {  	[smem:$0x3FA5] =	sst s7  }
0x10: {  	[smem:$0x3FA6] =	sst s8  }
0x11: {  	[smem:$0x3FA7] =	sst s9;
	s0 =	simm.s32 @!p0 $0x0  }
0x12: {  	s1 =	sld [smem:$0x3F8D];
	s0 =	simm.s32 @p0 $0x1  }
0x13: {  	[smem:$0x3FA8] =	sst s0;
	s0 =	simm.s32 @!p1 $0x0  }
0x14: {  	s2 =	sld [smem:$0x3F8C];
	s0 =	simm.s32 @p1 $0x1  }
0x15: {  	[smem:$0x3FA9] =	sst s0;
	s0 =	simm.s32 @!p2 $0x0  }
0x16: {  	s3 =	sld [smem:$0x3FDB];
	s0 =	simm.s32 @p2 $0x1  }
0x17: {  	s4 =	simm.s32 $0x1BF5;
	[smem:$0x3FAB] =	sst s0  }
0x18: {  	s0 =	sld [smem:$0x3F8E];
	_ =	swait.ge [sflag:s4], $0x0  }
0x19: {  	s7 =	sld [smem:$0x3F8F]  }
0x1a: {  	s8 =	sadd.s32 $0xFFFFE003, lr  }
0x1b: {  	s9 =	sadd.s32 $0xFFFFFEF7, lr;
	s5 =	simm.s32 $0xFFFFFFFF;
	p2 =	slt.u32 s8, $0xFFFFF086  }
0x1c: {  	p1 =	slt.u32 s9, $0xF7A;
	s5 =	simm.s32 @!p2 $0x0  }
0x1d: {  	s5 =	simm.s32 @p1 $0x1;
	p0 =	seq.s32 s7, s2  }
0x1e: {  	s7 =	smul.u32 @!p0 $0xF7A, s2;
	p2 =	seq.s32 @!p0 s5, $0x0  }
0x1f: {  	s9 =	smul.u32 $0xF7A, s1;
	s8 =	simm.s32 @!p0 $0x1BF5;
	p2 =	por !p2, p0  }
0x20: {  	[sflag:s8] =	ssyncset.s32 @!p0 $0xFFFFF086;
	s6 =	sadd.s32 @!p0 s3, s7;
	s7 =	simm.s32 @!p0 $0x108  }
0x21: {  	s3 =	sadd.s32 s3, s9;
	s6 =	sadd.s32 @!p0 $0x88, s6;
	s7 =	simm.s32 @p2 $0x1082  }
0x22: {  	[simem:s7], [sflag:s8] =	dma.local @!p0 [hbm:s6], $0xF7A  }
0x23: {  	s9 =	sor.u32 $0xD0000000, s2;
	s6 =	simm.s32 $0x108;
	_ =	swait.ge @!p0 [sflag:s8], $0x0  }
0x24: {  	s3 =	sadd.s32 $0x88, s3;
	s6 =	simm.s32 @!p1 $0x1082;
	[sflag:s4] =	ssyncset.s32 $0xFFFFF086  }
0x25: {  	[simem:s6], [sflag:s4] =	dma.local [hbm:s3], $0xF7A  }
0x26: {  	[smem:$0x3F8F] =	sst s1;
	(tag) =	ssettag s2;
	_ =	strace s9  }
0x27: {  	s1 =	sld [smem:$0x3F9F]  }
0x28: {  	s2 =	sld [smem:$0x3FA0]  }
0x29: {  	s4 =	sld [smem:$0x3FA2]  }
0x2a: {  	p0 =	seq.s32 s5, $0x0;
	s5 =	sld [smem:$0x3FA3]  }
0x2b: {  	s6 =	sld [smem:$0x3FA4]  }
0x2c: {  	s7 =	sld [smem:$0x3FA5]  }
0x2d: {  	s3 =	simm.s32 $0x108;
	s8 =	sld [smem:$0x3FA6]  }
0x2e: {  	s3 =	simm.s32 @!p0 $0x1082;
	s9 =	sld [smem:$0x3FA7]  }
0x2f: {  	lr =	sadd.s32 s0, s3;
	s0 =	sld [smem:$0x3F9E]  }
0x30: {  	s3 =	sld [smem:$0x3FA1]  }
0x31: {  	[smem:$0x3FAA] =	sst s10  }
0x32: {  	s10 =	sld [smem:$0x3FA8];
	_ =	sdelay $0x3  }
0x33: {  	p0 =	seq.s32 s10, $0x1;
	s10 =	sld [smem:$0x3FAA];
	_ =	sdelay $0x3  }
0x34: {  	[smem:$0x3FAA] =	sst s10  }
0x35: {  	s10 =	sld [smem:$0x3FA9];
	_ =	sdelay $0x3  }
0x36: {  	p1 =	seq.s32 s10, $0x1;
	s10 =	sld [smem:$0x3FAA];
	_ =	sdelay $0x3  }
0x37: {  	[smem:$0x3FAA] =	sst s10  }
0x38: {  	s10 =	sld [smem:$0x3FAB]  }
0x39: {  	_ = 	snop;
	(pc) =	sbr.ind lr, $3  }
0x3a: {  	_ = 	snop  }
0x3b: {  	_ = 	snop  }
0x3c: {  	p2 =	seq.s32 s10, $0x1;
	s10 =	sld [smem:$0x3FAA]  }
0x3d: {  	_ =	shalt  }
0x3e: {  	_ =	shalt  }
0x3f: {  	_ =	shalt  }
0x40: {  	_ =	shalt  }
0x41: {  	_ =	shalt  }
0x42: {  	_ =	shalt  }
0x43: {  	_ =	shalt  }
0x44: {  	_ =	shalt  }
0x45: {  	_ =	shalt  }
0x46: {  	_ =	shalt  }
0x47: {  	_ =	shalt  }
0x48: {  	_ =	shalt  }
0x49: {  	_ =	shalt  }
0x4a: {  	_ =	shalt  }
0x4b: {  	_ =	shalt  }
0x4c: {  	_ =	shalt  }
0x4d: {  	_ =	shalt  }
0x4e: {  	_ =	shalt  }
0x4f: {  	_ =	shalt  }
0x50: {  	_ =	shalt  }
0x51: {  	_ =	shalt  }
0x52: {  	_ =	shalt  }
0x53: {  	_ =	shalt  }
0x54: {  	_ =	shalt  }
0x55: {  	_ =	shalt  }
0x56: {  	_ =	shalt  }
0x57: {  	_ =	shalt  }
0x58: {  	_ =	shalt  }
0x59: {  	_ =	shalt  }
0x5a: {  	_ =	shalt  }
0x5b: {  	_ =	shalt  }
0x5c: {  	_ =	shalt  }
0x5d: {  	_ =	shalt  }
0x5e: {  	_ =	shalt  }
0x5f: {  	_ =	shalt  }
0x60: {  	_ =	shalt  }
0x61: {  	_ =	shalt  }
0x62: {  	_ =	shalt  }
0x63: {  	_ =	shalt  }
0x64: {  	_ =	shalt  }
0x65: {  	_ =	shalt  }
0x66: {  	_ =	shalt  }
0x67: {  	_ =	shalt  }
0x68: {  	_ =	shalt  }
0x69: {  	_ =	shalt  }
0x6a: {  	_ =	shalt  }
0x6b: {  	_ =	shalt  }
0x6c: {  	_ =	shalt  }
0x6d: {  	_ =	shalt  }
0x6e: {  	_ =	shalt  }
0x6f: {  	_ =	shalt  }
0x70: {  	_ =	shalt  }
0x71: {  	_ =	shalt  }
0x72: {  	_ =	shalt  }
0x73: {  	_ =	shalt  }
0x74: {  	_ =	shalt  }
0x75: {  	_ =	shalt  }
0x76: {  	_ =	shalt  }
0x77: {  	_ =	shalt  }
0x78: {  	_ =	shalt  }
0x79: {  	_ =	shalt  }
0x7a: {  	_ =	shalt  }
0x7b: {  	_ =	shalt  }
0x7c: {  	_ =	shalt  }
0x7d: {  	_ =	shalt  }
0x7e: {  	_ =	shalt  }
0x7f: {  	_ =	shalt  }
0x80: {  	_ =	shalt  }
0x81: {  	_ =	shalt  }
0x82: {  	_ =	shalt  }
0x83: {  	_ =	shalt  }
0x84: {  	_ =	shalt  }
0x85: {  	_ =	shalt  }
0x86: {  	_ =	shalt  }
0x87: {  	_ =	shalt  }
.Lfunc_end0:
.L_simem_size_0:
called_computation.3_lowered:
.L_overlay_start_0:
0x88: {  	s2 =	sld [smem:$0x3FD9]  }
0x89: {  	s3 =	sld [smem:$0x3FFE];
	_ =	sdelay $0x1  }
0x8a: {  	s1 =	srdreg.scid  }
0x8b: {  	s0 =	sand.u32 $0x1, s1  }
0x8c: {  	s16 =	sshll.u32 s0, $0xA;
	s2 =	sadd.s32 s3, s2  }
0x8d: {  	s2 =	sadd.s32 s2, s16  }
0x8e: {  	[smem:$0x3FB6] =	sst s2  }
0x8f: {  	_ = 	snop  }
0x90: {  	(tm) =	ssettm $0x1  }
0x91: {  	s17 =	sld [smem:$0x3FFB];
	_ =	sdelay $0x3  }
0x92: {  	_ =	strace s17  }
0x93: {  	s2 =	sld [smem:$0x3FFC];
	_ =	sdelay $0x3  }
0x94: {  	_ =	strace s2  }
0x95: {  	s2 =	sld [smem:$0x3FFD];
	_ =	sdelay $0x3  }
0x96: {  	_ =	strace s2  }
0x97: {  	_ =	strace $0x8FFFFFFF  }
0x98: {  	s18 =	sld [smem:$0x3FDB];
	_ =	sdelay $0x1  }
0x99: {  	s19 =	simm.s32 $_scs_section_size  }
0x9a: {  	s4 =	simm.s32 $_size__tile_overlayer_lowered;
	s5 =	simm.s32 $_tile_overlayer_lowered  }
0x9b: {  	s22 =	simm.s32 $0x1BFF;
	s21 =	sshll.u32 s5, $0x1;
	s2 =	sadd.s32 s19, s18  }
0x9c: {  	s6 =	simm.s32 $0x0;
	s20 =	sshll.u32 s4, $0x1;
	s4 =	sadd.s32 s21, s2  }
0x9d: {  	[timem:s6], [sflag:s22] =	dma.local [hbm:s4], s20  }
0x9e: {  	_ =	swait.ge [sflag:s22], s20  }
0x9f: {  	s3 =	ssub.s32 $0x0, s20;
	[sflag:s22] =	ssyncset.done $0x0  }
0xa0: {  	[sflag:s22] =	ssyncadd.s32 s3;
	_ =	sdelay $0x1  }
0xa1: {  	s23 =	simm.s32 $0x1B8B  }
0xa2: {  	_ =	swait.ge [sflag:s23], $0x1  }
0xa3: {  	[sflag:s23] =	ssyncset.done $0x0  }
0xa4: {  	s25 =	simm.s32 $0x1B8E;
	s24 =	sld [smem:$0x3FFE];
	[sflag:s23] =	ssyncadd.s32 $0xFFFFFFFF  }
0xa5: {  	s26 =	simm.s32 $execute0_lowered;
	[smem:$0x3FD2] =	sst s25  }
0xa6: {  	s4 =	sshll.u32 s26, $0x1;
	_ =	strace $0x8000004F;
	[dreg:$0x1] =	wrdreg $0xFFFFFFFF  }
0xa7: {  	s28 =	simm.s32 $_size_execute0_lowered;
	s2 =	sadd.s32 s2, s4;
	[dreg:$0x0] =	wrdreg $0x0  }
0xa8: {  	s4 =	sshll.u32 s28, $0x1;
	[dreg:$0x2] =	wrdreg s2  }
0xa9: {  	[dreg:$0x3] =	wrdreg s4  }
0xaa: {  	[dreg:$0x4] =	wrdreg $0xC0  }
0xab: {  	_ =	task [dreg:s6], $0x5FFFF  }
0xac: {  	[dreg:$0x1] =	wrdreg $0xFFFFFFFF  }
0xad: {  	[dreg:$0x0] =	wrdreg $0x60  }
0xae: {  	[dreg:$0x2] =	wrdreg s24  }
0xaf: {  	[dreg:$0x3] =	wrdreg $0x82000  }
0xb0: {  	[dreg:$0x4] =	wrdreg $0x9  }
0xb1: {  	_ =	task.clear_ibuf [dreg:s6], $0x5FFFF;
	_ =	strace $0x9000004F  }
0xb2: {  	s29 =	simm.s32 $0x9;
	_ =	strace $0x80000051  }
0xb3: {  	_ =	swait.ge [sflag:s29], $0x1  }
0xb4: {  	[sflag:s29] =	ssyncadd.s32 $0xFFFFFFFF  }
0xb5: {  	_ =	strace $0x90000051  }
0xb6: {  	_ =	sfence  }
0xb7: {  	s30 =	sld [smem:$0x0];
	_ =	sdelay $0x2  }
0xb8: {  	s31 =	sshll.u32 s1, $0xD;
	s1 =	sshrl.u32 s1, $0x2  }
0xb9: {  	s3 =	sand.u32 $0x4000, s31;
	s1 =	sadd.s32 s1, s30  }
0xba: {  	s0 =	sor.u32 s3, s0;
	s1 =	sshll.u32 s1, $0x11  }
0xbb: {  	s0 =	sor.u32 s1, s0  }
0xbc: {  	s0 =	sadd.s32 $0x8F2B, s0  }
0xbd: {  	[sflag:s0] =	ssyncadd.remote.s32 $0x1  }
0xbe: {  	_ =	sfence.sel $0xFFFF  }
0xbf: {  	[dreg:$0x0] =	wrdreg $0xFFFFFFFF;
	(pc) =	sbr.abs _section_cstart, $3  }
0xc0: {  	[dreg:$0x1] =	wrdreg $0xFFFFFFFF  }
0xc1: {  	_ =	task.clear_ibuf [dreg:s6], $0x2FFFF;
	_ =	strace $0x9FFFFFFF  }
0xc2: {  	(tm) =	ssettm $0x7FFFFFFF  }
0xc3: {  	_ =	shalt  }
tec
execute0_lowered:
.L_overlay_start_1:
0x0: {  	(tag) =	ssettag $0x1  }
0x1: {  	s5 =	rddreg [dreg:$0x0]  }
0x2: {  	s2 =	rddreg [dreg:$0x1]  }
0x3: {  	s0 =	rddreg [dreg:$0x2];
	s3 =	simm.s32 $0x0  }
0x4: {  	s1 =	stileid.u32;
	s4 =	srdreg.scid;
	s16 =	simm.s32 $0x80  }
0x5: {  	s17 =	simm.s32 $0x200;
	s18 =	simm.s32 $0x2;
	s19 =	simm.s32 $0x180  }
0x6: {  	s20 =	simm.s32 $0x4200;
	s21 =	simm.s32 $0x0;
	[smem:$0x7FF] =	sst s3  }
0x7: {  	s6 =	smul.u32 $0x14000, s1;
	s7 =	sand.u32 $0x1, s4;
	s4 =	sadd.s32 $0x18C00, s5  }
0x8: {  	s12 =	sadd.s32 $0xEC00, s5;
	s11 =	sadd.s32 $0x4C00, s5;
	s24 =	smul.u32 $0x50000, s1  }
0x9: {  	s10 =	sshll.u32 s1, $0x1;
	s26 =	smul.u32 $0x5000, s1;
	s28 =	sshll.u32 s1, $0x6  }
0xa: {  	_ =	strace $0x80000050;
	s8 =	smul.u32 $0x140000, s7;
	s10 =	sor.u32 s7, s10  }
0xb: {  	s25 =	ssub.s32 $0x2, s7;
	s7 =	smul.u32 $0x2800, s7;
	s9 =	sshrl.u32 s6, $0x3  }
0xc: {  	s10 =	smul.u32 $0x2800, s10;
	s14 =	sshrl.u32 s25, $0x1;
	s6 =	sadd.s32 s6, s8  }
0xd: {  	s9 =	sadd.s32 s9, s5;
	s8 =	sshrl.u32 s24, $0x2;
	s14 =	ssub.s32 s25, s14  }
0xe: {  	s30 =	sadd.s32 s7, s26;
	s6 =	sshrl.u32 s6, $0x3;
	s15 =	sadd.s32 s8, s2  }
0xf: {  	s29 =	sshrl.u32 s10, $0x3;
	s10 =	sor.u32 $0x80, s30;
	s13 =	sadd.s32 s6, s5  }
0x10: {  	s5 =	sadd.s32 $0x68C00, s9;
	s6 =	sor.u32 $0x1C03, s28;
	s7 =	sadd.s32 s12, s29  }
0x11: {  	s8 =	sadd.s32 s11, s29;
	s31 =	sshrl.u32 s10, $0x3;
	s10 =	smax.u32 s14, $0x1  }
0x12: {  	s14 =	simm.s32 $0x3;
	s9 =	sadd.s32 $0x130C00, s13;
	s11 =	sadd.s32 s31, s11  }
0x13: {  	s12 =	sadd.s32 s31, s12;
	s13 =	sshrl.u32 s15, $0x3;
	s15 =	simm.s32 $0x100  }
.LBB2_1:
0x14: {  	[spmem:s13], [sflag:s6] =	dma.local [hbm:s5], $0x2800  }
0x15: {  	_ =	swait.ge [sflag:s14], $0x2800  }
0x16: {  	[sflag:s14] =	ssyncset.done $0x0  }
0x17: {  	[sflag:s14] =	ssyncadd.s32 $0xFFFFD800  }
0x18: {  	[bflag:$0x0] =	sbarrier.arrive $0xFFFF  }
0x19: {  	[tilespmem:s3], [sflag:$0x3] =	stream.linear.gather [hbm4b:s7+s3], $0x80, $0x38;
	[tilespmem:$0x1C200] =	vst v63  }
0x1a: {  	_ =	swait.ge [sflag:s14], $0x80  }
0x1b: {  	[sflag:s14] =	ssyncset.done $0x0  }
0x1c: {  	[sflag:s14] =	ssyncadd.s32 $0xFFFFFF80  }
0x1d: {  	[tilespmem:s15], [sflag:$0x3] =	stream.linear.gather [hbm4b:s8+s3], $0x80, $0x38;
	[tilespmem:$0x1C200] =	vst v63  }
0x1e: {  	_ =	swait.ge [sflag:s14], $0x80  }
0x1f: {  	s22 =	sand.u32 $0x1, s3;
	[sflag:s14] =	ssyncset.done $0x0  }
0x20: {  	p0 =	seq.s32 s22, $0x1;
	[sflag:s14] =	ssyncadd.s32 $0xFFFFFF80  }
0x21: {  	[tilespmem:s17], [sflag:$0x1] =	stream.indirect.gather [hbm4b:s4+s16], $0x80, s3, s16, $0xb8;
	[tilespmem:$0x1C200] =	vst v63  }
0x22: {  	s22 =	simm.s32 @p0 $0x0;
	s23 =	simm.s32 @p0 $0x4  }
0x23: {  	[tilespmem:s22], [sflag:$0x4] =	stream.linear.gather @p0 [hbm4b:s12+s22], $0x80, $0x38;
	[tilespmem:$0x1C200] =	vst v63  }
0x24: {  	_ =	swait.ge @p0 [sflag:s23], $0x80  }
0x25: {  	[sflag:s23] =	ssyncset.done @p0 $0x0  }
0x26: {  	s24 =	simm.s32 @p0 $0x100;
	[sflag:s23] =	ssyncadd.s32 @p0 $0xFFFFFF80  }
0x27: {  	[tilespmem:s24], [sflag:$0x4] =	stream.linear.gather @p0 [hbm4b:s11+s22], $0x80, $0x38;
	[tilespmem:$0x1C200] =	vst v63  }
0x28: {  	_ =	swait.ge @p0 [sflag:s23], $0x80  }
0x29: {  	s25 =	simm.s32 @p0 $0x200;
	[sflag:s23] =	ssyncset.done @p0 $0x0  }
0x2a: {  	s24 =	simm.s32 @p0 $0x2;
	[sflag:s23] =	ssyncadd.s32 @p0 $0xFFFFFF80;
	s23 =	simm.s32 @p0 $0x80  }
0x2b: {  	[tilespmem:s25], [sflag:$0x1] =	stream.indirect.gather @p0 [hbm4b:s4+s23], $0x80, s22, s23, $0xb8;
	[tilespmem:$0x1C200] =	vst v63  }
0x2c: {  	_ =	swait.ge @p0 [sflag:s24], $0x4000  }
0x2d: {  	[sflag:s24] =	ssyncset.done @p0 $0x0  }
0x2e: {  	s22 =	simm.s32 @p0 $0x180;
	[sflag:s24] =	ssyncadd.s32 @p0 $0xFFFFC000;
	s24 =	simm.s32 @p0 $0x4200  }
0x2f: {  	[spmem:s2] =	stream.indirect.scatter.add.f32 @p0 [tilespmem:s24], [sflag:$0x3], $0x80, s22, s23, $0xb8;
	[tilespmem:$0x1C200] =	vst v63  }
0x30: {  	s25 =	simm.s32 @!p0 $0x4;
	s22 =	simm.s32 @!p0 $0x0;
	s23 =	simm.s32 @!p0 $0x80  }
0x31: {  	[tilespmem:s23], [sflag:$0x4] =	stream.linear.gather @!p0 [hbm4b:s12+s22], $0x80, $0x38;
	[tilespmem:$0x1C200] =	vst v63  }
0x32: {  	_ =	swait.ge @!p0 [sflag:s25], $0x80  }
0x33: {  	[sflag:s25] =	ssyncset.done @!p0 $0x0  }
0x34: {  	s24 =	simm.s32 @!p0 $0x180;
	[sflag:s25] =	ssyncadd.s32 @!p0 $0xFFFFFF80  }
0x35: {  	[tilespmem:s24], [sflag:$0x4] =	stream.linear.gather @!p0 [hbm4b:s11+s22], $0x80, $0x38;
	[tilespmem:$0x1C200] =	vst v63  }
0x36: {  	_ =	swait.ge @!p0 [sflag:s25], $0x80  }
0x37: {  	[sflag:s25] =	ssyncset.done @!p0 $0x0  }
0x38: {  	s26 =	simm.s32 @!p0 $0x1;
	s22 =	simm.s32 @!p0 $0x4200;
	[sflag:s25] =	ssyncadd.s32 @!p0 $0xFFFFFF80  }
0x39: {  	[tilespmem:s22], [sflag:$0x2] =	stream.indirect.gather @!p0 [hbm4b:s4+s23], $0x80, s23, s23, $0xb8;
	[tilespmem:$0x1C200] =	vst v63  }
0x3a: {  	s31 =	simm.s32 $0x1;
	_ =	swait.ge @!p0 [sflag:s26], $0x4000  }
0x3b: {  	s28 =	simm.s32 @!p0 $0x200;
	s24 =	simm.s32 $0x2;
	[sflag:s26] =	ssyncset.done @!p0 $0x0  }
0x3c: {  	s25 =	simm.s32 @p0 $0x3;
	[sflag:s26] =	ssyncadd.s32 @!p0 $0xFFFFC000;
	s26 =	simm.s32 @!p0 $0x100  }
0x3d: {  	[spmem:s2] =	stream.indirect.scatter.add.f32 @!p0 [tilespmem:s28], [sflag:$0x4], $0x80, s26, s23, $0xb8;
	[tilespmem:$0x1C200] =	vst v63  }
0x3e: {  	s22 =	sand.u32 $0x1, s31;
	s23 =	sadd.s32 $0x10, s12;
	_ =	swait.ge [sflag:s25], $0x4000  }
0x3f: {  	p0 =	seq.s32 s22, $0x1;
	s22 =	sadd.s32 $0x10, s11;
	[sflag:s25] =	ssyncset.done $0x0  }
.LBB2_2:
0x40: {  	s28 =	simm.s32 @p0 $0x0;
	s29 =	simm.s32 @p0 $0x4;
	[sflag:s25] =	ssyncadd.s32 $0xFFFFC000  }
0x41: {  	[tilespmem:s28], [sflag:$0x4] =	stream.linear.gather @p0 [hbm4b:s23+s28], $0x80, $0x38;
	[tilespmem:$0x1C200] =	vst v63  }
0x42: {  	s26 =	smov.u32 s24;
	s24 =	sadd.s32 $0x1, s24;
	_ =	swait.ge @p0 [sflag:s29], $0x80  }
0x43: {  	p1 =	sne.s32 s24, $0x4F;
	[sflag:s29] =	ssyncset.done @p0 $0x0  }
0x44: {  	s25 =	simm.s32 @p0 $0x100;
	[sflag:s29] =	ssyncadd.s32 @p0 $0xFFFFFF80  }
0x45: {  	[tilespmem:s25], [sflag:$0x4] =	stream.linear.gather @p0 [hbm4b:s22+s28], $0x80, $0x38;
	[tilespmem:$0x1C200] =	vst v63  }
0x46: {  	_ =	swait.ge @p0 [sflag:s29], $0x80  }
0x47: {  	s25 =	simm.s32 @p0 $0x2;
	[sflag:s29] =	ssyncset.done @p0 $0x0  }
0x48: {  	s30 =	simm.s32 @p0 $0x200;
	[sflag:s29] =	ssyncadd.s32 @p0 $0xFFFFFF80;
	s29 =	simm.s32 @p0 $0x80  }
0x49: {  	[tilespmem:s30], [sflag:$0x1] =	stream.indirect.gather @p0 [hbm4b:s4+s29], $0x80, s28, s29, $0xb8;
	[tilespmem:$0x1C200] =	vst v63  }
0x4a: {  	_ =	swait.ge @p0 [sflag:s25], $0x4000  }
0x4b: {  	[sflag:s25] =	ssyncset.done @p0 $0x0  }
0x4c: {  	s28 =	simm.s32 @p0 $0x4200;
	[sflag:s25] =	ssyncadd.s32 @p0 $0xFFFFC000;
	s25 =	simm.s32 @p0 $0x180  }
0x4d: {  	[spmem:s2] =	stream.indirect.scatter.add.f32 @p0 [tilespmem:s28], [sflag:$0x3], $0x80, s25, s29, $0xb8;
	[tilespmem:$0x1C200] =	vst v63  }
0x4e: {  	s28 =	simm.s32 @!p0 $0x0;
	s29 =	simm.s32 @!p0 $0x80;
	s25 =	simm.s32 @!p0 $0x4  }
0x4f: {  	[tilespmem:s29], [sflag:$0x4] =	stream.linear.gather @!p0 [hbm4b:s23+s28], $0x80, $0x38;
	[tilespmem:$0x1C200] =	vst v63  }
0x50: {  	_ =	swait.ge @!p0 [sflag:s25], $0x80  }
0x51: {  	[sflag:s25] =	ssyncset.done @!p0 $0x0  }
0x52: {  	s30 =	simm.s32 @!p0 $0x180;
	[sflag:s25] =	ssyncadd.s32 @!p0 $0xFFFFFF80  }
0x53: {  	[tilespmem:s30], [sflag:$0x4] =	stream.linear.gather @!p0 [hbm4b:s22+s28], $0x80, $0x38;
	[tilespmem:$0x1C200] =	vst v63  }
0x54: {  	_ =	swait.ge @!p0 [sflag:s25], $0x80  }
0x55: {  	[sflag:s25] =	ssyncset.done @!p0 $0x0  }
0x56: {  	s28 =	simm.s32 @!p0 $0x4200;
	s30 =	simm.s32 @!p0 $0x1;
	[sflag:s25] =	ssyncadd.s32 @!p0 $0xFFFFFF80  }
0x57: {  	[tilespmem:s28], [sflag:$0x2] =	stream.indirect.gather @!p0 [hbm4b:s4+s29], $0x80, s29, s29, $0xb8;
	[tilespmem:$0x1C200] =	vst v63  }
0x58: {  	_ =	swait.ge @!p0 [sflag:s30], $0x4000  }
.Ltmp0:
0x59: {  	s28 =	simm.s32 @!p0 $0x200;
	[sflag:s30] =	ssyncset.done @!p0 $0x0;
	(pc) =	sbr.rel @p1 .LBB2_2-.Ltmp0, $4  }
0x5a: {  	s25 =	simm.s32 @p0 $0x3;
	[sflag:s30] =	ssyncadd.s32 @!p0 $0xFFFFC000;
	s30 =	simm.s32 @!p0 $0x100  }
0x5b: {  	[spmem:s2] =	stream.indirect.scatter.add.f32 @!p0 [tilespmem:s28], [sflag:$0x4], $0x80, s30, s29, $0xb8;
	[tilespmem:$0x1C200] =	vst v63  }
0x5c: {  	s26 =	sand.u32 $0x1, s26;
	s23 =	sadd.s32 $0x10, s23;
	_ =	swait.ge [sflag:s25], $0x4000  }
0x5d: {  	s22 =	sadd.s32 $0x10, s22;
	p0 =	seq.s32 s26, $0x1;
	[sflag:s25] =	ssyncset.done $0x0  }
0x5e: {  	s24 =	simm.s32 @p0 $0x0;
	s26 =	simm.s32 @p0 $0x4;
	[sflag:s25] =	ssyncadd.s32 $0xFFFFC000  }
0x5f: {  	[tilespmem:s24], [sflag:$0x4] =	stream.linear.gather @p0 [hbm4b:s23+s24], $0x80, $0x38;
	[tilespmem:$0x1C200] =	vst v63  }
0x60: {  	_ =	swait.ge @p0 [sflag:s26], $0x80  }
0x61: {  	[sflag:s26] =	ssyncset.done @p0 $0x0  }
0x62: {  	s25 =	simm.s32 @p0 $0x100;
	[sflag:s26] =	ssyncadd.s32 @p0 $0xFFFFFF80  }
0x63: {  	[tilespmem:s25], [sflag:$0x4] =	stream.linear.gather @p0 [hbm4b:s22+s24], $0x80, $0x38;
	[tilespmem:$0x1C200] =	vst v63  }
0x64: {  	_ =	swait.ge @p0 [sflag:s26], $0x80  }
0x65: {  	s28 =	simm.s32 @p0 $0x200;
	[sflag:s26] =	ssyncset.done @p0 $0x0  }
0x66: {  	s25 =	simm.s32 @p0 $0x2;
	[sflag:s26] =	ssyncadd.s32 @p0 $0xFFFFFF80;
	s26 =	simm.s32 @p0 $0x80  }
0x67: {  	[tilespmem:s28], [sflag:$0x1] =	stream.indirect.gather @p0 [hbm4b:s4+s26], $0x80, s24, s26, $0xb8;
	[tilespmem:$0x1C200] =	vst v63  }
0x68: {  	_ =	swait.ge @p0 [sflag:s25], $0x4000  }
0x69: {  	[sflag:s25] =	ssyncset.done @p0 $0x0  }
0x6a: {  	s24 =	simm.s32 @p0 $0x180;
	[sflag:s25] =	ssyncadd.s32 @p0 $0xFFFFC000;
	s25 =	simm.s32 @p0 $0x4200  }
0x6b: {  	[spmem:s2] =	stream.indirect.scatter.add.f32 @p0 [tilespmem:s25], [sflag:$0x3], $0x80, s24, s26, $0xb8;
	[tilespmem:$0x1C200] =	vst v63  }
0x6c: {  	s24 =	simm.s32 @!p0 $0x0;
	s25 =	simm.s32 @!p0 $0x80;
	s26 =	simm.s32 @!p0 $0x4  }
0x6d: {  	[tilespmem:s25], [sflag:$0x4] =	stream.linear.gather @!p0 [hbm4b:s23+s24], $0x80, $0x38;
	[tilespmem:$0x1C200] =	vst v63  }
0x6e: {  	_ =	swait.ge @!p0 [sflag:s26], $0x80  }
0x6f: {  	[sflag:s26] =	ssyncset.done @!p0 $0x0  }
0x70: {  	s23 =	simm.s32 @!p0 $0x180;
	[sflag:s26] =	ssyncadd.s32 @!p0 $0xFFFFFF80  }
0x71: {  	[tilespmem:s23], [sflag:$0x4] =	stream.linear.gather @!p0 [hbm4b:s22+s24], $0x80, $0x38;
	[tilespmem:$0x1C200] =	vst v63  }
0x72: {  	_ =	swait.ge @!p0 [sflag:s26], $0x80  }
0x73: {  	[sflag:s26] =	ssyncset.done @!p0 $0x0  }
0x74: {  	s22 =	simm.s32 @!p0 $0x4200;
	s23 =	simm.s32 @!p0 $0x1;
	[sflag:s26] =	ssyncadd.s32 @!p0 $0xFFFFFF80  }
0x75: {  	[tilespmem:s22], [sflag:$0x2] =	stream.indirect.gather @!p0 [hbm4b:s4+s25], $0x80, s25, s25, $0xb8;
	[tilespmem:$0x1C200] =	vst v63  }
0x76: {  	_ =	swait.ge @!p0 [sflag:s23], $0x4000  }
0x77: {  	s26 =	simm.s32 @p0 $0x3;
	[sflag:s23] =	ssyncset.done @!p0 $0x0  }
0x78: {  	s22 =	simm.s32 @!p0 $0x200;
	[sflag:s23] =	ssyncadd.s32 @!p0 $0xFFFFC000;
	s23 =	simm.s32 @!p0 $0x100  }
0x79: {  	[spmem:s2] =	stream.indirect.scatter.add.f32 @!p0 [tilespmem:s22], [sflag:$0x4], $0x80, s23, s25, $0xb8;
	[tilespmem:$0x1C200] =	vst v63  }
0x7a: {  	_ =	swait.ge [sflag:s26], $0x4000  }
0x7b: {  	[sflag:s26] =	ssyncset.done $0x0  }
0x7c: {  	[sflag:s26] =	ssyncadd.s32 $0xFFFFC000  }
0x7d: {  	_ =	swait.ge [sflag:s18], $0x4000  }
0x7e: {  	[sflag:s18] =	ssyncset.done $0x0  }
0x7f: {  	[sflag:s18] =	ssyncadd.s32 $0xFFFFC000  }
0x80: {  	[spmem:s2] =	stream.indirect.scatter.add.f32 [tilespmem:s20], [sflag:$0x3], $0x80, s19, s16, $0xb8;
	[tilespmem:$0x1C200] =	vst v63  }
0x81: {  	_ =	swait.ge [sflag:s14], $0x4000  }
0x82: {  	s21 =	sadd.s32 $0x1, s21;
	[sflag:s14] =	ssyncset.done $0x0  }
0x83: {  	p0 =	sne.s32 s21, s10;
	[sflag:s14] =	ssyncadd.s32 $0xFFFFC000  }
.Ltmp1:
0x84: {  	[bflag:$0x0] =	sbarrier.arrive $0xFFFF;
	(pc) =	sbr.rel @p0 .LBB2_1-.Ltmp1, $4  }
0x85: {  	[hbm:s9], [sflag:s6] =	dma.local [spmem:s13], $0x2800  }
0x86: {  	_ =	swait.ge [sflag:s14], $0x2800  }
0x87: {  	[sflag:s14] =	ssyncset.done $0x0  }
0x88: {  	[sflag:s14] =	ssyncadd.s32 $0xFFFFD800  }
0x89: {  	_ =	sfence.sel $0x180000  }
0x8a: {  	[bflag:$0x0] =	sbarrier.arrive $0xFFFF  }
0x8b: {  	p0 =	sne.s32 s1, $0x0;
	_ =	strace $0x90000050  }
0x8c: {  	s0 =	sadd.s32 @!p0 $0x100000, s0;
	[bflag:$0x2] =	sbarrier.arrive $0xFFFF  }
0x8d: {  	[sflag:s0] =	ssyncadd.tile.s32 @!p0 $0x1;
	_ =	shalt  }
.Lfunc_end2:
_tile_overlayer_lowered:
.L_overlay_start_2:
0x8e: {  	(tag) =	ssettag $0x2  }
0x8f: {  	s0 =	rddreg [dreg:$0x0];
	s2 =	stileid.u32  }
0x90: {  	s1 =	rddreg [dreg:$0x1];
	p0 =	sne.s32 s2, $0x0  }
0x91: {  	s3 =	rddreg [dreg:$0x2];
	[bflag:$0x3] =	sbarrier.arrive $0xFFFF;
	s2 =	simm.s32 @!p0 $0x1C03  }
0x92: {  	[timem:s3], [sflag:s2] =	dma.local @!p0 [hbm:s0], s1  }
0x93: {  	s0 =	simm.s32 @!p0 $0x3  }
0x94: {  	_ =	swait.ge @!p0 [sflag:s0], s1  }
0x95: {  	s1 =	ssub.s32 @!p0 $0x0, s1;
	[sflag:s0] =	ssyncset.done @!p0 $0x0  }
0x96: {  	[sflag:s0] =	ssyncadd.s32 @!p0 s1  }
0x97: {  	[bflag:$0x3] =	sbarrier.arrive $0xFFFF  }
0x98: {  	_ =	shalt  }

</sc_bundles>
